<compile_context>
chip_gen: v7x
topology: tpu7x:2x2x1
jax: 0.10.2.dev20260603
libtpu: 0.0.44.dev20260713+nightly
codegen_flags: <defaults>
</compile_context>

<pallas_src>
import functools
import math

import jax
import jax.numpy as jnp
from jax import lax
from jax.experimental import pallas as pl
from jax.experimental.pallas import tpu as pltpu
from jax.experimental.pallas import tpu_sc as plsc

N = 10000
E = 160000
D = 256
H = 128
C = 10
G = 8
EPS = 1e-5

NSUB = 16
K = 128
CH = 80
CHC = 40
CHH = 40
EPT = CH * K
EPAD = EPT * NSUB
ZROWS = 632
NACC = ZROWS * NSUB
WRT = 624
WTAIL = N - WRT * NSUB
BLK = 1000
BPAD = 10240


def _make_sc_kernel(count_mode):
    mesh = plsc.VectorSubcoreMesh(core_axis_name="c", subcore_axis_name="s")
    nch = CHC if count_mode else CH

    def body(*refs):
        if count_mode:
            dst2_hbm, out_hbm, didx, rows, acc, sem = refs
        else:
            (x_hbm, src2_hbm, dstp_hbm, out_hbm, sidx, didx, rows, rows1,
             acc, sem, sem1) = refs
        c = lax.axis_index("c")
        s = lax.axis_index("s")
        if count_mode:
            pltpu.sync_copy(dst2_hbm.at[c, s], didx)
        fill = jnp.full((16,), 1.0 if count_mode else 0.0, jnp.float32)
        zero = jnp.zeros((16,), jnp.float32)

        def frow(i, carry):
            for k2 in range(8):
                rows[i, pl.ds(k2 * 16, 16)] = zero
            return carry

        lax.fori_loop(0, K, frow, 0)
        for zo, zn in ((0, 128), (128, 128), (256, 128), (384, 128),
                       (512, ZROWS - 512)):
            pltpu.sync_copy(rows.at[pl.ds(0, zn)],
                            acc.at[pl.ds(s * ZROWS + zo, zn)])
        if count_mode:
            def orow(i, carry):
                for k2 in range(8):
                    rows[i, pl.ds(k2 * 16, 16)] = fill
                return carry

            lax.fori_loop(0, K, orow, 0)
        plsc.subcore_barrier()

        if count_mode:
            def chunk(j, carry):
                pltpu.sync_copy(rows, acc.at[didx.at[j]], add=True)
                return carry

            lax.fori_loop(0, nch, chunk, 0)
        else:
            nout = CHH // 2

            def half(hh, carry):
                pltpu.sync_copy(src2_hbm.at[c, s, pl.ds(hh * CHH, CHH)], sidx)
                pltpu.sync_copy(dstp_hbm.at[s, pl.ds(hh * CHH, CHH)], didx)
                pltpu.async_copy(x_hbm.at[sidx.at[0]], rows, sem)

                def outer(jj, carry2):
                    j0 = 2 * jj
                    j1 = j0 + 1
                    pltpu.async_copy(x_hbm.at[sidx.at[j1]], rows1, sem1)
                    pltpu.make_async_copy(x_hbm.at[sidx.at[j0]], rows,
                                          sem).wait()
                    pltpu.sync_copy(rows, acc.at[didx.at[j0]], add=True)

                    @pl.when(jj < nout - 1)
                    def _():
                        pltpu.async_copy(x_hbm.at[sidx.at[j0 + 2]], rows, sem)

                    pltpu.make_async_copy(x_hbm.at[sidx.at[j1]], rows1,
                                          sem1).wait()
                    pltpu.sync_copy(rows1, acc.at[didx.at[j1]], add=True)
                    return carry2

                lax.fori_loop(0, nout, outer, 0)
                return carry

            lax.fori_loop(0, CH // CHH, half, 0)
        plsc.subcore_barrier()
        base = s * WRT

        def wout(j, carry):
            wo = j * K
            pltpu.sync_copy(acc.at[pl.ds(base + wo, K)], rows)
            pltpu.sync_copy(rows, out_hbm.at[pl.ds(c * N + base + wo, K)])
            return carry

        lax.fori_loop(0, WRT // K, wout, 0)
        wt = WRT - (WRT // K) * K
        wo2 = (WRT // K) * K
        pltpu.sync_copy(acc.at[pl.ds(base + wo2, wt)], rows.at[pl.ds(0, wt)])
        pltpu.sync_copy(rows.at[pl.ds(0, wt)],
                        out_hbm.at[pl.ds(c * N + base + wo2, wt)])

        @pl.when(s == NSUB - 1)
        def _():
            tb = WRT * NSUB
            pltpu.sync_copy(acc.at[pl.ds(tb, WTAIL)], rows.at[pl.ds(0, WTAIL)])
            pltpu.sync_copy(rows.at[pl.ds(0, WTAIL)],
                            out_hbm.at[pl.ds(c * N + tb, WTAIL)])

    if count_mode:
        scratch = [
            pltpu.VMEM((nch, K), jnp.int32),
            pltpu.VMEM((K, H), jnp.float32),
            pltpu.VMEM_SHARED((NACC, H), jnp.float32),
            pltpu.SemaphoreType.DMA,
        ]
    else:
        scratch = [
            pltpu.VMEM((CHH, K), jnp.int32),
            pltpu.VMEM((CHH, K), jnp.int32),
            pltpu.VMEM((K, H), jnp.float32),
            pltpu.VMEM((K, H), jnp.float32),
            pltpu.VMEM_SHARED((NACC, H), jnp.float32),
            pltpu.SemaphoreType.DMA,
            pltpu.SemaphoreType.DMA,
        ]
    return pl.kernel(
        body,
        out_type=jax.ShapeDtypeStruct((2 * N, H), jnp.float32),
        mesh=mesh,
        scratch_types=scratch,
    )


def _dense1_body(agg_ref, cnt_ref, x_ref, wl_ref, wc_ref, sc_ref, sh_ref,
                 o_ref):
    inv = 1.0 / jnp.maximum(cnt_ref[0][:, 0:1] + cnt_ref[1][:, 0:1], 1.0)
    mean = jnp.concatenate([agg_ref[0], agg_ref[1]], axis=1) * inv
    xf = jnp.concatenate([x_ref[0], x_ref[1]], axis=1)
    y = (jnp.dot(mean, wl_ref[...], preferred_element_type=jnp.float32)
         + jnp.dot(xf, wc_ref[...], preferred_element_type=jnp.float32))
    out = jnp.maximum(y * sc_ref[...] + sh_ref[...], 0.0)
    o_ref[0] = out[:, :H]
    o_ref[1] = out[:, H:]


def _dense2_body(agg_ref, cnt_ref, h_ref, wl_ref, wc_ref, sc_ref, sh_ref,
                 wih_ref, bias_ref, z_ref):
    inv = 1.0 / jnp.maximum(cnt_ref[0][:, 0:1] + cnt_ref[1][:, 0:1], 1.0)
    mean = jnp.concatenate([agg_ref[0], agg_ref[1]], axis=1) * inv
    hf = jnp.concatenate([h_ref[0], h_ref[1]], axis=1)
    y = (jnp.dot(mean, wl_ref[...], preferred_element_type=jnp.float32)
         + jnp.dot(hf, wc_ref[...], preferred_element_type=jnp.float32))
    h2 = jnp.maximum(y * sc_ref[...] + sh_ref[...], 0.0)
    z_ref[...] = (jnp.dot(h2, wih_ref[...], preferred_element_type=jnp.float32)
                  + bias_ref[...])


def _lstm_body(z_ref, batch_ref, whh_ref, w1_ref, b1_ref, w2_ref, b2_ref,
               out_ref):
    bt = batch_ref[...]
    lens = []
    starts = []
    acc = jnp.int32(0)
    for g in range(G):
        lg = jnp.sum(jnp.where(bt == g, 1, 0).astype(jnp.int32))
        starts.append(acc)
        lens.append(lg)
        acc = acc + lg
    maxlen = lens[0]
    for g in range(1, G):
        maxlen = jnp.maximum(maxlen, lens[g])
    lenmat = jnp.concatenate(
        [jnp.full((1, H), lens[g], jnp.int32) for g in range(G)], axis=0)

    def load_xt(t):
        rows = []
        for g in range(G):
            idx = starts[g] + jnp.minimum(t, lens[g] - 1)
            idx = jnp.minimum(jnp.maximum(idx, 0), N - 1)
            rows.append(z_ref[pl.ds(idx, 1), :])
        return jnp.concatenate(rows, axis=0)

    def step(t, carry):
        h, c, xt = carry
        zt = xt + jnp.dot(h, whh_ref[...], preferred_element_type=jnp.float32)
        ig = jax.nn.sigmoid(zt[:, 0:H])
        fg = jax.nn.sigmoid(zt[:, H:2 * H])
        gg = jnp.tanh(zt[:, 2 * H:3 * H])
        og = jax.nn.sigmoid(zt[:, 3 * H:4 * H])
        cn = fg * c + ig * gg
        hn = og * jnp.tanh(cn)
        mask = lenmat > t
        h = jnp.where(mask, hn, h)
        c = jnp.where(mask, cn, c)
        return (h, c, load_xt(t + 1))

    h0 = jnp.zeros((G, H), jnp.float32)
    c0 = jnp.zeros((G, H), jnp.float32)
    h, _, _ = lax.fori_loop(0, maxlen, step,
                            (h0, c0, load_xt(jnp.int32(0))))
    hid = jnp.maximum(
        jnp.dot(h, w1_ref[...], preferred_element_type=jnp.float32)
        + b1_ref[...], 0.0)
    out_ref[...] = (jnp.dot(hid, w2_ref[...], preferred_element_type=jnp.float32)
                    + b2_ref[...])


def kernel(x, edge_index, batch, Wl0, bl0, Wr0, Wres0, g0, be0, Wl1, bl1, Wr1,
           Wres1, g1, be1, W_ih, W_hh, b_ih, b_hh, W1, b1, W2, b2):
    f32 = jnp.float32
    src = edge_index[0]
    dst = edge_index[1]
    pad = EPAD - E
    srcp = jnp.concatenate([src, jnp.zeros((pad,), jnp.int32)])
    src2 = jnp.stack([srcp, srcp + N]).reshape(2, NSUB, CH, K)
    dstp = jnp.concatenate([dst, jnp.full((pad,), N, jnp.int32)]
                           ).reshape(NSUB, CH, K)
    x2 = x.reshape(N, 2, H).transpose(1, 0, 2).reshape(2 * N, H)

    dst2 = dstp.reshape(2, NSUB, CHC, K)

    agg = _make_sc_kernel(False)
    cntk = _make_sc_kernel(True)

    cnt = cntk(dst2).reshape(2, N, H)
    agg0 = agg(x2, src2, dstp)

    rs = 1.0 / math.sqrt(1.0 + EPS)
    scale0 = (g0 * rs).reshape(1, D)
    shift0 = (g0 * rs * bl0 + be0).reshape(1, D)
    scale1 = (g1 * rs).reshape(1, D)
    shift1 = (g1 * rs * bl1 + be1).reshape(1, D)
    Wl0T = Wl0.T
    Wc0T = (Wr0 + Wres0).T
    Wl1T = Wl1.T
    Wc1T = (Wr1 + Wres1).T
    WihT = W_ih.T
    bias2 = (b_ih + b_hh).reshape(1, 4 * H)
    WhhT = W_hh.T
    W1T = W1.T
    W2T = W2.T

    nblk = N // BLK
    split_spec = pl.BlockSpec((2, BLK, H), lambda i: (0, i, 0))
    cnt_spec = split_spec
    w_spec = pl.BlockSpec((D, D), lambda i: (0, 0))
    v_spec = pl.BlockSpec((1, D), lambda i: (0, 0))

    h1 = pl.pallas_call(
        _dense1_body,
        grid=(nblk,),
        in_specs=[split_spec, cnt_spec, split_spec, w_spec, w_spec, v_spec,
                  v_spec],
        out_specs=split_spec,
        out_shape=jax.ShapeDtypeStruct((2, N, H), f32),
    )(agg0.reshape(2, N, H), cnt, x2.reshape(2, N, H), Wl0T, Wc0T, scale0,
      shift0)

    agg1 = agg(h1.reshape(2 * N, H), src2, dstp)

    z = pl.pallas_call(
        _dense2_body,
        grid=(nblk,),
        in_specs=[split_spec, cnt_spec, split_spec, w_spec, w_spec, v_spec,
                  v_spec, pl.BlockSpec((D, 4 * H), lambda i: (0, 0)),
                  pl.BlockSpec((1, 4 * H), lambda i: (0, 0))],
        out_specs=pl.BlockSpec((BLK, 4 * H), lambda i: (i, 0)),
        out_shape=jax.ShapeDtypeStruct((N, 4 * H), f32),
    )(agg1.reshape(2, N, H), cnt, h1.reshape(2, N, H), Wl1T, Wc1T, scale1,
      shift1, WihT, bias2)

    batch_pad = jnp.concatenate(
        [batch, jnp.full((BPAD - N,), G, jnp.int32)]).reshape(BPAD // 128, 128)

    out = pl.pallas_call(
        _lstm_body,
        out_shape=jax.ShapeDtypeStruct((G, C), f32),
    )(z, batch_pad, WhhT, W1T, b1.reshape(1, 64), W2T, b2.reshape(1, C))
    return out

# --- scband reference (transcript-rebuilt; emitter-appended) ---
"""Pipeline reference for scband-sage-lstm-30202210025891 (READ-ONLY COPY).

The authoritative reference and input builder live on the scoring server;
editing this copy changes nothing except your own understanding.
"""

import jax, jax.numpy as jnp
import numpy as np

N = 10000
E = 160000
D = 256
H = 128
C = 10
G = 8
EPS = 1e-5


def _lstm_last(seq, W_ih, W_hh, b_ih, b_hh):
    def step(carry, x_t):
        h, c = carry
        z = x_t @ W_ih.T + b_ih + h @ W_hh.T + b_hh
        i, f, g, o = jnp.split(z, 4)
        i = jax.nn.sigmoid(i)
        f = jax.nn.sigmoid(f)
        g = jnp.tanh(g)
        o = jax.nn.sigmoid(o)
        c = f * c + i * g
        h = o * jnp.tanh(c)
        return (h, c), None
    init = (jnp.zeros((H,), seq.dtype), jnp.zeros((H,), seq.dtype))
    (h, c), _ = jax.lax.scan(step, init, seq)
    return h


def _sage_block(x, src, dst, Wl, bl, Wr, Wres, gamma, beta):
    # PyG SAGEConv (mean aggr): lin_l(mean of neighbor msgs) + lin_r(x)
    agg = jax.ops.segment_sum(x[src], dst, num_segments=N)
    cnt = jax.ops.segment_sum(jnp.ones((E,), x.dtype), dst, num_segments=N)
    mean = agg / jnp.clip(cnt, 1.0)[:, None]
    out = mean @ Wl.T + bl + x @ Wr.T
    # residual linear (bias=False)
    out = out + x @ Wres.T
    # BatchNorm1d in eval mode: running_mean=0, running_var=1
    out = gamma * (out / jnp.sqrt(1.0 + EPS)) + beta
    return jax.nn.relu(out)


def setup_inputs(seed: int = 0) -> dict:
    key = jax.random.key(seed)
    ks = jax.random.split(key, 32)
    s = 0.05
    inp = {}
    inp["x"] = jax.random.normal(ks[0], (N, D), dtype=jnp.float32)
    inp["edge_index"] = jax.random.randint(ks[1], (2, E), 0, N, dtype=jnp.int32)
    inp["batch"] = jnp.sort(jax.random.randint(ks[2], (N,), 0, G, dtype=jnp.int32))
    # SAGE block 0 params
    inp["Wl0"] = jax.random.normal(ks[3], (D, D), jnp.float32) * s
    inp["bl0"] = jnp.zeros((D,), jnp.float32)
    inp["Wr0"] = jax.random.normal(ks[4], (D, D), jnp.float32) * s
    inp["Wres0"] = jax.random.normal(ks[5], (D, D), jnp.float32) * s
    inp["g0"] = jnp.ones((D,), jnp.float32)
    inp["be0"] = jnp.zeros((D,), jnp.float32)
    # SAGE block 1 params
    inp["Wl1"] = jax.random.normal(ks[6], (D, D), jnp.float32) * s
    inp["bl1"] = jnp.zeros((D,), jnp.float32)
    inp["Wr1"] = jax.random.normal(ks[7], (D, D), jnp.float32) * s
    inp["Wres1"] = jax.random.normal(ks[8], (D, D), jnp.float32) * s
    inp["g1"] = jnp.ones((D,), jnp.float32)
    inp["be1"] = jnp.zeros((D,), jnp.float32)
    # LSTM params (torch gate order: i, f, g, o)
    inp["W_ih"] = jax.random.normal(ks[9], (4 * H, D), jnp.float32) * s
    inp["W_hh"] = jax.random.normal(ks[10], (4 * H, H), jnp.float32) * s
    inp["b_ih"] = jnp.zeros((4 * H,), jnp.float32)
    inp["b_hh"] = jnp.zeros((4 * H,), jnp.float32)
    # MLP params
    inp["W1"] = jax.random.normal(ks[11], (64, H), jnp.float32) * s
    inp["b1"] = jnp.zeros((64,), jnp.float32)
    inp["W2"] = jax.random.normal(ks[12], (C, 64), jnp.float32) * s
    inp["b2"] = jnp.zeros((C,), jnp.float32)
    return inp


def reference(x, edge_index, batch, Wl0, bl0, Wr0, Wres0, g0, be0, Wl1, bl1, Wr1, Wres1, g1, be1, W_ih, W_hh, b_ih, b_hh, W1, b1, W2, b2):
    src = edge_index[0]
    dst = edge_index[1]
    h = _sage_block(x, src, dst, Wl0, bl0, Wr0, Wres0, g0, be0)
    h = _sage_block(h, src, dst, Wl1, bl1, Wr1, Wres1, g1, be1)
    # batch is sorted -> contiguous per-graph node slices; run one scan over all
    # nodes, resetting the LSTM carry at segment boundaries and recording the
    # hidden state into a per-graph buffer (last write per graph = last state)
    def step(carry, inp_t):
        hs, cs, prev_b, pooled = carry
        x_t, b_t = inp_t
        new_seg = b_t != prev_b
        hs = jnp.where(new_seg, 0.0, hs)
        cs = jnp.where(new_seg, 0.0, cs)
        z = x_t @ W_ih.T + b_ih + hs @ W_hh.T + b_hh
        i, f, g, o = jnp.split(z, 4)
        i = jax.nn.sigmoid(i)
        f = jax.nn.sigmoid(f)
        g = jnp.tanh(g)
        o = jax.nn.sigmoid(o)
        cs = f * cs + i * g
        hs = o * jnp.tanh(cs)
        pooled = pooled.at[b_t].set(hs)
        return (hs, cs, b_t, pooled), None
    init = (
        jnp.zeros((H,), h.dtype),
        jnp.zeros((H,), h.dtype),
        jnp.int32(-1),
        jnp.zeros((G, H), h.dtype),
    )
    (_, _, _, xp), _ = jax.lax.scan(step, init, (h, batch))
    z = jax.nn.relu(xp @ W1.T + b1)
    return z @ W2.T + b2

if __name__ == "__main__":
    import jax
    _d = setup_inputs()
    print(jax.jit(kernel)(*tuple(_d.values())))

</pallas_src>

<mosaic_0001>
#map = affine_map<(d0, d1) -> (0, 0)>
#map1 = affine_map<(d0, d1) -> (0, 0, 0, 0)>
#map2 = affine_map<(d0, d1) -> (0, 0, 0)>
module attributes {stable_mosaic.version = 14 : i64} {
  func.func @body(%arg0: i32, %arg1: i32, %arg2: memref<20000x128xf32, #tpu.memory_space<hbm>>, %arg3: memref<2x16x80x128xi32, #tpu.memory_space<hbm>>, %arg4: memref<16x80x128xi32, #tpu.memory_space<hbm>>, %arg5: memref<20000x128xf32, #tpu.memory_space<hbm>>, %arg6: memref<40x128xi32, #tpu.memory_space<vmem>>, %arg7: memref<40x128xi32, #tpu.memory_space<vmem>>, %arg8: memref<128x128xf32, #tpu.memory_space<vmem>>, %arg9: memref<128x128xf32, #tpu.memory_space<vmem>>, %arg10: memref<10112x128xf32, #tpu.memory_space<vmem_shared>>, %arg11: memref<!tpu.dma_semaphore, #tpu.memory_space<semaphore_mem>>, %arg12: memref<!tpu.dma_semaphore, #tpu.memory_space<semaphore_mem>>) attributes {dimension_semantics = [#tpu.dimension_semantics<core_parallel>, #tpu.dimension_semantics<subcore_parallel>], iteration_bounds = array<i64: 2, 16>, scalar_prefetch = 0 : i64, scratch_operands = 7 : i64, tpu.core_type = #tpu.core_type<sc_vector_subcore>, window_params = [{transform_indices = #map}, {transform_indices = #map1}, {transform_indices = #map2}, {transform_indices = #map}]} {
    %broadcast_in_dim3A = arith.constant 0.000000e+00 : f32
    %broadcast_in_dim3A_0 = vector.broadcast %broadcast_in_dim3A : f32 to vector<16xf32>
    %broadcast_in_dim3A_1 = arith.constant 0.000000e+00 : f32
    %broadcast_in_dim3A_2 = vector.broadcast %broadcast_in_dim3A_1 : f32 to vector<16xf32>
    %scan3A = arith.constant 0 : i32
    %scan3A_3 = arith.constant 0 : i32
    %scan3A_4 = arith.constant 128 : i32
    %scan3A_5 = arith.addi %scan3A_3, %scan3A_4 : i32
    %scan3A_6 = arith.constant 1 : i32
    scf.for %scan3A_50 = %scan3A_3 to %scan3A_5 step %scan3A_6  : i32 {
      %swap3A = arith.index_cast %scan3A_50 : i32 to index
      %swap3A_51 = arith.constant 0 : index
      %swap3A_52 = tpu.vector_load %arg8[%swap3A, %swap3A_51] {strides = array<i32>} : memref<128x128xf32, #tpu.memory_space<vmem>>, vector<1x16xf32>,
      %swap3A_53 = vector.shape_cast %swap3A_52 : vector<1x16xf32> to vector<16xf32>
      %swap3A_54 = vector.shape_cast %broadcast_in_dim3A_2 : vector<16xf32> to vector<1x16xf32>
      tpu.vector_store %arg8[%swap3A, %swap3A_51], %swap3A_54 {strides = array<i32>} : memref<128x128xf32, #tpu.memory_space<vmem>>, vector<1x16xf32>,
      %swap3A_55 = arith.index_cast %scan3A_50 : i32 to index
      %swap3A_56 = arith.constant 16 : index
      %swap3A_57 = tpu.vector_load %arg8[%swap3A_55, %swap3A_56] {strides = array<i32>} : memref<128x128xf32, #tpu.memory_space<vmem>>, vector<1x16xf32>,
      %swap3A_58 = vector.shape_cast %swap3A_57 : vector<1x16xf32> to vector<16xf32>
      %swap3A_59 = vector.shape_cast %broadcast_in_dim3A_2 : vector<16xf32> to vector<1x16xf32>
      tpu.vector_store %arg8[%swap3A_55, %swap3A_56], %swap3A_59 {strides = array<i32>} : memref<128x128xf32, #tpu.memory_space<vmem>>, vector<1x16xf32>,
      %swap3A_60 = arith.index_cast %scan3A_50 : i32 to index
      %swap3A_61 = arith.constant 32 : index
      %swap3A_62 = tpu.vector_load %arg8[%swap3A_60, %swap3A_61] {strides = array<i32>} : memref<128x128xf32, #tpu.memory_space<vmem>>, vector<1x16xf32>,
      %swap3A_63 = vector.shape_cast %swap3A_62 : vector<1x16xf32> to vector<16xf32>
      %swap3A_64 = vector.shape_cast %broadcast_in_dim3A_2 : vector<16xf32> to vector<1x16xf32>
      tpu.vector_store %arg8[%swap3A_60, %swap3A_61], %swap3A_64 {strides = array<i32>} : memref<128x128xf32, #tpu.memory_space<vmem>>, vector<1x16xf32>,
      %swap3A_65 = arith.index_cast %scan3A_50 : i32 to index
      %swap3A_66 = arith.constant 48 : index
      %swap3A_67 = tpu.vector_load %arg8[%swap3A_65, %swap3A_66] {strides = array<i32>} : memref<128x128xf32, #tpu.memory_space<vmem>>, vector<1x16xf32>,
      %swap3A_68 = vector.shape_cast %swap3A_67 : vector<1x16xf32> to vector<16xf32>
      %swap3A_69 = vector.shape_cast %broadcast_in_dim3A_2 : vector<16xf32> to vector<1x16xf32>
      tpu.vector_store %arg8[%swap3A_65, %swap3A_66], %swap3A_69 {strides = array<i32>} : memref<128x128xf32, #tpu.memory_space<vmem>>, vector<1x16xf32>,
      %swap3A_70 = arith.index_cast %scan3A_50 : i32 to index
      %swap3A_71 = arith.constant 64 : index
      %swap3A_72 = tpu.vector_load %arg8[%swap3A_70, %swap3A_71] {strides = array<i32>} : memref<128x128xf32, #tpu.memory_space<vmem>>, vector<1x16xf32>,
      %swap3A_73 = vector.shape_cast %swap3A_72 : vector<1x16xf32> to vector<16xf32>
      %swap3A_74 = vector.shape_cast %broadcast_in_dim3A_2 : vector<16xf32> to vector<1x16xf32>
      tpu.vector_store %arg8[%swap3A_70, %swap3A_71], %swap3A_74 {strides = array<i32>} : memref<128x128xf32, #tpu.memory_space<vmem>>, vector<1x16xf32>,
      %swap3A_75 = arith.index_cast %scan3A_50 : i32 to index
      %swap3A_76 = arith.constant 80 : index
      %swap3A_77 = tpu.vector_load %arg8[%swap3A_75, %swap3A_76] {strides = array<i32>} : memref<128x128xf32, #tpu.memory_space<vmem>>, vector<1x16xf32>,
      %swap3A_78 = vector.shape_cast %swap3A_77 : vector<1x16xf32> to vector<16xf32>
      %swap3A_79 = vector.shape_cast %broadcast_in_dim3A_2 : vector<16xf32> to vector<1x16xf32>
      tpu.vector_store %arg8[%swap3A_75, %swap3A_76], %swap3A_79 {strides = array<i32>} : memref<128x128xf32, #tpu.memory_space<vmem>>, vector<1x16xf32>,
      %swap3A_80 = arith.index_cast %scan3A_50 : i32 to index
      %swap3A_81 = arith.constant 96 : index
      %swap3A_82 = tpu.vector_load %arg8[%swap3A_80, %swap3A_81] {strides = array<i32>} : memref<128x128xf32, #tpu.memory_space<vmem>>, vector<1x16xf32>,
      %swap3A_83 = vector.shape_cast %swap3A_82 : vector<1x16xf32> to vector<16xf32>
      %swap3A_84 = vector.shape_cast %broadcast_in_dim3A_2 : vector<16xf32> to vector<1x16xf32>
      tpu.vector_store %arg8[%swap3A_80, %swap3A_81], %swap3A_84 {strides = array<i32>} : memref<128x128xf32, #tpu.memory_space<vmem>>, vector<1x16xf32>,
      %swap3A_85 = arith.index_cast %scan3A_50 : i32 to index
      %swap3A_86 = arith.constant 112 : index
      %swap3A_87 = tpu.vector_load %arg8[%swap3A_85, %swap3A_86] {strides = array<i32>} : memref<128x128xf32, #tpu.memory_space<vmem>>, vector<1x16xf32>,
      %swap3A_88 = vector.shape_cast %swap3A_87 : vector<1x16xf32> to vector<16xf32>
      %swap3A_89 = vector.shape_cast %broadcast_in_dim3A_2 : vector<16xf32> to vector<1x16xf32>
      tpu.vector_store %arg8[%swap3A_85, %swap3A_86], %swap3A_89 {strides = array<i32>} : memref<128x128xf32, #tpu.memory_space<vmem>>, vector<1x16xf32>,
    }
    %scan3A_7 = arith.constant 128 : i32
    %mul3A = arith.constant 632 : i32
    %mul3A_8 = arith.muli %arg1, %mul3A : i32
    %add3A = arith.constant 0 : i32
    %add3A_9 = arith.addi %mul3A_8, %add3A : i32
    "tpu.region"() ({
      %run_scoped3A = tpu.sem_alloc : memref<!tpu.dma_semaphore, #tpu.memory_space<semaphore_mem>>
      %dma_start3A = arith.constant 0 : i32
      %dma_start3A_50 = arith.constant 0 : i32
      %dma_start3A_51 = tpu.memref_slice %arg8[%dma_start3A, %dma_start3A_50] : memref<128x128xf32, #tpu.memory_space<vmem>> -> memref<128x128xf32, #tpu.memory_space<vmem>>
      %dma_start3A_52 = arith.constant 0 : i32
      %dma_start3A_53 = tpu.memref_slice %arg10[%add3A_9, %dma_start3A_52] : memref<10112x128xf32, #tpu.memory_space<vmem_shared>> -> memref<128x128xf32, #tpu.memory_space<vmem_shared>>
      %dma_start3A_54 = arith.constant 0 : i32
      %dma_start3A_55 = tpu.memref_slice %arg10[%add3A_9, %dma_start3A_54] : memref<10112x128xf32, #tpu.memory_space<vmem_shared>> -> memref<128x128xf32, #tpu.memory_space<vmem_shared>>
      %dma_start3A_56 = arith.constant 0 : i32
      %dma_start3A_57 = arith.constant 0 : i32
      %dma_start3A_58 = tpu.memref_slice %arg8[%dma_start3A_56, %dma_start3A_57] : memref<128x128xf32, #tpu.memory_space<vmem>> -> memref<128x128xf32, #tpu.memory_space<vmem>>
      tpu.enqueue_dma source(%dma_start3A_58 : memref<128x128xf32, #tpu.memory_space<vmem>>) target(%dma_start3A_55 : memref<128x128xf32, #tpu.memory_space<vmem_shared>>) target_semaphore(%run_scoped3A : memref<!tpu.dma_semaphore, #tpu.memory_space<semaphore_mem>>)
      %dma_wait3A = arith.constant 0 : i32
      %dma_wait3A_59 = arith.constant 0 : i32
      %dma_wait3A_60 = tpu.memref_slice %arg8[%dma_wait3A, %dma_wait3A_59] : memref<128x128xf32, #tpu.memory_space<vmem>> -> memref<128x128xf32, #tpu.memory_space<vmem>>
      %dma_wait3A_61 = arith.constant 0 : i32
      %dma_wait3A_62 = tpu.memref_slice %arg10[%add3A_9, %dma_wait3A_61] : memref<10112x128xf32, #tpu.memory_space<vmem_shared>> -> memref<128x128xf32, #tpu.memory_space<vmem_shared>>
      %dma_wait3A_63 = arith.constant 0 : i32
      %dma_wait3A_64 = tpu.memref_slice %arg10[%add3A_9, %dma_wait3A_63] : memref<10112x128xf32, #tpu.memory_space<vmem_shared>> -> memref<128x128xf32, #tpu.memory_space<vmem_shared>>
      %dma_wait3A_65 = arith.constant 0 : i32
      %dma_wait3A_66 = arith.constant 0 : i32
      %dma_wait3A_67 = tpu.memref_slice %arg8[%dma_wait3A_65, %dma_wait3A_66] : memref<128x128xf32, #tpu.memory_space<vmem>> -> memref<128x128xf32, #tpu.memory_space<vmem>>
      tpu.wait_dma2 semaphore(%run_scoped3A : memref<!tpu.dma_semaphore, #tpu.memory_space<semaphore_mem>>) src(%dma_wait3A_67 : memref<128x128xf32, #tpu.memory_space<vmem>>) dst(%dma_wait3A_64 : memref<128x128xf32, #tpu.memory_space<vmem_shared>>)
      tpu.yield
    }) : () -> ()
    %mul3A_10 = arith.constant 632 : i32
    %mul3A_11 = arith.muli %arg1, %mul3A_10 : i32
    %add3A_12 = arith.constant 128 : i32
    %add3A_13 = arith.addi %mul3A_11, %add3A_12 : i32
    "tpu.region"() ({
      %run_scoped3A = tpu.sem_alloc : memref<!tpu.dma_semaphore, #tpu.memory_space<semaphore_mem>>
      %dma_start3A = arith.constant 0 : i32
      %dma_start3A_50 = arith.constant 0 : i32
      %dma_start3A_51 = tpu.memref_slice %arg8[%dma_start3A, %dma_start3A_50] : memref<128x128xf32, #tpu.memory_space<vmem>> -> memref<128x128xf32, #tpu.memory_space<vmem>>
      %dma_start3A_52 = arith.constant 0 : i32
      %dma_start3A_53 = tpu.memref_slice %arg10[%add3A_13, %dma_start3A_52] : memref<10112x128xf32, #tpu.memory_space<vmem_shared>> -> memref<128x128xf32, #tpu.memory_space<vmem_shared>>
      %dma_start3A_54 = arith.constant 0 : i32
      %dma_start3A_55 = tpu.memref_slice %arg10[%add3A_13, %dma_start3A_54] : memref<10112x128xf32, #tpu.memory_space<vmem_shared>> -> memref<128x128xf32, #tpu.memory_space<vmem_shared>>
      %dma_start3A_56 = arith.constant 0 : i32
      %dma_start3A_57 = arith.constant 0 : i32
      %dma_start3A_58 = tpu.memref_slice %arg8[%dma_start3A_56, %dma_start3A_57] : memref<128x128xf32, #tpu.memory_space<vmem>> -> memref<128x128xf32, #tpu.memory_space<vmem>>
      tpu.enqueue_dma source(%dma_start3A_58 : memref<128x128xf32, #tpu.memory_space<vmem>>) target(%dma_start3A_55 : memref<128x128xf32, #tpu.memory_space<vmem_shared>>) target_semaphore(%run_scoped3A : memref<!tpu.dma_semaphore, #tpu.memory_space<semaphore_mem>>)
      %dma_wait3A = arith.constant 0 : i32
      %dma_wait3A_59 = arith.constant 0 : i32
      %dma_wait3A_60 = tpu.memref_slice %arg8[%dma_wait3A, %dma_wait3A_59] : memref<128x128xf32, #tpu.memory_space<vmem>> -> memref<128x128xf32, #tpu.memory_space<vmem>>
      %dma_wait3A_61 = arith.constant 0 : i32
      %dma_wait3A_62 = tpu.memref_slice %arg10[%add3A_13, %dma_wait3A_61] : memref<10112x128xf32, #tpu.memory_space<vmem_shared>> -> memref<128x128xf32, #tpu.memory_space<vmem_shared>>
      %dma_wait3A_63 = arith.constant 0 : i32
      %dma_wait3A_64 = tpu.memref_slice %arg10[%add3A_13, %dma_wait3A_63] : memref<10112x128xf32, #tpu.memory_space<vmem_shared>> -> memref<128x128xf32, #tpu.memory_space<vmem_shared>>
      %dma_wait3A_65 = arith.constant 0 : i32
      %dma_wait3A_66 = arith.constant 0 : i32
      %dma_wait3A_67 = tpu.memref_slice %arg8[%dma_wait3A_65, %dma_wait3A_66] : memref<128x128xf32, #tpu.memory_space<vmem>> -> memref<128x128xf32, #tpu.memory_space<vmem>>
      tpu.wait_dma2 semaphore(%run_scoped3A : memref<!tpu.dma_semaphore, #tpu.memory_space<semaphore_mem>>) src(%dma_wait3A_67 : memref<128x128xf32, #tpu.memory_space<vmem>>) dst(%dma_wait3A_64 : memref<128x128xf32, #tpu.memory_space<vmem_shared>>)
      tpu.yield
    }) : () -> ()
    %mul3A_14 = arith.constant 632 : i32
    %mul3A_15 = arith.muli %arg1, %mul3A_14 : i32
    %add3A_16 = arith.constant 256 : i32
    %add3A_17 = arith.addi %mul3A_15, %add3A_16 : i32
    "tpu.region"() ({
      %run_scoped3A = tpu.sem_alloc : memref<!tpu.dma_semaphore, #tpu.memory_space<semaphore_mem>>
      %dma_start3A = arith.constant 0 : i32
      %dma_start3A_50 = arith.constant 0 : i32
      %dma_start3A_51 = tpu.memref_slice %arg8[%dma_start3A, %dma_start3A_50] : memref<128x128xf32, #tpu.memory_space<vmem>> -> memref<128x128xf32, #tpu.memory_space<vmem>>
      %dma_start3A_52 = arith.constant 0 : i32
      %dma_start3A_53 = tpu.memref_slice %arg10[%add3A_17, %dma_start3A_52] : memref<10112x128xf32, #tpu.memory_space<vmem_shared>> -> memref<128x128xf32, #tpu.memory_space<vmem_shared>>
      %dma_start3A_54 = arith.constant 0 : i32
      %dma_start3A_55 = tpu.memref_slice %arg10[%add3A_17, %dma_start3A_54] : memref<10112x128xf32, #tpu.memory_space<vmem_shared>> -> memref<128x128xf32, #tpu.memory_space<vmem_shared>>
      %dma_start3A_56 = arith.constant 0 : i32
      %dma_start3A_57 = arith.constant 0 : i32
      %dma_start3A_58 = tpu.memref_slice %arg8[%dma_start3A_56, %dma_start3A_57] : memref<128x128xf32, #tpu.memory_space<vmem>> -> memref<128x128xf32, #tpu.memory_space<vmem>>
      tpu.enqueue_dma source(%dma_start3A_58 : memref<128x128xf32, #tpu.memory_space<vmem>>) target(%dma_start3A_55 : memref<128x128xf32, #tpu.memory_space<vmem_shared>>) target_semaphore(%run_scoped3A : memref<!tpu.dma_semaphore, #tpu.memory_space<semaphore_mem>>)
      %dma_wait3A = arith.constant 0 : i32
      %dma_wait3A_59 = arith.constant 0 : i32
      %dma_wait3A_60 = tpu.memref_slice %arg8[%dma_wait3A, %dma_wait3A_59] : memref<128x128xf32, #tpu.memory_space<vmem>> -> memref<128x128xf32, #tpu.memory_space<vmem>>
      %dma_wait3A_61 = arith.constant 0 : i32
      %dma_wait3A_62 = tpu.memref_slice %arg10[%add3A_17, %dma_wait3A_61] : memref<10112x128xf32, #tpu.memory_space<vmem_shared>> -> memref<128x128xf32, #tpu.memory_space<vmem_shared>>
      %dma_wait3A_63 = arith.constant 0 : i32
      %dma_wait3A_64 = tpu.memref_slice %arg10[%add3A_17, %dma_wait3A_63] : memref<10112x128xf32, #tpu.memory_space<vmem_shared>> -> memref<128x128xf32, #tpu.memory_space<vmem_shared>>
      %dma_wait3A_65 = arith.constant 0 : i32
      %dma_wait3A_66 = arith.constant 0 : i32
      %dma_wait3A_67 = tpu.memref_slice %arg8[%dma_wait3A_65, %dma_wait3A_66] : memref<128x128xf32, #tpu.memory_space<vmem>> -> memref<128x128xf32, #tpu.memory_space<vmem>>
      tpu.wait_dma2 semaphore(%run_scoped3A : memref<!tpu.dma_semaphore, #tpu.memory_space<semaphore_mem>>) src(%dma_wait3A_67 : memref<128x128xf32, #tpu.memory_space<vmem>>) dst(%dma_wait3A_64 : memref<128x128xf32, #tpu.memory_space<vmem_shared>>)
      tpu.yield
    }) : () -> ()
    %mul3A_18 = arith.constant 632 : i32
    %mul3A_19 = arith.muli %arg1, %mul3A_18 : i32
    %add3A_20 = arith.constant 384 : i32
    %add3A_21 = arith.addi %mul3A_19, %add3A_20 : i32
    "tpu.region"() ({
      %run_scoped3A = tpu.sem_alloc : memref<!tpu.dma_semaphore, #tpu.memory_space<semaphore_mem>>
      %dma_start3A = arith.constant 0 : i32
      %dma_start3A_50 = arith.constant 0 : i32
      %dma_start3A_51 = tpu.memref_slice %arg8[%dma_start3A, %dma_start3A_50] : memref<128x128xf32, #tpu.memory_space<vmem>> -> memref<128x128xf32, #tpu.memory_space<vmem>>
      %dma_start3A_52 = arith.constant 0 : i32
      %dma_start3A_53 = tpu.memref_slice %arg10[%add3A_21, %dma_start3A_52] : memref<10112x128xf32, #tpu.memory_space<vmem_shared>> -> memref<128x128xf32, #tpu.memory_space<vmem_shared>>
      %dma_start3A_54 = arith.constant 0 : i32
      %dma_start3A_55 = tpu.memref_slice %arg10[%add3A_21, %dma_start3A_54] : memref<10112x128xf32, #tpu.memory_space<vmem_shared>> -> memref<128x128xf32, #tpu.memory_space<vmem_shared>>
      %dma_start3A_56 = arith.constant 0 : i32
      %dma_start3A_57 = arith.constant 0 : i32
      %dma_start3A_58 = tpu.memref_slice %arg8[%dma_start3A_56, %dma_start3A_57] : memref<128x128xf32, #tpu.memory_space<vmem>> -> memref<128x128xf32, #tpu.memory_space<vmem>>
      tpu.enqueue_dma source(%dma_start3A_58 : memref<128x128xf32, #tpu.memory_space<vmem>>) target(%dma_start3A_55 : memref<128x128xf32, #tpu.memory_space<vmem_shared>>) target_semaphore(%run_scoped3A : memref<!tpu.dma_semaphore, #tpu.memory_space<semaphore_mem>>)
      %dma_wait3A = arith.constant 0 : i32
      %dma_wait3A_59 = arith.constant 0 : i32
      %dma_wait3A_60 = tpu.memref_slice %arg8[%dma_wait3A, %dma_wait3A_59] : memref<128x128xf32, #tpu.memory_space<vmem>> -> memref<128x128xf32, #tpu.memory_space<vmem>>
      %dma_wait3A_61 = arith.constant 0 : i32
      %dma_wait3A_62 = tpu.memref_slice %arg10[%add3A_21, %dma_wait3A_61] : memref<10112x128xf32, #tpu.memory_space<vmem_shared>> -> memref<128x128xf32, #tpu.memory_space<vmem_shared>>
      %dma_wait3A_63 = arith.constant 0 : i32
      %dma_wait3A_64 = tpu.memref_slice %arg10[%add3A_21, %dma_wait3A_63] : memref<10112x128xf32, #tpu.memory_space<vmem_shared>> -> memref<128x128xf32, #tpu.memory_space<vmem_shared>>
      %dma_wait3A_65 = arith.constant 0 : i32
      %dma_wait3A_66 = arith.constant 0 : i32
      %dma_wait3A_67 = tpu.memref_slice %arg8[%dma_wait3A_65, %dma_wait3A_66] : memref<128x128xf32, #tpu.memory_space<vmem>> -> memref<128x128xf32, #tpu.memory_space<vmem>>
      tpu.wait_dma2 semaphore(%run_scoped3A : memref<!tpu.dma_semaphore, #tpu.memory_space<semaphore_mem>>) src(%dma_wait3A_67 : memref<128x128xf32, #tpu.memory_space<vmem>>) dst(%dma_wait3A_64 : memref<128x128xf32, #tpu.memory_space<vmem_shared>>)
      tpu.yield
    }) : () -> ()
    %mul3A_22 = arith.constant 632 : i32
    %mul3A_23 = arith.muli %arg1, %mul3A_22 : i32
    %add3A_24 = arith.constant 512 : i32
    %add3A_25 = arith.addi %mul3A_23, %add3A_24 : i32
    "tpu.region"() ({
      %run_scoped3A = tpu.sem_alloc : memref<!tpu.dma_semaphore, #tpu.memory_space<semaphore_mem>>
      %dma_start3A = arith.constant 0 : i32
      %dma_start3A_50 = arith.constant 0 : i32
      %dma_start3A_51 = tpu.memref_slice %arg8[%dma_start3A, %dma_start3A_50] : memref<128x128xf32, #tpu.memory_space<vmem>> -> memref<120x128xf32, #tpu.memory_space<vmem>>
      %dma_start3A_52 = arith.constant 0 : i32
      %dma_start3A_53 = tpu.memref_slice %arg10[%add3A_25, %dma_start3A_52] : memref<10112x128xf32, #tpu.memory_space<vmem_shared>> -> memref<120x128xf32, #tpu.memory_space<vmem_shared>>
      %dma_start3A_54 = arith.constant 0 : i32
      %dma_start3A_55 = tpu.memref_slice %arg10[%add3A_25, %dma_start3A_54] : memref<10112x128xf32, #tpu.memory_space<vmem_shared>> -> memref<120x128xf32, #tpu.memory_space<vmem_shared>>
      %dma_start3A_56 = arith.constant 0 : i32
      %dma_start3A_57 = arith.constant 0 : i32
      %dma_start3A_58 = tpu.memref_slice %arg8[%dma_start3A_56, %dma_start3A_57] : memref<128x128xf32, #tpu.memory_space<vmem>> -> memref<120x128xf32, #tpu.memory_space<vmem>>
      tpu.enqueue_dma source(%dma_start3A_58 : memref<120x128xf32, #tpu.memory_space<vmem>>) target(%dma_start3A_55 : memref<120x128xf32, #tpu.memory_space<vmem_shared>>) target_semaphore(%run_scoped3A : memref<!tpu.dma_semaphore, #tpu.memory_space<semaphore_mem>>)
      %dma_wait3A = arith.constant 0 : i32
      %dma_wait3A_59 = arith.constant 0 : i32
      %dma_wait3A_60 = tpu.memref_slice %arg8[%dma_wait3A, %dma_wait3A_59] : memref<128x128xf32, #tpu.memory_space<vmem>> -> memref<120x128xf32, #tpu.memory_space<vmem>>
      %dma_wait3A_61 = arith.constant 0 : i32
      %dma_wait3A_62 = tpu.memref_slice %arg10[%add3A_25, %dma_wait3A_61] : memref<10112x128xf32, #tpu.memory_space<vmem_shared>> -> memref<120x128xf32, #tpu.memory_space<vmem_shared>>
      %dma_wait3A_63 = arith.constant 0 : i32
      %dma_wait3A_64 = tpu.memref_slice %arg10[%add3A_25, %dma_wait3A_63] : memref<10112x128xf32, #tpu.memory_space<vmem_shared>> -> memref<120x128xf32, #tpu.memory_space<vmem_shared>>
      %dma_wait3A_65 = arith.constant 0 : i32
      %dma_wait3A_66 = arith.constant 0 : i32
      %dma_wait3A_67 = tpu.memref_slice %arg8[%dma_wait3A_65, %dma_wait3A_66] : memref<128x128xf32, #tpu.memory_space<vmem>> -> memref<120x128xf32, #tpu.memory_space<vmem>>
      tpu.wait_dma2 semaphore(%run_scoped3A : memref<!tpu.dma_semaphore, #tpu.memory_space<semaphore_mem>>) src(%dma_wait3A_67 : memref<120x128xf32, #tpu.memory_space<vmem>>) dst(%dma_wait3A_64 : memref<120x128xf32, #tpu.memory_space<vmem_shared>>)
      tpu.yield
    }) : () -> ()
    %barrier3A = arith.constant 0 : index
    tpu.barrier barrier_id(%barrier3A)
    %scan3A_26 = arith.constant 0 : i32
    %scan3A_27 = arith.constant 0 : i32
    %scan3A_28 = arith.constant 2 : i32
    %scan3A_29 = arith.addi %scan3A_27, %scan3A_28 : i32
    %scan3A_30 = arith.constant 1 : i32
    scf.for %scan3A_50 = %scan3A_27 to %scan3A_29 step %scan3A_30  : i32 {
      %mul3A_51 = arith.constant 40 : i32
      %mul3A_52 = arith.muli %scan3A_50, %mul3A_51 : i32
      "tpu.region"() ({
        %run_scoped3A = tpu.sem_alloc : memref<!tpu.dma_semaphore, #tpu.memory_space<semaphore_mem>>
        %dma_start3A_67 = arith.constant 0 : i32
        %dma_start3A_68 = tpu.memref_slice %arg3[%arg0, %arg1, %mul3A_52, %dma_start3A_67] : memref<2x16x80x128xi32, #tpu.memory_space<hbm>> -> memref<1x1x40x128xi32, #tpu.memory_space<hbm>>
        %dma_start3A_69 = tpu.memref_squeeze %dma_start3A_68 : memref<1x1x40x128xi32, #tpu.memory_space<hbm>> -> memref<40x128xi32, #tpu.memory_space<hbm>>
        %dma_start3A_70 = arith.constant 0 : i32
        %dma_start3A_71 = tpu.memref_slice %arg3[%arg0, %arg1, %mul3A_52, %dma_start3A_70] : memref<2x16x80x128xi32, #tpu.memory_space<hbm>> -> memref<1x1x40x128xi32, #tpu.memory_space<hbm>>
        %dma_start3A_72 = tpu.memref_squeeze %dma_start3A_71 : memref<1x1x40x128xi32, #tpu.memory_space<hbm>> -> memref<40x128xi32, #tpu.memory_space<hbm>>
        tpu.enqueue_dma source(%dma_start3A_72 : memref<40x128xi32, #tpu.memory_space<hbm>>) target(%arg6 : memref<40x128xi32, #tpu.memory_space<vmem>>) target_semaphore(%run_scoped3A : memref<!tpu.dma_semaphore, #tpu.memory_space<semaphore_mem>>)
        %dma_wait3A = arith.constant 0 : i32
        %dma_wait3A_73 = tpu.memref_slice %arg3[%arg0, %arg1, %mul3A_52, %dma_wait3A] : memref<2x16x80x128xi32, #tpu.memory_space<hbm>> -> memref<1x1x40x128xi32, #tpu.memory_space<hbm>>
        %dma_wait3A_74 = tpu.memref_squeeze %dma_wait3A_73 : memref<1x1x40x128xi32, #tpu.memory_space<hbm>> -> memref<40x128xi32, #tpu.memory_space<hbm>>
        %dma_wait3A_75 = arith.constant 0 : i32
        %dma_wait3A_76 = tpu.memref_slice %arg3[%arg0, %arg1, %mul3A_52, %dma_wait3A_75] : memref<2x16x80x128xi32, #tpu.memory_space<hbm>> -> memref<1x1x40x128xi32, #tpu.memory_space<hbm>>
        %dma_wait3A_77 = tpu.memref_squeeze %dma_wait3A_76 : memref<1x1x40x128xi32, #tpu.memory_space<hbm>> -> memref<40x128xi32, #tpu.memory_space<hbm>>
        tpu.wait_dma2 semaphore(%run_scoped3A : memref<!tpu.dma_semaphore, #tpu.memory_space<semaphore_mem>>) src(%dma_wait3A_77 : memref<40x128xi32, #tpu.memory_space<hbm>>) dst(%arg6 : memref<40x128xi32, #tpu.memory_space<vmem>>)
        tpu.yield
      }) : () -> ()
      %mul3A_53 = arith.constant 40 : i32
      %mul3A_54 = arith.muli %scan3A_50, %mul3A_53 : i32
      "tpu.region"() ({
        %run_scoped3A = tpu.sem_alloc : memref<!tpu.dma_semaphore, #tpu.memory_space<semaphore_mem>>
        %dma_start3A_67 = arith.constant 0 : i32
        %dma_start3A_68 = tpu.memref_slice %arg4[%arg1, %mul3A_54, %dma_start3A_67] : memref<16x80x128xi32, #tpu.memory_space<hbm>> -> memref<1x40x128xi32, #tpu.memory_space<hbm>>
        %dma_start3A_69 = tpu.memref_squeeze %dma_start3A_68 : memref<1x40x128xi32, #tpu.memory_space<hbm>> -> memref<40x128xi32, #tpu.memory_space<hbm>>
        %dma_start3A_70 = arith.constant 0 : i32
        %dma_start3A_71 = tpu.memref_slice %arg4[%arg1, %mul3A_54, %dma_start3A_70] : memref<16x80x128xi32, #tpu.memory_space<hbm>> -> memref<1x40x128xi32, #tpu.memory_space<hbm>>
        %dma_start3A_72 = tpu.memref_squeeze %dma_start3A_71 : memref<1x40x128xi32, #tpu.memory_space<hbm>> -> memref<40x128xi32, #tpu.memory_space<hbm>>
        tpu.enqueue_dma source(%dma_start3A_72 : memref<40x128xi32, #tpu.memory_space<hbm>>) target(%arg7 : memref<40x128xi32, #tpu.memory_space<vmem>>) target_semaphore(%run_scoped3A : memref<!tpu.dma_semaphore, #tpu.memory_space<semaphore_mem>>)
        %dma_wait3A = arith.constant 0 : i32
        %dma_wait3A_73 = tpu.memref_slice %arg4[%arg1, %mul3A_54, %dma_wait3A] : memref<16x80x128xi32, #tpu.memory_space<hbm>> -> memref<1x40x128xi32, #tpu.memory_space<hbm>>
        %dma_wait3A_74 = tpu.memref_squeeze %dma_wait3A_73 : memref<1x40x128xi32, #tpu.memory_space<hbm>> -> memref<40x128xi32, #tpu.memory_space<hbm>>
        %dma_wait3A_75 = arith.constant 0 : i32
        %dma_wait3A_76 = tpu.memref_slice %arg4[%arg1, %mul3A_54, %dma_wait3A_75] : memref<16x80x128xi32, #tpu.memory_space<hbm>> -> memref<1x40x128xi32, #tpu.memory_space<hbm>>
        %dma_wait3A_77 = tpu.memref_squeeze %dma_wait3A_76 : memref<1x40x128xi32, #tpu.memory_space<hbm>> -> memref<40x128xi32, #tpu.memory_space<hbm>>
        tpu.wait_dma2 semaphore(%run_scoped3A : memref<!tpu.dma_semaphore, #tpu.memory_space<semaphore_mem>>) src(%dma_wait3A_77 : memref<40x128xi32, #tpu.memory_space<hbm>>) dst(%arg7 : memref<40x128xi32, #tpu.memory_space<vmem>>)
        tpu.yield
      }) : () -> ()
      %dma_start3A = arith.constant 0 : i32
      %dma_start3A_55 = arith.constant 0 : i32
      %dma_start3A_56 = tpu.memref_slice %arg6[%dma_start3A, %dma_start3A_55] : memref<40x128xi32, #tpu.memory_space<vmem>> -> memref<1x128xi32, #tpu.memory_space<vmem>>
      %dma_start3A_57 = tpu.memref_squeeze %dma_start3A_56 : memref<1x128xi32, #tpu.memory_space<vmem>> -> memref<128xi32, #tpu.memory_space<vmem>>
      %dma_start3A_58 = arith.constant 0 : i32
      %dma_start3A_59 = arith.constant 0 : i32
      %dma_start3A_60 = tpu.memref_slice %arg2[%dma_start3A_58, %dma_start3A_59] : memref<20000x128xf32, #tpu.memory_space<hbm>> -> memref<20000x128xf32, #tpu.memory_space<hbm>>
      tpu.enqueue_indirect_dma source(%dma_start3A_60 : memref<20000x128xf32, #tpu.memory_space<hbm>>) target(%arg8 : memref<128x128xf32, #tpu.memory_space<vmem>>) offsets(%dma_start3A_57 : memref<128xi32, #tpu.memory_space<vmem>>) semaphore(%arg11 : memref<!tpu.dma_semaphore, #tpu.memory_space<semaphore_mem>>)
      %scan3A_61 = arith.constant 0 : i32
      %scan3A_62 = arith.constant 0 : i32
      %scan3A_63 = arith.constant 20 : i32
      %scan3A_64 = arith.addi %scan3A_62, %scan3A_63 : i32
      %scan3A_65 = arith.constant 1 : i32
      scf.for %scan3A_67 = %scan3A_62 to %scan3A_64 step %scan3A_65  : i32 {
        %mul3A_68 = arith.constant 2 : i32
        %mul3A_69 = arith.muli %mul3A_68, %scan3A_67 : i32
        %add3A_70 = arith.constant 1 : i32
        %add3A_71 = arith.addi %mul3A_69, %add3A_70 : i32
        %dma_start3A_72 = arith.constant 0 : i32
        %dma_start3A_73 = tpu.memref_slice %arg6[%add3A_71, %dma_start3A_72] : memref<40x128xi32, #tpu.memory_space<vmem>> -> memref<1x128xi32, #tpu.memory_space<vmem>>
        %dma_start3A_74 = tpu.memref_squeeze %dma_start3A_73 : memref<1x128xi32, #tpu.memory_space<vmem>> -> memref<128xi32, #tpu.memory_space<vmem>>
        %dma_start3A_75 = arith.constant 0 : i32
        %dma_start3A_76 = arith.constant 0 : i32
        %dma_start3A_77 = tpu.memref_slice %arg2[%dma_start3A_75, %dma_start3A_76] : memref<20000x128xf32, #tpu.memory_space<hbm>> -> memref<20000x128xf32, #tpu.memory_space<hbm>>
        tpu.enqueue_indirect_dma source(%dma_start3A_77 : memref<20000x128xf32, #tpu.memory_space<hbm>>) target(%arg9 : memref<128x128xf32, #tpu.memory_space<vmem>>) offsets(%dma_start3A_74 : memref<128xi32, #tpu.memory_space<vmem>>) semaphore(%arg12 : memref<!tpu.dma_semaphore, #tpu.memory_space<semaphore_mem>>)
        %dma_wait3A = arith.constant 0 : i32
        %dma_wait3A_78 = tpu.memref_slice %arg6[%mul3A_69, %dma_wait3A] : memref<40x128xi32, #tpu.memory_space<vmem>> -> memref<1x128xi32, #tpu.memory_space<vmem>>
        %dma_wait3A_79 = tpu.memref_squeeze %dma_wait3A_78 : memref<1x128xi32, #tpu.memory_space<vmem>> -> memref<128xi32, #tpu.memory_space<vmem>>
        %dma_wait3A_80 = arith.constant 0 : i32
        %dma_wait3A_81 = arith.constant 0 : i32
        %dma_wait3A_82 = tpu.memref_slice %arg2[%dma_wait3A_80, %dma_wait3A_81] : memref<20000x128xf32, #tpu.memory_space<hbm>> -> memref<20000x128xf32, #tpu.memory_space<hbm>>
        tpu.wait_indirect_dma semaphore(%arg11 : memref<!tpu.dma_semaphore, #tpu.memory_space<semaphore_mem>>) src(%dma_wait3A_82 : memref<20000x128xf32, #tpu.memory_space<hbm>>) dst(%arg8 : memref<128x128xf32, #tpu.memory_space<vmem>>)
        "tpu.region"() ({
          %run_scoped3A = tpu.sem_alloc : memref<!tpu.dma_semaphore, #tpu.memory_space<semaphore_mem>>
          %dma_start3A_93 = arith.constant 0 : i32
          %dma_start3A_94 = tpu.memref_slice %arg7[%mul3A_69, %dma_start3A_93] : memref<40x128xi32, #tpu.memory_space<vmem>> -> memref<1x128xi32, #tpu.memory_space<vmem>>
          %dma_start3A_95 = tpu.memref_squeeze %dma_start3A_94 : memref<1x128xi32, #tpu.memory_space<vmem>> -> memref<128xi32, #tpu.memory_space<vmem>>
          %dma_start3A_96 = arith.constant 0 : i32
          %dma_start3A_97 = arith.constant 0 : i32
          %dma_start3A_98 = tpu.memref_slice %arg10[%dma_start3A_96, %dma_start3A_97] : memref<10112x128xf32, #tpu.memory_space<vmem_shared>> -> memref<10112x128xf32, #tpu.memory_space<vmem_shared>>
          tpu.enqueue_indirect_dma source(%arg8 : memref<128x128xf32, #tpu.memory_space<vmem>>) target(%dma_start3A_98 : memref<10112x128xf32, #tpu.memory_space<vmem_shared>>) offsets(%dma_start3A_95 : memref<128xi32, #tpu.memory_space<vmem>>) semaphore(%run_scoped3A : memref<!tpu.dma_semaphore, #tpu.memory_space<semaphore_mem>>) {add = true}
          %dma_wait3A_99 = arith.constant 0 : i32
          %dma_wait3A_100 = tpu.memref_slice %arg7[%mul3A_69, %dma_wait3A_99] : memref<40x128xi32, #tpu.memory_space<vmem>> -> memref<1x128xi32, #tpu.memory_space<vmem>>
          %dma_wait3A_101 = tpu.memref_squeeze %dma_wait3A_100 : memref<1x128xi32, #tpu.memory_space<vmem>> -> memref<128xi32, #tpu.memory_space<vmem>>
          %dma_wait3A_102 = arith.constant 0 : i32
          %dma_wait3A_103 = arith.constant 0 : i32
          %dma_wait3A_104 = tpu.memref_slice %arg10[%dma_wait3A_102, %dma_wait3A_103] : memref<10112x128xf32, #tpu.memory_space<vmem_shared>> -> memref<10112x128xf32, #tpu.memory_space<vmem_shared>>
          tpu.wait_indirect_dma semaphore(%run_scoped3A : memref<!tpu.dma_semaphore, #tpu.memory_space<semaphore_mem>>) src(%arg8 : memref<128x128xf32, #tpu.memory_space<vmem>>) dst(%dma_wait3A_104 : memref<10112x128xf32, #tpu.memory_space<vmem_shared>>)
          tpu.yield
        }) : () -> ()
        %lt3A = arith.constant 19 : i32
        %lt3A_83 = arith.cmpi slt, %scan3A_67, %lt3A : i32
        %convert_element_type3A_84 = arith.extui %lt3A_83 : i1 to i32
        %cond3A_85 = arith.constant 0 : i32
        %cond3A_86 = arith.cmpi ne, %convert_element_type3A_84, %cond3A_85 : i32
        scf.if %cond3A_86 {
          %add3A_93 = arith.constant 2 : i32
          %add3A_94 = arith.addi %mul3A_69, %add3A_93 : i32
          %dma_start3A_95 = arith.constant 0 : i32
          %dma_start3A_96 = tpu.memref_slice %arg6[%add3A_94, %dma_start3A_95] : memref<40x128xi32, #tpu.memory_space<vmem>> -> memref<1x128xi32, #tpu.memory_space<vmem>>
          %dma_start3A_97 = tpu.memref_squeeze %dma_start3A_96 : memref<1x128xi32, #tpu.memory_space<vmem>> -> memref<128xi32, #tpu.memory_space<vmem>>
          %dma_start3A_98 = arith.constant 0 : i32
          %dma_start3A_99 = arith.constant 0 : i32
          %dma_start3A_100 = tpu.memref_slice %arg2[%dma_start3A_98, %dma_start3A_99] : memref<20000x128xf32, #tpu.memory_space<hbm>> -> memref<20000x128xf32, #tpu.memory_space<hbm>>
          tpu.enqueue_indirect_dma source(%dma_start3A_100 : memref<20000x128xf32, #tpu.memory_space<hbm>>) target(%arg8 : memref<128x128xf32, #tpu.memory_space<vmem>>) offsets(%dma_start3A_97 : memref<128xi32, #tpu.memory_space<vmem>>) semaphore(%arg11 : memref<!tpu.dma_semaphore, #tpu.memory_space<semaphore_mem>>)
        } else {
        }
        %dma_wait3A_87 = arith.constant 0 : i32
        %dma_wait3A_88 = tpu.memref_slice %arg6[%add3A_71, %dma_wait3A_87] : memref<40x128xi32, #tpu.memory_space<vmem>> -> memref<1x128xi32, #tpu.memory_space<vmem>>
        %dma_wait3A_89 = tpu.memref_squeeze %dma_wait3A_88 : memref<1x128xi32, #tpu.memory_space<vmem>> -> memref<128xi32, #tpu.memory_space<vmem>>
        %dma_wait3A_90 = arith.constant 0 : i32
        %dma_wait3A_91 = arith.constant 0 : i32
        %dma_wait3A_92 = tpu.memref_slice %arg2[%dma_wait3A_90, %dma_wait3A_91] : memref<20000x128xf32, #tpu.memory_space<hbm>> -> memref<20000x128xf32, #tpu.memory_space<hbm>>
        tpu.wait_indirect_dma semaphore(%arg12 : memref<!tpu.dma_semaphore, #tpu.memory_space<semaphore_mem>>) src(%dma_wait3A_92 : memref<20000x128xf32, #tpu.memory_space<hbm>>) dst(%arg9 : memref<128x128xf32, #tpu.memory_space<vmem>>)
        "tpu.region"() ({
          %run_scoped3A = tpu.sem_alloc : memref<!tpu.dma_semaphore, #tpu.memory_space<semaphore_mem>>
          %dma_start3A_93 = arith.constant 0 : i32
          %dma_start3A_94 = tpu.memref_slice %arg7[%add3A_71, %dma_start3A_93] : memref<40x128xi32, #tpu.memory_space<vmem>> -> memref<1x128xi32, #tpu.memory_space<vmem>>
          %dma_start3A_95 = tpu.memref_squeeze %dma_start3A_94 : memref<1x128xi32, #tpu.memory_space<vmem>> -> memref<128xi32, #tpu.memory_space<vmem>>
          %dma_start3A_96 = arith.constant 0 : i32
          %dma_start3A_97 = arith.constant 0 : i32
          %dma_start3A_98 = tpu.memref_slice %arg10[%dma_start3A_96, %dma_start3A_97] : memref<10112x128xf32, #tpu.memory_space<vmem_shared>> -> memref<10112x128xf32, #tpu.memory_space<vmem_shared>>
          tpu.enqueue_indirect_dma source(%arg9 : memref<128x128xf32, #tpu.memory_space<vmem>>) target(%dma_start3A_98 : memref<10112x128xf32, #tpu.memory_space<vmem_shared>>) offsets(%dma_start3A_95 : memref<128xi32, #tpu.memory_space<vmem>>) semaphore(%run_scoped3A : memref<!tpu.dma_semaphore, #tpu.memory_space<semaphore_mem>>) {add = true}
          %dma_wait3A_99 = arith.constant 0 : i32
          %dma_wait3A_100 = tpu.memref_slice %arg7[%add3A_71, %dma_wait3A_99] : memref<40x128xi32, #tpu.memory_space<vmem>> -> memref<1x128xi32, #tpu.memory_space<vmem>>
          %dma_wait3A_101 = tpu.memref_squeeze %dma_wait3A_100 : memref<1x128xi32, #tpu.memory_space<vmem>> -> memref<128xi32, #tpu.memory_space<vmem>>
          %dma_wait3A_102 = arith.constant 0 : i32
          %dma_wait3A_103 = arith.constant 0 : i32
          %dma_wait3A_104 = tpu.memref_slice %arg10[%dma_wait3A_102, %dma_wait3A_103] : memref<10112x128xf32, #tpu.memory_space<vmem_shared>> -> memref<10112x128xf32, #tpu.memory_space<vmem_shared>>
          tpu.wait_indirect_dma semaphore(%run_scoped3A : memref<!tpu.dma_semaphore, #tpu.memory_space<semaphore_mem>>) src(%arg9 : memref<128x128xf32, #tpu.memory_space<vmem>>) dst(%dma_wait3A_104 : memref<10112x128xf32, #tpu.memory_space<vmem_shared>>)
          tpu.yield
        }) : () -> ()
      }
      %scan3A_66 = arith.constant 20 : i32
    }
    %scan3A_31 = arith.constant 2 : i32
    %barrier3A_32 = arith.constant 0 : index
    tpu.barrier barrier_id(%barrier3A_32)
    %mul3A_33 = arith.constant 624 : i32
    %mul3A_34 = arith.muli %arg1, %mul3A_33 : i32
    %scan3A_35 = arith.constant 0 : i32
    %scan3A_36 = arith.constant 0 : i32
    %scan3A_37 = arith.constant 4 : i32
    %scan3A_38 = arith.addi %scan3A_36, %scan3A_37 : i32
    %scan3A_39 = arith.constant 1 : i32
    scf.for %scan3A_50 = %scan3A_36 to %scan3A_38 step %scan3A_39  : i32 {
      %mul3A_51 = arith.constant 128 : i32
      %mul3A_52 = arith.muli %scan3A_50, %mul3A_51 : i32
      %add3A_53 = arith.addi %mul3A_34, %mul3A_52 : i32
      "tpu.region"() ({
        %run_scoped3A = tpu.sem_alloc : memref<!tpu.dma_semaphore, #tpu.memory_space<semaphore_mem>>
        %dma_start3A = arith.constant 0 : i32
        %dma_start3A_58 = tpu.memref_slice %arg10[%add3A_53, %dma_start3A] : memref<10112x128xf32, #tpu.memory_space<vmem_shared>> -> memref<128x128xf32, #tpu.memory_space<vmem_shared>>
        %dma_start3A_59 = arith.constant 0 : i32
        %dma_start3A_60 = tpu.memref_slice %arg10[%add3A_53, %dma_start3A_59] : memref<10112x128xf32, #tpu.memory_space<vmem_shared>> -> memref<128x128xf32, #tpu.memory_space<vmem_shared>>
        tpu.enqueue_dma source(%dma_start3A_60 : memref<128x128xf32, #tpu.memory_space<vmem_shared>>) target(%arg8 : memref<128x128xf32, #tpu.memory_space<vmem>>) target_semaphore(%run_scoped3A : memref<!tpu.dma_semaphore, #tpu.memory_space<semaphore_mem>>)
        %dma_wait3A = arith.constant 0 : i32
        %dma_wait3A_61 = tpu.memref_slice %arg10[%add3A_53, %dma_wait3A] : memref<10112x128xf32, #tpu.memory_space<vmem_shared>> -> memref<128x128xf32, #tpu.memory_space<vmem_shared>>
        %dma_wait3A_62 = arith.constant 0 : i32
        %dma_wait3A_63 = tpu.memref_slice %arg10[%add3A_53, %dma_wait3A_62] : memref<10112x128xf32, #tpu.memory_space<vmem_shared>> -> memref<128x128xf32, #tpu.memory_space<vmem_shared>>
        tpu.wait_dma2 semaphore(%run_scoped3A : memref<!tpu.dma_semaphore, #tpu.memory_space<semaphore_mem>>) src(%dma_wait3A_63 : memref<128x128xf32, #tpu.memory_space<vmem_shared>>) dst(%arg8 : memref<128x128xf32, #tpu.memory_space<vmem>>)
        tpu.yield
      }) : () -> ()
      %mul3A_54 = arith.constant 10000 : i32
      %mul3A_55 = arith.muli %arg0, %mul3A_54 : i32
      %add3A_56 = arith.addi %mul3A_55, %mul3A_34 : i32
      %add3A_57 = arith.addi %add3A_56, %mul3A_52 : i32
      "tpu.region"() ({
        %run_scoped3A = tpu.sem_alloc : memref<!tpu.dma_semaphore, #tpu.memory_space<semaphore_mem>>
        %dma_start3A = arith.constant 0 : i32
        %dma_start3A_58 = tpu.memref_slice %arg5[%add3A_57, %dma_start3A] : memref<20000x128xf32, #tpu.memory_space<hbm>> -> memref<128x128xf32, #tpu.memory_space<hbm>>
        %dma_start3A_59 = arith.constant 0 : i32
        %dma_start3A_60 = tpu.memref_slice %arg5[%add3A_57, %dma_start3A_59] : memref<20000x128xf32, #tpu.memory_space<hbm>> -> memref<128x128xf32, #tpu.memory_space<hbm>>
        tpu.enqueue_dma source(%arg8 : memref<128x128xf32, #tpu.memory_space<vmem>>) target(%dma_start3A_60 : memref<128x128xf32, #tpu.memory_space<hbm>>) target_semaphore(%run_scoped3A : memref<!tpu.dma_semaphore, #tpu.memory_space<semaphore_mem>>)
        %dma_wait3A = arith.constant 0 : i32
        %dma_wait3A_61 = tpu.memref_slice %arg5[%add3A_57, %dma_wait3A] : memref<20000x128xf32, #tpu.memory_space<hbm>> -> memref<128x128xf32, #tpu.memory_space<hbm>>
        %dma_wait3A_62 = arith.constant 0 : i32
        %dma_wait3A_63 = tpu.memref_slice %arg5[%add3A_57, %dma_wait3A_62] : memref<20000x128xf32, #tpu.memory_space<hbm>> -> memref<128x128xf32, #tpu.memory_space<hbm>>
        tpu.wait_dma2 semaphore(%run_scoped3A : memref<!tpu.dma_semaphore, #tpu.memory_space<semaphore_mem>>) src(%arg8 : memref<128x128xf32, #tpu.memory_space<vmem>>) dst(%dma_wait3A_63 : memref<128x128xf32, #tpu.memory_space<hbm>>)
        tpu.yield
      }) : () -> ()
    }
    %scan3A_40 = arith.constant 4 : i32
    %add3A_41 = arith.constant 512 : i32
    %add3A_42 = arith.addi %mul3A_34, %add3A_41 : i32
    "tpu.region"() ({
      %run_scoped3A = tpu.sem_alloc : memref<!tpu.dma_semaphore, #tpu.memory_space<semaphore_mem>>
      %dma_start3A = arith.constant 0 : i32
      %dma_start3A_50 = arith.constant 0 : i32
      %dma_start3A_51 = tpu.memref_slice %arg8[%dma_start3A, %dma_start3A_50] : memref<128x128xf32, #tpu.memory_space<vmem>> -> memref<112x128xf32, #tpu.memory_space<vmem>>
      %dma_start3A_52 = arith.constant 0 : i32
      %dma_start3A_53 = tpu.memref_slice %arg10[%add3A_42, %dma_start3A_52] : memref<10112x128xf32, #tpu.memory_space<vmem_shared>> -> memref<112x128xf32, #tpu.memory_space<vmem_shared>>
      %dma_start3A_54 = arith.constant 0 : i32
      %dma_start3A_55 = arith.constant 0 : i32
      %dma_start3A_56 = tpu.memref_slice %arg8[%dma_start3A_54, %dma_start3A_55] : memref<128x128xf32, #tpu.memory_space<vmem>> -> memref<112x128xf32, #tpu.memory_space<vmem>>
      %dma_start3A_57 = arith.constant 0 : i32
      %dma_start3A_58 = tpu.memref_slice %arg10[%add3A_42, %dma_start3A_57] : memref<10112x128xf32, #tpu.memory_space<vmem_shared>> -> memref<112x128xf32, #tpu.memory_space<vmem_shared>>
      tpu.enqueue_dma source(%dma_start3A_58 : memref<112x128xf32, #tpu.memory_space<vmem_shared>>) target(%dma_start3A_56 : memref<112x128xf32, #tpu.memory_space<vmem>>) target_semaphore(%run_scoped3A : memref<!tpu.dma_semaphore, #tpu.memory_space<semaphore_mem>>)
      %dma_wait3A = arith.constant 0 : i32
      %dma_wait3A_59 = arith.constant 0 : i32
      %dma_wait3A_60 = tpu.memref_slice %arg8[%dma_wait3A, %dma_wait3A_59] : memref<128x128xf32, #tpu.memory_space<vmem>> -> memref<112x128xf32, #tpu.memory_space<vmem>>
      %dma_wait3A_61 = arith.constant 0 : i32
      %dma_wait3A_62 = tpu.memref_slice %arg10[%add3A_42, %dma_wait3A_61] : memref<10112x128xf32, #tpu.memory_space<vmem_shared>> -> memref<112x128xf32, #tpu.memory_space<vmem_shared>>
      %dma_wait3A_63 = arith.constant 0 : i32
      %dma_wait3A_64 = arith.constant 0 : i32
      %dma_wait3A_65 = tpu.memref_slice %arg8[%dma_wait3A_63, %dma_wait3A_64] : memref<128x128xf32, #tpu.memory_space<vmem>> -> memref<112x128xf32, #tpu.memory_space<vmem>>
      %dma_wait3A_66 = arith.constant 0 : i32
      %dma_wait3A_67 = tpu.memref_slice %arg10[%add3A_42, %dma_wait3A_66] : memref<10112x128xf32, #tpu.memory_space<vmem_shared>> -> memref<112x128xf32, #tpu.memory_space<vmem_shared>>
      tpu.wait_dma2 semaphore(%run_scoped3A : memref<!tpu.dma_semaphore, #tpu.memory_space<semaphore_mem>>) src(%dma_wait3A_67 : memref<112x128xf32, #tpu.memory_space<vmem_shared>>) dst(%dma_wait3A_65 : memref<112x128xf32, #tpu.memory_space<vmem>>)
      tpu.yield
    }) : () -> ()
    %mul3A_43 = arith.constant 10000 : i32
    %mul3A_44 = arith.muli %arg0, %mul3A_43 : i32
    %add3A_45 = arith.addi %mul3A_44, %mul3A_34 : i32
    %add3A_46 = arith.constant 512 : i32
    %add3A_47 = arith.addi %add3A_45, %add3A_46 : i32
    "tpu.region"() ({
      %run_scoped3A = tpu.sem_alloc : memref<!tpu.dma_semaphore, #tpu.memory_space<semaphore_mem>>
      %dma_start3A = arith.constant 0 : i32
      %dma_start3A_50 = arith.constant 0 : i32
      %dma_start3A_51 = tpu.memref_slice %arg8[%dma_start3A, %dma_start3A_50] : memref<128x128xf32, #tpu.memory_space<vmem>> -> memref<112x128xf32, #tpu.memory_space<vmem>>
      %dma_start3A_52 = arith.constant 0 : i32
      %dma_start3A_53 = tpu.memref_slice %arg5[%add3A_47, %dma_start3A_52] : memref<20000x128xf32, #tpu.memory_space<hbm>> -> memref<112x128xf32, #tpu.memory_space<hbm>>
      %dma_start3A_54 = arith.constant 0 : i32
      %dma_start3A_55 = tpu.memref_slice %arg5[%add3A_47, %dma_start3A_54] : memref<20000x128xf32, #tpu.memory_space<hbm>> -> memref<112x128xf32, #tpu.memory_space<hbm>>
      %dma_start3A_56 = arith.constant 0 : i32
      %dma_start3A_57 = arith.constant 0 : i32
      %dma_start3A_58 = tpu.memref_slice %arg8[%dma_start3A_56, %dma_start3A_57] : memref<128x128xf32, #tpu.memory_space<vmem>> -> memref<112x128xf32, #tpu.memory_space<vmem>>
      tpu.enqueue_dma source(%dma_start3A_58 : memref<112x128xf32, #tpu.memory_space<vmem>>) target(%dma_start3A_55 : memref<112x128xf32, #tpu.memory_space<hbm>>) target_semaphore(%run_scoped3A : memref<!tpu.dma_semaphore, #tpu.memory_space<semaphore_mem>>)
      %dma_wait3A = arith.constant 0 : i32
      %dma_wait3A_59 = arith.constant 0 : i32
      %dma_wait3A_60 = tpu.memref_slice %arg8[%dma_wait3A, %dma_wait3A_59] : memref<128x128xf32, #tpu.memory_space<vmem>> -> memref<112x128xf32, #tpu.memory_space<vmem>>
      %dma_wait3A_61 = arith.constant 0 : i32
      %dma_wait3A_62 = tpu.memref_slice %arg5[%add3A_47, %dma_wait3A_61] : memref<20000x128xf32, #tpu.memory_space<hbm>> -> memref<112x128xf32, #tpu.memory_space<hbm>>
      %dma_wait3A_63 = arith.constant 0 : i32
      %dma_wait3A_64 = tpu.memref_slice %arg5[%add3A_47, %dma_wait3A_63] : memref<20000x128xf32, #tpu.memory_space<hbm>> -> memref<112x128xf32, #tpu.memory_space<hbm>>
      %dma_wait3A_65 = arith.constant 0 : i32
      %dma_wait3A_66 = arith.constant 0 : i32
      %dma_wait3A_67 = tpu.memref_slice %arg8[%dma_wait3A_65, %dma_wait3A_66] : memref<128x128xf32, #tpu.memory_space<vmem>> -> memref<112x128xf32, #tpu.memory_space<vmem>>
      tpu.wait_dma2 semaphore(%run_scoped3A : memref<!tpu.dma_semaphore, #tpu.memory_space<semaphore_mem>>) src(%dma_wait3A_67 : memref<112x128xf32, #tpu.memory_space<vmem>>) dst(%dma_wait3A_64 : memref<112x128xf32, #tpu.memory_space<hbm>>)
      tpu.yield
    }) : () -> ()
    %eq3A = arith.constant 15 : i32
    %eq3A_48 = arith.cmpi eq, %arg1, %eq3A : i32
    %convert_element_type3A = arith.extui %eq3A_48 : i1 to i32
    %cond3A = arith.constant 0 : i32
    %cond3A_49 = arith.cmpi ne, %convert_element_type3A, %cond3A : i32
    scf.if %cond3A_49 {
      "tpu.region"() ({
        %run_scoped3A = tpu.sem_alloc : memref<!tpu.dma_semaphore, #tpu.memory_space<semaphore_mem>>
        %dma_start3A = arith.constant 0 : i32
        %dma_start3A_54 = arith.constant 0 : i32
        %dma_start3A_55 = tpu.memref_slice %arg8[%dma_start3A, %dma_start3A_54] : memref<128x128xf32, #tpu.memory_space<vmem>> -> memref<16x128xf32, #tpu.memory_space<vmem>>
        %dma_start3A_56 = arith.constant 9984 : i32
        %dma_start3A_57 = arith.constant 0 : i32
        %dma_start3A_58 = tpu.memref_slice %arg10[%dma_start3A_56, %dma_start3A_57] : memref<10112x128xf32, #tpu.memory_space<vmem_shared>> -> memref<16x128xf32, #tpu.memory_space<vmem_shared>>
        %dma_start3A_59 = arith.constant 0 : i32
        %dma_start3A_60 = arith.constant 0 : i32
        %dma_start3A_61 = tpu.memref_slice %arg8[%dma_start3A_59, %dma_start3A_60] : memref<128x128xf32, #tpu.memory_space<vmem>> -> memref<16x128xf32, #tpu.memory_space<vmem>>
        %dma_start3A_62 = arith.constant 9984 : i32
        %dma_start3A_63 = arith.constant 0 : i32
        %dma_start3A_64 = tpu.memref_slice %arg10[%dma_start3A_62, %dma_start3A_63] : memref<10112x128xf32, #tpu.memory_space<vmem_shared>> -> memref<16x128xf32, #tpu.memory_space<vmem_shared>>
        tpu.enqueue_dma source(%dma_start3A_64 : memref<16x128xf32, #tpu.memory_space<vmem_shared>>) target(%dma_start3A_61 : memref<16x128xf32, #tpu.memory_space<vmem>>) target_semaphore(%run_scoped3A : memref<!tpu.dma_semaphore, #tpu.memory_space<semaphore_mem>>)
        %dma_wait3A = arith.constant 0 : i32
        %dma_wait3A_65 = arith.constant 0 : i32
        %dma_wait3A_66 = tpu.memref_slice %arg8[%dma_wait3A, %dma_wait3A_65] : memref<128x128xf32, #tpu.memory_space<vmem>> -> memref<16x128xf32, #tpu.memory_space<vmem>>
        %dma_wait3A_67 = arith.constant 9984 : i32
        %dma_wait3A_68 = arith.constant 0 : i32
        %dma_wait3A_69 = tpu.memref_slice %arg10[%dma_wait3A_67, %dma_wait3A_68] : memref<10112x128xf32, #tpu.memory_space<vmem_shared>> -> memref<16x128xf32, #tpu.memory_space<vmem_shared>>
        %dma_wait3A_70 = arith.constant 0 : i32
        %dma_wait3A_71 = arith.constant 0 : i32
        %dma_wait3A_72 = tpu.memref_slice %arg8[%dma_wait3A_70, %dma_wait3A_71] : memref<128x128xf32, #tpu.memory_space<vmem>> -> memref<16x128xf32, #tpu.memory_space<vmem>>
        %dma_wait3A_73 = arith.constant 9984 : i32
        %dma_wait3A_74 = arith.constant 0 : i32
        %dma_wait3A_75 = tpu.memref_slice %arg10[%dma_wait3A_73, %dma_wait3A_74] : memref<10112x128xf32, #tpu.memory_space<vmem_shared>> -> memref<16x128xf32, #tpu.memory_space<vmem_shared>>
        tpu.wait_dma2 semaphore(%run_scoped3A : memref<!tpu.dma_semaphore, #tpu.memory_space<semaphore_mem>>) src(%dma_wait3A_75 : memref<16x128xf32, #tpu.memory_space<vmem_shared>>) dst(%dma_wait3A_72 : memref<16x128xf32, #tpu.memory_space<vmem>>)
        tpu.yield
      }) : () -> ()
      %mul3A_50 = arith.constant 10000 : i32
      %mul3A_51 = arith.muli %arg0, %mul3A_50 : i32
      %add3A_52 = arith.constant 9984 : i32
      %add3A_53 = arith.addi %mul3A_51, %add3A_52 : i32
      "tpu.region"() ({
        %run_scoped3A = tpu.sem_alloc : memref<!tpu.dma_semaphore, #tpu.memory_space<semaphore_mem>>
        %dma_start3A = arith.constant 0 : i32
        %dma_start3A_54 = arith.constant 0 : i32
        %dma_start3A_55 = tpu.memref_slice %arg8[%dma_start3A, %dma_start3A_54] : memref<128x128xf32, #tpu.memory_space<vmem>> -> memref<16x128xf32, #tpu.memory_space<vmem>>
        %dma_start3A_56 = arith.constant 0 : i32
        %dma_start3A_57 = tpu.memref_slice %arg5[%add3A_53, %dma_start3A_56] : memref<20000x128xf32, #tpu.memory_space<hbm>> -> memref<16x128xf32, #tpu.memory_space<hbm>>
        %dma_start3A_58 = arith.constant 0 : i32
        %dma_start3A_59 = tpu.memref_slice %arg5[%add3A_53, %dma_start3A_58] : memref<20000x128xf32, #tpu.memory_space<hbm>> -> memref<16x128xf32, #tpu.memory_space<hbm>>
        %dma_start3A_60 = arith.constant 0 : i32
        %dma_start3A_61 = arith.constant 0 : i32
        %dma_start3A_62 = tpu.memref_slice %arg8[%dma_start3A_60, %dma_start3A_61] : memref<128x128xf32, #tpu.memory_space<vmem>> -> memref<16x128xf32, #tpu.memory_space<vmem>>
        tpu.enqueue_dma source(%dma_start3A_62 : memref<16x128xf32, #tpu.memory_space<vmem>>) target(%dma_start3A_59 : memref<16x128xf32, #tpu.memory_space<hbm>>) target_semaphore(%run_scoped3A : memref<!tpu.dma_semaphore, #tpu.memory_space<semaphore_mem>>)
        %dma_wait3A = arith.constant 0 : i32
        %dma_wait3A_63 = arith.constant 0 : i32
        %dma_wait3A_64 = tpu.memref_slice %arg8[%dma_wait3A, %dma_wait3A_63] : memref<128x128xf32, #tpu.memory_space<vmem>> -> memref<16x128xf32, #tpu.memory_space<vmem>>
        %dma_wait3A_65 = arith.constant 0 : i32
        %dma_wait3A_66 = tpu.memref_slice %arg5[%add3A_53, %dma_wait3A_65] : memref<20000x128xf32, #tpu.memory_space<hbm>> -> memref<16x128xf32, #tpu.memory_space<hbm>>
        %dma_wait3A_67 = arith.constant 0 : i32
        %dma_wait3A_68 = tpu.memref_slice %arg5[%add3A_53, %dma_wait3A_67] : memref<20000x128xf32, #tpu.memory_space<hbm>> -> memref<16x128xf32, #tpu.memory_space<hbm>>
        %dma_wait3A_69 = arith.constant 0 : i32
        %dma_wait3A_70 = arith.constant 0 : i32
        %dma_wait3A_71 = tpu.memref_slice %arg8[%dma_wait3A_69, %dma_wait3A_70] : memref<128x128xf32, #tpu.memory_space<vmem>> -> memref<16x128xf32, #tpu.memory_space<vmem>>
        tpu.wait_dma2 semaphore(%run_scoped3A : memref<!tpu.dma_semaphore, #tpu.memory_space<semaphore_mem>>) src(%dma_wait3A_71 : memref<16x128xf32, #tpu.memory_space<vmem>>) dst(%dma_wait3A_68 : memref<16x128xf32, #tpu.memory_space<hbm>>)
        tpu.yield
      }) : () -> ()
    } else {
    }
    return
  }
}

#map = affine_map<(d0, d1) -> (0, 0)>
#map1 = affine_map<(d0, d1) -> (0, 0, 0, 0)>
#map2 = affine_map<(d0, d1) -> (0, 0, 0)>
module attributes {stable_mosaic.version = 14 : i64} {
  func.func @body(%arg0: i32, %arg1: i32, %arg2: memref<20000x128xf32, #tpu.memory_space<hbm>>, %arg3: memref<2x16x80x128xi32, #tpu.memory_space<hbm>>, %arg4: memref<16x80x128xi32, #tpu.memory_space<hbm>>, %arg5: memref<20000x128xf32, #tpu.memory_space<hbm>>, %arg6: memref<40x128xi32, #tpu.memory_space<vmem>>, %arg7: memref<40x128xi32, #tpu.memory_space<vmem>>, %arg8: memref<128x128xf32, #tpu.memory_space<vmem>>, %arg9: memref<128x128xf32, #tpu.memory_space<vmem>>, %arg10: memref<10112x128xf32, #tpu.memory_space<vmem_shared>>, %arg11: memref<!tpu.dma_semaphore, #tpu.memory_space<semaphore_mem>>, %arg12: memref<!tpu.dma_semaphore, #tpu.memory_space<semaphore_mem>>) attributes {dimension_semantics = [#tpu.dimension_semantics<core_parallel>, #tpu.dimension_semantics<subcore_parallel>], iteration_bounds = array<i64: 2, 16>, scalar_prefetch = 0 : i64, scratch_operands = 7 : i64, tpu.core_type = #tpu.core_type<sc_vector_subcore>, window_params = [{transform_indices = #map}, {transform_indices = #map1}, {transform_indices = #map2}, {transform_indices = #map}]} {
    %broadcast_in_dim3A = arith.constant 0.000000e+00 : f32
    %broadcast_in_dim3A_0 = vector.broadcast %broadcast_in_dim3A : f32 to vector<16xf32>
    %broadcast_in_dim3A_1 = arith.constant 0.000000e+00 : f32
    %broadcast_in_dim3A_2 = vector.broadcast %broadcast_in_dim3A_1 : f32 to vector<16xf32>
    %scan3A = arith.constant 0 : i32
    %scan3A_3 = arith.constant 0 : i32
    %scan3A_4 = arith.constant 128 : i32
    %scan3A_5 = arith.addi %scan3A_3, %scan3A_4 : i32
    %scan3A_6 = arith.constant 1 : i32
    scf.for %scan3A_50 = %scan3A_3 to %scan3A_5 step %scan3A_6  : i32 {
      %swap3A = arith.index_cast %scan3A_50 : i32 to index
      %swap3A_51 = arith.constant 0 : index
      %swap3A_52 = tpu.vector_load %arg8[%swap3A, %swap3A_51] {strides = array<i32>} : memref<128x128xf32, #tpu.memory_space<vmem>>, vector<1x16xf32>,
      %swap3A_53 = vector.shape_cast %swap3A_52 : vector<1x16xf32> to vector<16xf32>
      %swap3A_54 = vector.shape_cast %broadcast_in_dim3A_2 : vector<16xf32> to vector<1x16xf32>
      tpu.vector_store %arg8[%swap3A, %swap3A_51], %swap3A_54 {strides = array<i32>} : memref<128x128xf32, #tpu.memory_space<vmem>>, vector<1x16xf32>,
      %swap3A_55 = arith.index_cast %scan3A_50 : i32 to index
      %swap3A_56 = arith.constant 16 : index
      %swap3A_57 = tpu.vector_load %arg8[%swap3A_55, %swap3A_56] {strides = array<i32>} : memref<128x128xf32, #tpu.memory_space<vmem>>, vector<1x16xf32>,
      %swap3A_58 = vector.shape_cast %swap3A_57 : vector<1x16xf32> to vector<16xf32>
      %swap3A_59 = vector.shape_cast %broadcast_in_dim3A_2 : vector<16xf32> to vector<1x16xf32>
      tpu.vector_store %arg8[%swap3A_55, %swap3A_56], %swap3A_59 {strides = array<i32>} : memref<128x128xf32, #tpu.memory_space<vmem>>, vector<1x16xf32>,
      %swap3A_60 = arith.index_cast %scan3A_50 : i32 to index
      %swap3A_61 = arith.constant 32 : index
      %swap3A_62 = tpu.vector_load %arg8[%swap3A_60, %swap3A_61] {strides = array<i32>} : memref<128x128xf32, #tpu.memory_space<vmem>>, vector<1x16xf32>,
      %swap3A_63 = vector.shape_cast %swap3A_62 : vector<1x16xf32> to vector<16xf32>
      %swap3A_64 = vector.shape_cast %broadcast_in_dim3A_2 : vector<16xf32> to vector<1x16xf32>
      tpu.vector_store %arg8[%swap3A_60, %swap3A_61], %swap3A_64 {strides = array<i32>} : memref<128x128xf32, #tpu.memory_space<vmem>>, vector<1x16xf32>,
      %swap3A_65 = arith.index_cast %scan3A_50 : i32 to index
      %swap3A_66 = arith.constant 48 : index
      %swap3A_67 = tpu.vector_load %arg8[%swap3A_65, %swap3A_66] {strides = array<i32>} : memref<128x128xf32, #tpu.memory_space<vmem>>, vector<1x16xf32>,
      %swap3A_68 = vector.shape_cast %swap3A_67 : vector<1x16xf32> to vector<16xf32>
      %swap3A_69 = vector.shape_cast %broadcast_in_dim3A_2 : vector<16xf32> to vector<1x16xf32>
      tpu.vector_store %arg8[%swap3A_65, %swap3A_66], %swap3A_69 {strides = array<i32>} : memref<128x128xf32, #tpu.memory_space<vmem>>, vector<1x16xf32>,
      %swap3A_70 = arith.index_cast %scan3A_50 : i32 to index
      %swap3A_71 = arith.constant 64 : index
      %swap3A_72 = tpu.vector_load %arg8[%swap3A_70, %swap3A_71] {strides = array<i32>} : memref<128x128xf32, #tpu.memory_space<vmem>>, vector<1x16xf32>,
      %swap3A_73 = vector.shape_cast %swap3A_72 : vector<1x16xf32> to vector<16xf32>
      %swap3A_74 = vector.shape_cast %broadcast_in_dim3A_2 : vector<16xf32> to vector<1x16xf32>
      tpu.vector_store %arg8[%swap3A_70, %swap3A_71], %swap3A_74 {strides = array<i32>} : memref<128x128xf32, #tpu.memory_space<vmem>>, vector<1x16xf32>,
      %swap3A_75 = arith.index_cast %scan3A_50 : i32 to index
      %swap3A_76 = arith.constant 80 : index
      %swap3A_77 = tpu.vector_load %arg8[%swap3A_75, %swap3A_76] {strides = array<i32>} : memref<128x128xf32, #tpu.memory_space<vmem>>, vector<1x16xf32>,
      %swap3A_78 = vector.shape_cast %swap3A_77 : vector<1x16xf32> to vector<16xf32>
      %swap3A_79 = vector.shape_cast %broadcast_in_dim3A_2 : vector<16xf32> to vector<1x16xf32>
      tpu.vector_store %arg8[%swap3A_75, %swap3A_76], %swap3A_79 {strides = array<i32>} : memref<128x128xf32, #tpu.memory_space<vmem>>, vector<1x16xf32>,
      %swap3A_80 = arith.index_cast %scan3A_50 : i32 to index
      %swap3A_81 = arith.constant 96 : index
      %swap3A_82 = tpu.vector_load %arg8[%swap3A_80, %swap3A_81] {strides = array<i32>} : memref<128x128xf32, #tpu.memory_space<vmem>>, vector<1x16xf32>,
      %swap3A_83 = vector.shape_cast %swap3A_82 : vector<1x16xf32> to vector<16xf32>
      %swap3A_84 = vector.shape_cast %broadcast_in_dim3A_2 : vector<16xf32> to vector<1x16xf32>
      tpu.vector_store %arg8[%swap3A_80, %swap3A_81], %swap3A_84 {strides = array<i32>} : memref<128x128xf32, #tpu.memory_space<vmem>>, vector<1x16xf32>,
      %swap3A_85 = arith.index_cast %scan3A_50 : i32 to index
      %swap3A_86 = arith.constant 112 : index
      %swap3A_87 = tpu.vector_load %arg8[%swap3A_85, %swap3A_86] {strides = array<i32>} : memref<128x128xf32, #tpu.memory_space<vmem>>, vector<1x16xf32>,
      %swap3A_88 = vector.shape_cast %swap3A_87 : vector<1x16xf32> to vector<16xf32>
      %swap3A_89 = vector.shape_cast %broadcast_in_dim3A_2 : vector<16xf32> to vector<1x16xf32>
      tpu.vector_store %arg8[%swap3A_85, %swap3A_86], %swap3A_89 {strides = array<i32>} : memref<128x128xf32, #tpu.memory_space<vmem>>, vector<1x16xf32>,
    }
    %scan3A_7 = arith.constant 128 : i32
    %mul3A = arith.constant 632 : i32
    %mul3A_8 = arith.muli %arg1, %mul3A : i32
    %add3A = arith.constant 0 : i32
    %add3A_9 = arith.addi %mul3A_8, %add3A : i32
    "tpu.region"() ({
      %run_scoped3A = tpu.sem_alloc : memref<!tpu.dma_semaphore, #tpu.memory_space<semaphore_mem>>
      %dma_start3A = arith.constant 0 : i32
      %dma_start3A_50 = arith.constant 0 : i32
      %dma_start3A_51 = tpu.memref_slice %arg8[%dma_start3A, %dma_start3A_50] : memref<128x128xf32, #tpu.memory_space<vmem>> -> memref<128x128xf32, #tpu.memory_space<vmem>>
      %dma_start3A_52 = arith.constant 0 : i32
      %dma_start3A_53 = tpu.memref_slice %arg10[%add3A_9, %dma_start3A_52] : memref<10112x128xf32, #tpu.memory_space<vmem_shared>> -> memref<128x128xf32, #tpu.memory_space<vmem_shared>>
      %dma_start3A_54 = arith.constant 0 : i32
      %dma_start3A_55 = tpu.memref_slice %arg10[%add3A_9, %dma_start3A_54] : memref<10112x128xf32, #tpu.memory_space<vmem_shared>> -> memref<128x128xf32, #tpu.memory_space<vmem_shared>>
      %dma_start3A_56 = arith.constant 0 : i32
      %dma_start3A_57 = arith.constant 0 : i32
      %dma_start3A_58 = tpu.memref_slice %arg8[%dma_start3A_56, %dma_start3A_57] : memref<128x128xf32, #tpu.memory_space<vmem>> -> memref<128x128xf32, #tpu.memory_space<vmem>>
      tpu.enqueue_dma source(%dma_start3A_58 : memref<128x128xf32, #tpu.memory_space<vmem>>) target(%dma_start3A_55 : memref<128x128xf32, #tpu.memory_space<vmem_shared>>) target_semaphore(%run_scoped3A : memref<!tpu.dma_semaphore, #tpu.memory_space<semaphore_mem>>)
      %dma_wait3A = arith.constant 0 : i32
      %dma_wait3A_59 = arith.constant 0 : i32
      %dma_wait3A_60 = tpu.memref_slice %arg8[%dma_wait3A, %dma_wait3A_59] : memref<128x128xf32, #tpu.memory_space<vmem>> -> memref<128x128xf32, #tpu.memory_space<vmem>>
      %dma_wait3A_61 = arith.constant 0 : i32
      %dma_wait3A_62 = tpu.memref_slice %arg10[%add3A_9, %dma_wait3A_61] : memref<10112x128xf32, #tpu.memory_space<vmem_shared>> -> memref<128x128xf32, #tpu.memory_space<vmem_shared>>
      %dma_wait3A_63 = arith.constant 0 : i32
      %dma_wait3A_64 = tpu.memref_slice %arg10[%add3A_9, %dma_wait3A_63] : memref<10112x128xf32, #tpu.memory_space<vmem_shared>> -> memref<128x128xf32, #tpu.memory_space<vmem_shared>>
      %dma_wait3A_65 = arith.constant 0 : i32
      %dma_wait3A_66 = arith.constant 0 : i32
      %dma_wait3A_67 = tpu.memref_slice %arg8[%dma_wait3A_65, %dma_wait3A_66] : memref<128x128xf32, #tpu.memory_space<vmem>> -> memref<128x128xf32, #tpu.memory_space<vmem>>
      tpu.wait_dma2 semaphore(%run_scoped3A : memref<!tpu.dma_semaphore, #tpu.memory_space<semaphore_mem>>) src(%dma_wait3A_67 : memref<128x128xf32, #tpu.memory_space<vmem>>) dst(%dma_wait3A_64 : memref<128x128xf32, #tpu.memory_space<vmem_shared>>)
      tpu.yield
    }) : () -> ()
    %mul3A_10 = arith.constant 632 : i32
    %mul3A_11 = arith.muli %arg1, %mul3A_10 : i32
    %add3A_12 = arith.constant 128 : i32
    %add3A_13 = arith.addi %mul3A_11, %add3A_12 : i32
    "tpu.region"() ({
      %run_scoped3A = tpu.sem_alloc : memref<!tpu.dma_semaphore, #tpu.memory_space<semaphore_mem>>
      %dma_start3A = arith.constant 0 : i32
      %dma_start3A_50 = arith.constant 0 : i32
      %dma_start3A_51 = tpu.memref_slice %arg8[%dma_start3A, %dma_start3A_50] : memref<128x128xf32, #tpu.memory_space<vmem>> -> memref<128x128xf32, #tpu.memory_space<vmem>>
      %dma_start3A_52 = arith.constant 0 : i32
      %dma_start3A_53 = tpu.memref_slice %arg10[%add3A_13, %dma_start3A_52] : memref<10112x128xf32, #tpu.memory_space<vmem_shared>> -> memref<128x128xf32, #tpu.memory_space<vmem_shared>>
      %dma_start3A_54 = arith.constant 0 : i32
      %dma_start3A_55 = tpu.memref_slice %arg10[%add3A_13, %dma_start3A_54] : memref<10112x128xf32, #tpu.memory_space<vmem_shared>> -> memref<128x128xf32, #tpu.memory_space<vmem_shared>>
      %dma_start3A_56 = arith.constant 0 : i32
      %dma_start3A_57 = arith.constant 0 : i32
      %dma_start3A_58 = tpu.memref_slice %arg8[%dma_start3A_56, %dma_start3A_57] : memref<128x128xf32, #tpu.memory_space<vmem>> -> memref<128x128xf32, #tpu.memory_space<vmem>>
      tpu.enqueue_dma source(%dma_start3A_58 : memref<128x128xf32, #tpu.memory_space<vmem>>) target(%dma_start3A_55 : memref<128x128xf32, #tpu.memory_space<vmem_shared>>) target_semaphore(%run_scoped3A : memref<!tpu.dma_semaphore, #tpu.memory_space<semaphore_mem>>)
      %dma_wait3A = arith.constant 0 : i32
      %dma_wait3A_59 = arith.constant 0 : i32
      %dma_wait3A_60 = tpu.memref_slice %arg8[%dma_wait3A, %dma_wait3A_59] : memref<128x128xf32, #tpu.memory_space<vmem>> -> memref<128x128xf32, #tpu.memory_space<vmem>>
      %dma_wait3A_61 = arith.constant 0 : i32
      %dma_wait3A_62 = tpu.memref_slice %arg10[%add3A_13, %dma_wait3A_61] : memref<10112x128xf32, #tpu.memory_space<vmem_shared>> -> memref<128x128xf32, #tpu.memory_space<vmem_shared>>
      %dma_wait3A_63 = arith.constant 0 : i32
      %dma_wait3A_64 = tpu.memref_slice %arg10[%add3A_13, %dma_wait3A_63] : memref<10112x128xf32, #tpu.memory_space<vmem_shared>> -> memref<128x128xf32, #tpu.memory_space<vmem_shared>>
      %dma_wait3A_65 = arith.constant 0 : i32
      %dma_wait3A_66 = arith.constant 0 : i32
      %dma_wait3A_67 = tpu.memref_slice %arg8[%dma_wait3A_65, %dma_wait3A_66] : memref<128x128xf32, #tpu.memory_space<vmem>> -> memref<128x128xf32, #tpu.memory_space<vmem>>
      tpu.wait_dma2 semaphore(%run_scoped3A : memref<!tpu.dma_semaphore, #tpu.memory_space<semaphore_mem>>) src(%dma_wait3A_67 : memref<128x128xf32, #tpu.memory_space<vmem>>) dst(%dma_wait3A_64 : memref<128x128xf32, #tpu.memory_space<vmem_shared>>)
      tpu.yield
    }) : () -> ()
    %mul3A_14 = arith.constant 632 : i32
    %mul3A_15 = arith.muli %arg1, %mul3A_14 : i32
    %add3A_16 = arith.constant 256 : i32
    %add3A_17 = arith.addi %mul3A_15, %add3A_16 : i32
    "tpu.region"() ({
      %run_scoped3A = tpu.sem_alloc : memref<!tpu.dma_semaphore, #tpu.memory_space<semaphore_mem>>
      %dma_start3A = arith.constant 0 : i32
      %dma_start3A_50 = arith.constant 0 : i32
      %dma_start3A_51 = tpu.memref_slice %arg8[%dma_start3A, %dma_start3A_50] : memref<128x128xf32, #tpu.memory_space<vmem>> -> memref<128x128xf32, #tpu.memory_space<vmem>>
      %dma_start3A_52 = arith.constant 0 : i32
      %dma_start3A_53 = tpu.memref_slice %arg10[%add3A_17, %dma_start3A_52] : memref<10112x128xf32, #tpu.memory_space<vmem_shared>> -> memref<128x128xf32, #tpu.memory_space<vmem_shared>>
      %dma_start3A_54 = arith.constant 0 : i32
      %dma_start3A_55 = tpu.memref_slice %arg10[%add3A_17, %dma_start3A_54] : memref<10112x128xf32, #tpu.memory_space<vmem_shared>> -> memref<128x128xf32, #tpu.memory_space<vmem_shared>>
      %dma_start3A_56 = arith.constant 0 : i32
      %dma_start3A_57 = arith.constant 0 : i32
      %dma_start3A_58 = tpu.memref_slice %arg8[%dma_start3A_56, %dma_start3A_57] : memref<128x128xf32, #tpu.memory_space<vmem>> -> memref<128x128xf32, #tpu.memory_space<vmem>>
      tpu.enqueue_dma source(%dma_start3A_58 : memref<128x128xf32, #tpu.memory_space<vmem>>) target(%dma_start3A_55 : memref<128x128xf32, #tpu.memory_space<vmem_shared>>) target_semaphore(%run_scoped3A : memref<!tpu.dma_semaphore, #tpu.memory_space<semaphore_mem>>)
      %dma_wait3A = arith.constant 0 : i32
      %dma_wait3A_59 = arith.constant 0 : i32
      %dma_wait3A_60 = tpu.memref_slice %arg8[%dma_wait3A, %dma_wait3A_59] : memref<128x128xf32, #tpu.memory_space<vmem>> -> memref<128x128xf32, #tpu.memory_space<vmem>>
      %dma_wait3A_61 = arith.constant 0 : i32
      %dma_wait3A_62 = tpu.memref_slice %arg10[%add3A_17, %dma_wait3A_61] : memref<10112x128xf32, #tpu.memory_space<vmem_shared>> -> memref<128x128xf32, #tpu.memory_space<vmem_shared>>
      %dma_wait3A_63 = arith.constant 0 : i32
      %dma_wait3A_64 = tpu.memref_slice %arg10[%add3A_17, %dma_wait3A_63] : memref<10112x128xf32, #tpu.memory_space<vmem_shared>> -> memref<128x128xf32, #tpu.memory_space<vmem_shared>>
      %dma_wait3A_65 = arith.constant 0 : i32
      %dma_wait3A_66 = arith.constant 0 : i32
      %dma_wait3A_67 = tpu.memref_slice %arg8[%dma_wait3A_65, %dma_wait3A_66] : memref<128x128xf32, #tpu.memory_space<vmem>> -> memref<128x128xf32, #tpu.memory_space<vmem>>
      tpu.wait_dma2 semaphore(%run_scoped3A : memref<!tpu.dma_semaphore, #tpu.memory_space<semaphore_mem>>) src(%dma_wait3A_67 : memref<128x128xf32, #tpu.memory_space<vmem>>) dst(%dma_wait3A_64 : memref<128x128xf32, #tpu.memory_space<vmem_shared>>)
      tpu.yield
    }) : () -> ()
    %mul3A_18 = arith.constant 632 : i32
    %mul3A_19 = arith.muli %arg1, %mul3A_18 : i32
    %add3A_20 = arith.constant 384 : i32
    %add3A_21 = arith.addi %mul3A_19, %add3A_20 : i32
    "tpu.region"() ({
      %run_scoped3A = tpu.sem_alloc : memref<!tpu.dma_semaphore, #tpu.memory_space<semaphore_mem>>
      %dma_start3A = arith.constant 0 : i32
      %dma_start3A_50 = arith.constant 0 : i32
      %dma_start3A_51 = tpu.memref_slice %arg8[%dma_start3A, %dma_start3A_50] : memref<128x128xf32, #tpu.memory_space<vmem>> -> memref<128x128xf32, #tpu.memory_space<vmem>>
      %dma_start3A_52 = arith.constant 0 : i32
      %dma_start3A_53 = tpu.memref_slice %arg10[%add3A_21, %dma_start3A_52] : memref<10112x128xf32, #tpu.memory_space<vmem_shared>> -> memref<128x128xf32, #tpu.memory_space<vmem_shared>>
      %dma_start3A_54 = arith.constant 0 : i32
      %dma_start3A_55 = tpu.memref_slice %arg10[%add3A_21, %dma_start3A_54] : memref<10112x128xf32, #tpu.memory_space<vmem_shared>> -> memref<128x128xf32, #tpu.memory_space<vmem_shared>>
      %dma_start3A_56 = arith.constant 0 : i32
      %dma_start3A_57 = arith.constant 0 : i32
      %dma_start3A_58 = tpu.memref_slice %arg8[%dma_start3A_56, %dma_start3A_57] : memref<128x128xf32, #tpu.memory_space<vmem>> -> memref<128x128xf32, #tpu.memory_space<vmem>>
      tpu.enqueue_dma source(%dma_start3A_58 : memref<128x128xf32, #tpu.memory_space<vmem>>) target(%dma_start3A_55 : memref<128x128xf32, #tpu.memory_space<vmem_shared>>) target_semaphore(%run_scoped3A : memref<!tpu.dma_semaphore, #tpu.memory_space<semaphore_mem>>)
      %dma_wait3A = arith.constant 0 : i32
      %dma_wait3A_59 = arith.constant 0 : i32
      %dma_wait3A_60 = tpu.memref_slice %arg8[%dma_wait3A, %dma_wait3A_59] : memref<128x128xf32, #tpu.memory_space<vmem>> -> memref<128x128xf32, #tpu.memory_space<vmem>>
      %dma_wait3A_61 = arith.constant 0 : i32
      %dma_wait3A_62 = tpu.memref_slice %arg10[%add3A_21, %dma_wait3A_61] : memref<10112x128xf32, #tpu.memory_space<vmem_shared>> -> memref<128x128xf32, #tpu.memory_space<vmem_shared>>
      %dma_wait3A_63 = arith.constant 0 : i32
      %dma_wait3A_64 = tpu.memref_slice %arg10[%add3A_21, %dma_wait3A_63] : memref<10112x128xf32, #tpu.memory_space<vmem_shared>> -> memref<128x128xf32, #tpu.memory_space<vmem_shared>>
      %dma_wait3A_65 = arith.constant 0 : i32
      %dma_wait3A_66 = arith.constant 0 : i32
      %dma_wait3A_67 = tpu.memref_slice %arg8[%dma_wait3A_65, %dma_wait3A_66] : memref<128x128xf32, #tpu.memory_space<vmem>> -> memref<128x128xf32, #tpu.memory_space<vmem>>
      tpu.wait_dma2 semaphore(%run_scoped3A : memref<!tpu.dma_semaphore, #tpu.memory_space<semaphore_mem>>) src(%dma_wait3A_67 : memref<128x128xf32, #tpu.memory_space<vmem>>) dst(%dma_wait3A_64 : memref<128x128xf32, #tpu.memory_space<vmem_shared>>)
      tpu.yield
    }) : () -> ()
    %mul3A_22 = arith.constant 632 : i32
    %mul3A_23 = arith.muli %arg1, %mul3A_22 : i32
    %add3A_24 = arith.constant 512 : i32
    %add3A_25 = arith.addi %mul3A_23, %add3A_24 : i32
    "tpu.region"() ({
      %run_scoped3A = tpu.sem_alloc : memref<!tpu.dma_semaphore, #tpu.memory_space<semaphore_mem>>
      %dma_start3A = arith.constant 0 : i32
      %dma_start3A_50 = arith.constant 0 : i32
      %dma_start3A_51 = tpu.memref_slice %arg8[%dma_start3A, %dma_start3A_50] : memref<128x128xf32, #tpu.memory_space<vmem>> -> memref<120x128xf32, #tpu.memory_space<vmem>>
      %dma_start3A_52 = arith.constant 0 : i32
      %dma_start3A_53 = tpu.memref_slice %arg10[%add3A_25, %dma_start3A_52] : memref<10112x128xf32, #tpu.memory_space<vmem_shared>> -> memref<120x128xf32, #tpu.memory_space<vmem_shared>>
      %dma_start3A_54 = arith.constant 0 : i32
      %dma_start3A_55 = tpu.memref_slice %arg10[%add3A_25, %dma_start3A_54] : memref<10112x128xf32, #tpu.memory_space<vmem_shared>> -> memref<120x128xf32, #tpu.memory_space<vmem_shared>>
      %dma_start3A_56 = arith.constant 0 : i32
      %dma_start3A_57 = arith.constant 0 : i32
      %dma_start3A_58 = tpu.memref_slice %arg8[%dma_start3A_56, %dma_start3A_57] : memref<128x128xf32, #tpu.memory_space<vmem>> -> memref<120x128xf32, #tpu.memory_space<vmem>>
      tpu.enqueue_dma source(%dma_start3A_58 : memref<120x128xf32, #tpu.memory_space<vmem>>) target(%dma_start3A_55 : memref<120x128xf32, #tpu.memory_space<vmem_shared>>) target_semaphore(%run_scoped3A : memref<!tpu.dma_semaphore, #tpu.memory_space<semaphore_mem>>)
      %dma_wait3A = arith.constant 0 : i32
      %dma_wait3A_59 = arith.constant 0 : i32
      %dma_wait3A_60 = tpu.memref_slice %arg8[%dma_wait3A, %dma_wait3A_59] : memref<128x128xf32, #tpu.memory_space<vmem>> -> memref<120x128xf32, #tpu.memory_space<vmem>>
      %dma_wait3A_61 = arith.constant 0 : i32
      %dma_wait3A_62 = tpu.memref_slice %arg10[%add3A_25, %dma_wait3A_61] : memref<10112x128xf32, #tpu.memory_space<vmem_shared>> -> memref<120x128xf32, #tpu.memory_space<vmem_shared>>
      %dma_wait3A_63 = arith.constant 0 : i32
      %dma_wait3A_64 = tpu.memref_slice %arg10[%add3A_25, %dma_wait3A_63] : memref<10112x128xf32, #tpu.memory_space<vmem_shared>> -> memref<120x128xf32, #tpu.memory_space<vmem_shared>>
      %dma_wait3A_65 = arith.constant 0 : i32
      %dma_wait3A_66 = arith.constant 0 : i32
      %dma_wait3A_67 = tpu.memref_slice %arg8[%dma_wait3A_65, %dma_wait3A_66] : memref<128x128xf32, #tpu.memory_space<vmem>> -> memref<120x128xf32, #tpu.memory_space<vmem>>
      tpu.wait_dma2 semaphore(%run_scoped3A : memref<!tpu.dma_semaphore, #tpu.memory_space<semaphore_mem>>) src(%dma_wait3A_67 : memref<120x128xf32, #tpu.memory_space<vmem>>) dst(%dma_wait3A_64 : memref<120x128xf32, #tpu.memory_space<vmem_shared>>)
      tpu.yield
    }) : () -> ()
    %barrier3A = arith.constant 0 : index
    tpu.barrier barrier_id(%barrier3A)
    %scan3A_26 = arith.constant 0 : i32
    %scan3A_27 = arith.constant 0 : i32
    %scan3A_28 = arith.constant 2 : i32
    %scan3A_29 = arith.addi %scan3A_27, %scan3A_28 : i32
    %scan3A_30 = arith.constant 1 : i32
    scf.for %scan3A_50 = %scan3A_27 to %scan3A_29 step %scan3A_30  : i32 {
      %mul3A_51 = arith.constant 40 : i32
      %mul3A_52 = arith.muli %scan3A_50, %mul3A_51 : i32
      "tpu.region"() ({
        %run_scoped3A = tpu.sem_alloc : memref<!tpu.dma_semaphore, #tpu.memory_space<semaphore_mem>>
        %dma_start3A_67 = arith.constant 0 : i32
        %dma_start3A_68 = tpu.memref_slice %arg3[%arg0, %arg1, %mul3A_52, %dma_start3A_67] : memref<2x16x80x128xi32, #tpu.memory_space<hbm>> -> memref<1x1x40x128xi32, #tpu.memory_space<hbm>>
        %dma_start3A_69 = tpu.memref_squeeze %dma_start3A_68 : memref<1x1x40x128xi32, #tpu.memory_space<hbm>> -> memref<40x128xi32, #tpu.memory_space<hbm>>
        %dma_start3A_70 = arith.constant 0 : i32
        %dma_start3A_71 = tpu.memref_slice %arg3[%arg0, %arg1, %mul3A_52, %dma_start3A_70] : memref<2x16x80x128xi32, #tpu.memory_space<hbm>> -> memref<1x1x40x128xi32, #tpu.memory_space<hbm>>
        %dma_start3A_72 = tpu.memref_squeeze %dma_start3A_71 : memref<1x1x40x128xi32, #tpu.memory_space<hbm>> -> memref<40x128xi32, #tpu.memory_space<hbm>>
        tpu.enqueue_dma source(%dma_start3A_72 : memref<40x128xi32, #tpu.memory_space<hbm>>) target(%arg6 : memref<40x128xi32, #tpu.memory_space<vmem>>) target_semaphore(%run_scoped3A : memref<!tpu.dma_semaphore, #tpu.memory_space<semaphore_mem>>)
        %dma_wait3A = arith.constant 0 : i32
        %dma_wait3A_73 = tpu.memref_slice %arg3[%arg0, %arg1, %mul3A_52, %dma_wait3A] : memref<2x16x80x128xi32, #tpu.memory_space<hbm>> -> memref<1x1x40x128xi32, #tpu.memory_space<hbm>>
        %dma_wait3A_74 = tpu.memref_squeeze %dma_wait3A_73 : memref<1x1x40x128xi32, #tpu.memory_space<hbm>> -> memref<40x128xi32, #tpu.memory_space<hbm>>
        %dma_wait3A_75 = arith.constant 0 : i32
        %dma_wait3A_76 = tpu.memref_slice %arg3[%arg0, %arg1, %mul3A_52, %dma_wait3A_75] : memref<2x16x80x128xi32, #tpu.memory_space<hbm>> -> memref<1x1x40x128xi32, #tpu.memory_space<hbm>>
        %dma_wait3A_77 = tpu.memref_squeeze %dma_wait3A_76 : memref<1x1x40x128xi32, #tpu.memory_space<hbm>> -> memref<40x128xi32, #tpu.memory_space<hbm>>
        tpu.wait_dma2 semaphore(%run_scoped3A : memref<!tpu.dma_semaphore, #tpu.memory_space<semaphore_mem>>) src(%dma_wait3A_77 : memref<40x128xi32, #tpu.memory_space<hbm>>) dst(%arg6 : memref<40x128xi32, #tpu.memory_space<vmem>>)
        tpu.yield
      }) : () -> ()
      %mul3A_53 = arith.constant 40 : i32
      %mul3A_54 = arith.muli %scan3A_50, %mul3A_53 : i32
      "tpu.region"() ({
        %run_scoped3A = tpu.sem_alloc : memref<!tpu.dma_semaphore, #tpu.memory_space<semaphore_mem>>
        %dma_start3A_67 = arith.constant 0 : i32
        %dma_start3A_68 = tpu.memref_slice %arg4[%arg1, %mul3A_54, %dma_start3A_67] : memref<16x80x128xi32, #tpu.memory_space<hbm>> -> memref<1x40x128xi32, #tpu.memory_space<hbm>>
        %dma_start3A_69 = tpu.memref_squeeze %dma_start3A_68 : memref<1x40x128xi32, #tpu.memory_space<hbm>> -> memref<40x128xi32, #tpu.memory_space<hbm>>
        %dma_start3A_70 = arith.constant 0 : i32
        %dma_start3A_71 = tpu.memref_slice %arg4[%arg1, %mul3A_54, %dma_start3A_70] : memref<16x80x128xi32, #tpu.memory_space<hbm>> -> memref<1x40x128xi32, #tpu.memory_space<hbm>>
        %dma_start3A_72 = tpu.memref_squeeze %dma_start3A_71 : memref<1x40x128xi32, #tpu.memory_space<hbm>> -> memref<40x128xi32, #tpu.memory_space<hbm>>
        tpu.enqueue_dma source(%dma_start3A_72 : memref<40x128xi32, #tpu.memory_space<hbm>>) target(%arg7 : memref<40x128xi32, #tpu.memory_space<vmem>>) target_semaphore(%run_scoped3A : memref<!tpu.dma_semaphore, #tpu.memory_space<semaphore_mem>>)
        %dma_wait3A = arith.constant 0 : i32
        %dma_wait3A_73 = tpu.memref_slice %arg4[%arg1, %mul3A_54, %dma_wait3A] : memref<16x80x128xi32, #tpu.memory_space<hbm>> -> memref<1x40x128xi32, #tpu.memory_space<hbm>>
        %dma_wait3A_74 = tpu.memref_squeeze %dma_wait3A_73 : memref<1x40x128xi32, #tpu.memory_space<hbm>> -> memref<40x128xi32, #tpu.memory_space<hbm>>
        %dma_wait3A_75 = arith.constant 0 : i32
        %dma_wait3A_76 = tpu.memref_slice %arg4[%arg1, %mul3A_54, %dma_wait3A_75] : memref<16x80x128xi32, #tpu.memory_space<hbm>> -> memref<1x40x128xi32, #tpu.memory_space<hbm>>
        %dma_wait3A_77 = tpu.memref_squeeze %dma_wait3A_76 : memref<1x40x128xi32, #tpu.memory_space<hbm>> -> memref<40x128xi32, #tpu.memory_space<hbm>>
        tpu.wait_dma2 semaphore(%run_scoped3A : memref<!tpu.dma_semaphore, #tpu.memory_space<semaphore_mem>>) src(%dma_wait3A_77 : memref<40x128xi32, #tpu.memory_space<hbm>>) dst(%arg7 : memref<40x128xi32, #tpu.memory_space<vmem>>)
        tpu.yield
      }) : () -> ()
      %dma_start3A = arith.constant 0 : i32
      %dma_start3A_55 = arith.constant 0 : i32
      %dma_start3A_56 = tpu.memref_slice %arg6[%dma_start3A, %dma_start3A_55] : memref<40x128xi32, #tpu.memory_space<vmem>> -> memref<1x128xi32, #tpu.memory_space<vmem>>
      %dma_start3A_57 = tpu.memref_squeeze %dma_start3A_56 : memref<1x128xi32, #tpu.memory_space<vmem>> -> memref<128xi32, #tpu.memory_space<vmem>>
      %dma_start3A_58 = arith.constant 0 : i32
      %dma_start3A_59 = arith.constant 0 : i32
      %dma_start3A_60 = tpu.memref_slice %arg2[%dma_start3A_58, %dma_start3A_59] : memref<20000x128xf32, #tpu.memory_space<hbm>> -> memref<20000x128xf32, #tpu.memory_space<hbm>>
      tpu.enqueue_indirect_dma source(%dma_start3A_60 : memref<20000x128xf32, #tpu.memory_space<hbm>>) target(%arg8 : memref<128x128xf32, #tpu.memory_space<vmem>>) offsets(%dma_start3A_57 : memref<128xi32, #tpu.memory_space<vmem>>) semaphore(%arg11 : memref<!tpu.dma_semaphore, #tpu.memory_space<semaphore_mem>>)
      %scan3A_61 = arith.constant 0 : i32
      %scan3A_62 = arith.constant 0 : i32
      %scan3A_63 = arith.constant 20 : i32
      %scan3A_64 = arith.addi %scan3A_62, %scan3A_63 : i32
      %scan3A_65 = arith.constant 1 : i32
      scf.for %scan3A_67 = %scan3A_62 to %scan3A_64 step %scan3A_65  : i32 {
        %mul3A_68 = arith.constant 2 : i32
        %mul3A_69 = arith.muli %mul3A_68, %scan3A_67 : i32
        %add3A_70 = arith.constant 1 : i32
        %add3A_71 = arith.addi %mul3A_69, %add3A_70 : i32
        %dma_start3A_72 = arith.constant 0 : i32
        %dma_start3A_73 = tpu.memref_slice %arg6[%add3A_71, %dma_start3A_72] : memref<40x128xi32, #tpu.memory_space<vmem>> -> memref<1x128xi32, #tpu.memory_space<vmem>>
        %dma_start3A_74 = tpu.memref_squeeze %dma_start3A_73 : memref<1x128xi32, #tpu.memory_space<vmem>> -> memref<128xi32, #tpu.memory_space<vmem>>
        %dma_start3A_75 = arith.constant 0 : i32
        %dma_start3A_76 = arith.constant 0 : i32
        %dma_start3A_77 = tpu.memref_slice %arg2[%dma_start3A_75, %dma_start3A_76] : memref<20000x128xf32, #tpu.memory_space<hbm>> -> memref<20000x128xf32, #tpu.memory_space<hbm>>
        tpu.enqueue_indirect_dma source(%dma_start3A_77 : memref<20000x128xf32, #tpu.memory_space<hbm>>) target(%arg9 : memref<128x128xf32, #tpu.memory_space<vmem>>) offsets(%dma_start3A_74 : memref<128xi32, #tpu.memory_space<vmem>>) semaphore(%arg12 : memref<!tpu.dma_semaphore, #tpu.memory_space<semaphore_mem>>)
        %dma_wait3A = arith.constant 0 : i32
        %dma_wait3A_78 = tpu.memref_slice %arg6[%mul3A_69, %dma_wait3A] : memref<40x128xi32, #tpu.memory_space<vmem>> -> memref<1x128xi32, #tpu.memory_space<vmem>>
        %dma_wait3A_79 = tpu.memref_squeeze %dma_wait3A_78 : memref<1x128xi32, #tpu.memory_space<vmem>> -> memref<128xi32, #tpu.memory_space<vmem>>
        %dma_wait3A_80 = arith.constant 0 : i32
        %dma_wait3A_81 = arith.constant 0 : i32
        %dma_wait3A_82 = tpu.memref_slice %arg2[%dma_wait3A_80, %dma_wait3A_81] : memref<20000x128xf32, #tpu.memory_space<hbm>> -> memref<20000x128xf32, #tpu.memory_space<hbm>>
        tpu.wait_indirect_dma semaphore(%arg11 : memref<!tpu.dma_semaphore, #tpu.memory_space<semaphore_mem>>) src(%dma_wait3A_82 : memref<20000x128xf32, #tpu.memory_space<hbm>>) dst(%arg8 : memref<128x128xf32, #tpu.memory_space<vmem>>)
        "tpu.region"() ({
          %run_scoped3A = tpu.sem_alloc : memref<!tpu.dma_semaphore, #tpu.memory_space<semaphore_mem>>
          %dma_start3A_93 = arith.constant 0 : i32
          %dma_start3A_94 = tpu.memref_slice %arg7[%mul3A_69, %dma_start3A_93] : memref<40x128xi32, #tpu.memory_space<vmem>> -> memref<1x128xi32, #tpu.memory_space<vmem>>
          %dma_start3A_95 = tpu.memref_squeeze %dma_start3A_94 : memref<1x128xi32, #tpu.memory_space<vmem>> -> memref<128xi32, #tpu.memory_space<vmem>>
          %dma_start3A_96 = arith.constant 0 : i32
          %dma_start3A_97 = arith.constant 0 : i32
          %dma_start3A_98 = tpu.memref_slice %arg10[%dma_start3A_96, %dma_start3A_97] : memref<10112x128xf32, #tpu.memory_space<vmem_shared>> -> memref<10112x128xf32, #tpu.memory_space<vmem_shared>>
          tpu.enqueue_indirect_dma source(%arg8 : memref<128x128xf32, #tpu.memory_space<vmem>>) target(%dma_start3A_98 : memref<10112x128xf32, #tpu.memory_space<vmem_shared>>) offsets(%dma_start3A_95 : memref<128xi32, #tpu.memory_space<vmem>>) semaphore(%run_scoped3A : memref<!tpu.dma_semaphore, #tpu.memory_space<semaphore_mem>>) {add = true}
          %dma_wait3A_99 = arith.constant 0 : i32
          %dma_wait3A_100 = tpu.memref_slice %arg7[%mul3A_69, %dma_wait3A_99] : memref<40x128xi32, #tpu.memory_space<vmem>> -> memref<1x128xi32, #tpu.memory_space<vmem>>
          %dma_wait3A_101 = tpu.memref_squeeze %dma_wait3A_100 : memref<1x128xi32, #tpu.memory_space<vmem>> -> memref<128xi32, #tpu.memory_space<vmem>>
          %dma_wait3A_102 = arith.constant 0 : i32
          %dma_wait3A_103 = arith.constant 0 : i32
          %dma_wait3A_104 = tpu.memref_slice %arg10[%dma_wait3A_102, %dma_wait3A_103] : memref<10112x128xf32, #tpu.memory_space<vmem_shared>> -> memref<10112x128xf32, #tpu.memory_space<vmem_shared>>
          tpu.wait_indirect_dma semaphore(%run_scoped3A : memref<!tpu.dma_semaphore, #tpu.memory_space<semaphore_mem>>) src(%arg8 : memref<128x128xf32, #tpu.memory_space<vmem>>) dst(%dma_wait3A_104 : memref<10112x128xf32, #tpu.memory_space<vmem_shared>>)
          tpu.yield
        }) : () -> ()
        %lt3A = arith.constant 19 : i32
        %lt3A_83 = arith.cmpi slt, %scan3A_67, %lt3A : i32
        %convert_element_type3A_84 = arith.extui %lt3A_83 : i1 to i32
        %cond3A_85 = arith.constant 0 : i32
        %cond3A_86 = arith.cmpi ne, %convert_element_type3A_84, %cond3A_85 : i32
        scf.if %cond3A_86 {
          %add3A_93 = arith.constant 2 : i32
          %add3A_94 = arith.addi %mul3A_69, %add3A_93 : i32
          %dma_start3A_95 = arith.constant 0 : i32
          %dma_start3A_96 = tpu.memref_slice %arg6[%add3A_94, %dma_start3A_95] : memref<40x128xi32, #tpu.memory_space<vmem>> -> memref<1x128xi32, #tpu.memory_space<vmem>>
          %dma_start3A_97 = tpu.memref_squeeze %dma_start3A_96 : memref<1x128xi32, #tpu.memory_space<vmem>> -> memref<128xi32, #tpu.memory_space<vmem>>
          %dma_start3A_98 = arith.constant 0 : i32
          %dma_start3A_99 = arith.constant 0 : i32
          %dma_start3A_100 = tpu.memref_slice %arg2[%dma_start3A_98, %dma_start3A_99] : memref<20000x128xf32, #tpu.memory_space<hbm>> -> memref<20000x128xf32, #tpu.memory_space<hbm>>
          tpu.enqueue_indirect_dma source(%dma_start3A_100 : memref<20000x128xf32, #tpu.memory_space<hbm>>) target(%arg8 : memref<128x128xf32, #tpu.memory_space<vmem>>) offsets(%dma_start3A_97 : memref<128xi32, #tpu.memory_space<vmem>>) semaphore(%arg11 : memref<!tpu.dma_semaphore, #tpu.memory_space<semaphore_mem>>)
        } else {
        }
        %dma_wait3A_87 = arith.constant 0 : i32
        %dma_wait3A_88 = tpu.memref_slice %arg6[%add3A_71, %dma_wait3A_87] : memref<40x128xi32, #tpu.memory_space<vmem>> -> memref<1x128xi32, #tpu.memory_space<vmem>>
        %dma_wait3A_89 = tpu.memref_squeeze %dma_wait3A_88 : memref<1x128xi32, #tpu.memory_space<vmem>> -> memref<128xi32, #tpu.memory_space<vmem>>
        %dma_wait3A_90 = arith.constant 0 : i32
        %dma_wait3A_91 = arith.constant 0 : i32
        %dma_wait3A_92 = tpu.memref_slice %arg2[%dma_wait3A_90, %dma_wait3A_91] : memref<20000x128xf32, #tpu.memory_space<hbm>> -> memref<20000x128xf32, #tpu.memory_space<hbm>>
        tpu.wait_indirect_dma semaphore(%arg12 : memref<!tpu.dma_semaphore, #tpu.memory_space<semaphore_mem>>) src(%dma_wait3A_92 : memref<20000x128xf32, #tpu.memory_space<hbm>>) dst(%arg9 : memref<128x128xf32, #tpu.memory_space<vmem>>)
        "tpu.region"() ({
          %run_scoped3A = tpu.sem_alloc : memref<!tpu.dma_semaphore, #tpu.memory_space<semaphore_mem>>
          %dma_start3A_93 = arith.constant 0 : i32
          %dma_start3A_94 = tpu.memref_slice %arg7[%add3A_71, %dma_start3A_93] : memref<40x128xi32, #tpu.memory_space<vmem>> -> memref<1x128xi32, #tpu.memory_space<vmem>>
          %dma_start3A_95 = tpu.memref_squeeze %dma_start3A_94 : memref<1x128xi32, #tpu.memory_space<vmem>> -> memref<128xi32, #tpu.memory_space<vmem>>
          %dma_start3A_96 = arith.constant 0 : i32
          %dma_start3A_97 = arith.constant 0 : i32
          %dma_start3A_98 = tpu.memref_slice %arg10[%dma_start3A_96, %dma_start3A_97] : memref<10112x128xf32, #tpu.memory_space<vmem_shared>> -> memref<10112x128xf32, #tpu.memory_space<vmem_shared>>
          tpu.enqueue_indirect_dma source(%arg9 : memref<128x128xf32, #tpu.memory_space<vmem>>) target(%dma_start3A_98 : memref<10112x128xf32, #tpu.memory_space<vmem_shared>>) offsets(%dma_start3A_95 : memref<128xi32, #tpu.memory_space<vmem>>) semaphore(%run_scoped3A : memref<!tpu.dma_semaphore, #tpu.memory_space<semaphore_mem>>) {add = true}
          %dma_wait3A_99 = arith.constant 0 : i32
          %dma_wait3A_100 = tpu.memref_slice %arg7[%add3A_71, %dma_wait3A_99] : memref<40x128xi32, #tpu.memory_space<vmem>> -> memref<1x128xi32, #tpu.memory_space<vmem>>
          %dma_wait3A_101 = tpu.memref_squeeze %dma_wait3A_100 : memref<1x128xi32, #tpu.memory_space<vmem>> -> memref<128xi32, #tpu.memory_space<vmem>>
          %dma_wait3A_102 = arith.constant 0 : i32
          %dma_wait3A_103 = arith.constant 0 : i32
          %dma_wait3A_104 = tpu.memref_slice %arg10[%dma_wait3A_102, %dma_wait3A_103] : memref<10112x128xf32, #tpu.memory_space<vmem_shared>> -> memref<10112x128xf32, #tpu.memory_space<vmem_shared>>
          tpu.wait_indirect_dma semaphore(%run_scoped3A : memref<!tpu.dma_semaphore, #tpu.memory_space<semaphore_mem>>) src(%arg9 : memref<128x128xf32, #tpu.memory_space<vmem>>) dst(%dma_wait3A_104 : memref<10112x128xf32, #tpu.memory_space<vmem_shared>>)
          tpu.yield
        }) : () -> ()
      }
      %scan3A_66 = arith.constant 20 : i32
    }
    %scan3A_31 = arith.constant 2 : i32
    %barrier3A_32 = arith.constant 0 : index
    tpu.barrier barrier_id(%barrier3A_32)
    %mul3A_33 = arith.constant 624 : i32
    %mul3A_34 = arith.muli %arg1, %mul3A_33 : i32
    %scan3A_35 = arith.constant 0 : i32
    %scan3A_36 = arith.constant 0 : i32
    %scan3A_37 = arith.constant 4 : i32
    %scan3A_38 = arith.addi %scan3A_36, %scan3A_37 : i32
    %scan3A_39 = arith.constant 1 : i32
    scf.for %scan3A_50 = %scan3A_36 to %scan3A_38 step %scan3A_39  : i32 {
      %mul3A_51 = arith.constant 128 : i32
      %mul3A_52 = arith.muli %scan3A_50, %mul3A_51 : i32
      %add3A_53 = arith.addi %mul3A_34, %mul3A_52 : i32
      "tpu.region"() ({
        %run_scoped3A = tpu.sem_alloc : memref<!tpu.dma_semaphore, #tpu.memory_space<semaphore_mem>>
        %dma_start3A = arith.constant 0 : i32
        %dma_start3A_58 = tpu.memref_slice %arg10[%add3A_53, %dma_start3A] : memref<10112x128xf32, #tpu.memory_space<vmem_shared>> -> memref<128x128xf32, #tpu.memory_space<vmem_shared>>
        %dma_start3A_59 = arith.constant 0 : i32
        %dma_start3A_60 = tpu.memref_slice %arg10[%add3A_53, %dma_start3A_59] : memref<10112x128xf32, #tpu.memory_space<vmem_shared>> -> memref<128x128xf32, #tpu.memory_space<vmem_shared>>
        tpu.enqueue_dma source(%dma_start3A_60 : memref<128x128xf32, #tpu.memory_space<vmem_shared>>) target(%arg8 : memref<128x128xf32, #tpu.memory_space<vmem>>) target_semaphore(%run_scoped3A : memref<!tpu.dma_semaphore, #tpu.memory_space<semaphore_mem>>)
        %dma_wait3A = arith.constant 0 : i32
        %dma_wait3A_61 = tpu.memref_slice %arg10[%add3A_53, %dma_wait3A] : memref<10112x128xf32, #tpu.memory_space<vmem_shared>> -> memref<128x128xf32, #tpu.memory_space<vmem_shared>>
        %dma_wait3A_62 = arith.constant 0 : i32
        %dma_wait3A_63 = tpu.memref_slice %arg10[%add3A_53, %dma_wait3A_62] : memref<10112x128xf32, #tpu.memory_space<vmem_shared>> -> memref<128x128xf32, #tpu.memory_space<vmem_shared>>
        tpu.wait_dma2 semaphore(%run_scoped3A : memref<!tpu.dma_semaphore, #tpu.memory_space<semaphore_mem>>) src(%dma_wait3A_63 : memref<128x128xf32, #tpu.memory_space<vmem_shared>>) dst(%arg8 : memref<128x128xf32, #tpu.memory_space<vmem>>)
        tpu.yield
      }) : () -> ()
      %mul3A_54 = arith.constant 10000 : i32
      %mul3A_55 = arith.muli %arg0, %mul3A_54 : i32
      %add3A_56 = arith.addi %mul3A_55, %mul3A_34 : i32
      %add3A_57 = arith.addi %add3A_56, %mul3A_52 : i32
      "tpu.region"() ({
        %run_scoped3A = tpu.sem_alloc : memref<!tpu.dma_semaphore, #tpu.memory_space<semaphore_mem>>
        %dma_start3A = arith.constant 0 : i32
        %dma_start3A_58 = tpu.memref_slice %arg5[%add3A_57, %dma_start3A] : memref<20000x128xf32, #tpu.memory_space<hbm>> -> memref<128x128xf32, #tpu.memory_space<hbm>>
        %dma_start3A_59 = arith.constant 0 : i32
        %dma_start3A_60 = tpu.memref_slice %arg5[%add3A_57, %dma_start3A_59] : memref<20000x128xf32, #tpu.memory_space<hbm>> -> memref<128x128xf32, #tpu.memory_space<hbm>>
        tpu.enqueue_dma source(%arg8 : memref<128x128xf32, #tpu.memory_space<vmem>>) target(%dma_start3A_60 : memref<128x128xf32, #tpu.memory_space<hbm>>) target_semaphore(%run_scoped3A : memref<!tpu.dma_semaphore, #tpu.memory_space<semaphore_mem>>)
        %dma_wait3A = arith.constant 0 : i32
        %dma_wait3A_61 = tpu.memref_slice %arg5[%add3A_57, %dma_wait3A] : memref<20000x128xf32, #tpu.memory_space<hbm>> -> memref<128x128xf32, #tpu.memory_space<hbm>>
        %dma_wait3A_62 = arith.constant 0 : i32
        %dma_wait3A_63 = tpu.memref_slice %arg5[%add3A_57, %dma_wait3A_62] : memref<20000x128xf32, #tpu.memory_space<hbm>> -> memref<128x128xf32, #tpu.memory_space<hbm>>
        tpu.wait_dma2 semaphore(%run_scoped3A : memref<!tpu.dma_semaphore, #tpu.memory_space<semaphore_mem>>) src(%arg8 : memref<128x128xf32, #tpu.memory_space<vmem>>) dst(%dma_wait3A_63 : memref<128x128xf32, #tpu.memory_space<hbm>>)
        tpu.yield
      }) : () -> ()
    }
    %scan3A_40 = arith.constant 4 : i32
    %add3A_41 = arith.constant 512 : i32
    %add3A_42 = arith.addi %mul3A_34, %add3A_41 : i32
    "tpu.region"() ({
      %run_scoped3A = tpu.sem_alloc : memref<!tpu.dma_semaphore, #tpu.memory_space<semaphore_mem>>
      %dma_start3A = arith.constant 0 : i32
      %dma_start3A_50 = arith.constant 0 : i32
      %dma_start3A_51 = tpu.memref_slice %arg8[%dma_start3A, %dma_start3A_50] : memref<128x128xf32, #tpu.memory_space<vmem>> -> memref<112x128xf32, #tpu.memory_space<vmem>>
      %dma_start3A_52 = arith.constant 0 : i32
      %dma_start3A_53 = tpu.memref_slice %arg10[%add3A_42, %dma_start3A_52] : memref<10112x128xf32, #tpu.memory_space<vmem_shared>> -> memref<112x128xf32, #tpu.memory_space<vmem_shared>>
      %dma_start3A_54 = arith.constant 0 : i32
      %dma_start3A_55 = arith.constant 0 : i32
      %dma_start3A_56 = tpu.memref_slice %arg8[%dma_start3A_54, %dma_start3A_55] : memref<128x128xf32, #tpu.memory_space<vmem>> -> memref<112x128xf32, #tpu.memory_space<vmem>>
      %dma_start3A_57 = arith.constant 0 : i32
      %dma_start3A_58 = tpu.memref_slice %arg10[%add3A_42, %dma_start3A_57] : memref<10112x128xf32, #tpu.memory_space<vmem_shared>> -> memref<112x128xf32, #tpu.memory_space<vmem_shared>>
      tpu.enqueue_dma source(%dma_start3A_58 : memref<112x128xf32, #tpu.memory_space<vmem_shared>>) target(%dma_start3A_56 : memref<112x128xf32, #tpu.memory_space<vmem>>) target_semaphore(%run_scoped3A : memref<!tpu.dma_semaphore, #tpu.memory_space<semaphore_mem>>)
      %dma_wait3A = arith.constant 0 : i32
      %dma_wait3A_59 = arith.constant 0 : i32
      %dma_wait3A_60 = tpu.memref_slice %arg8[%dma_wait3A, %dma_wait3A_59] : memref<128x128xf32, #tpu.memory_space<vmem>> -> memref<112x128xf32, #tpu.memory_space<vmem>>
      %dma_wait3A_61 = arith.constant 0 : i32
      %dma_wait3A_62 = tpu.memref_slice %arg10[%add3A_42, %dma_wait3A_61] : memref<10112x128xf32, #tpu.memory_space<vmem_shared>> -> memref<112x128xf32, #tpu.memory_space<vmem_shared>>
      %dma_wait3A_63 = arith.constant 0 : i32
      %dma_wait3A_64 = arith.constant 0 : i32
      %dma_wait3A_65 = tpu.memref_slice %arg8[%dma_wait3A_63, %dma_wait3A_64] : memref<128x128xf32, #tpu.memory_space<vmem>> -> memref<112x128xf32, #tpu.memory_space<vmem>>
      %dma_wait3A_66 = arith.constant 0 : i32
      %dma_wait3A_67 = tpu.memref_slice %arg10[%add3A_42, %dma_wait3A_66] : memref<10112x128xf32, #tpu.memory_space<vmem_shared>> -> memref<112x128xf32, #tpu.memory_space<vmem_shared>>
      tpu.wait_dma2 semaphore(%run_scoped3A : memref<!tpu.dma_semaphore, #tpu.memory_space<semaphore_mem>>) src(%dma_wait3A_67 : memref<112x128xf32, #tpu.memory_space<vmem_shared>>) dst(%dma_wait3A_65 : memref<112x128xf32, #tpu.memory_space<vmem>>)
      tpu.yield
    }) : () -> ()
    %mul3A_43 = arith.constant 10000 : i32
    %mul3A_44 = arith.muli %arg0, %mul3A_43 : i32
    %add3A_45 = arith.addi %mul3A_44, %mul3A_34 : i32
    %add3A_46 = arith.constant 512 : i32
    %add3A_47 = arith.addi %add3A_45, %add3A_46 : i32
    "tpu.region"() ({
      %run_scoped3A = tpu.sem_alloc : memref<!tpu.dma_semaphore, #tpu.memory_space<semaphore_mem>>
      %dma_start3A = arith.constant 0 : i32
      %dma_start3A_50 = arith.constant 0 : i32
      %dma_start3A_51 = tpu.memref_slice %arg8[%dma_start3A, %dma_start3A_50] : memref<128x128xf32, #tpu.memory_space<vmem>> -> memref<112x128xf32, #tpu.memory_space<vmem>>
      %dma_start3A_52 = arith.constant 0 : i32
      %dma_start3A_53 = tpu.memref_slice %arg5[%add3A_47, %dma_start3A_52] : memref<20000x128xf32, #tpu.memory_space<hbm>> -> memref<112x128xf32, #tpu.memory_space<hbm>>
      %dma_start3A_54 = arith.constant 0 : i32
      %dma_start3A_55 = tpu.memref_slice %arg5[%add3A_47, %dma_start3A_54] : memref<20000x128xf32, #tpu.memory_space<hbm>> -> memref<112x128xf32, #tpu.memory_space<hbm>>
      %dma_start3A_56 = arith.constant 0 : i32
      %dma_start3A_57 = arith.constant 0 : i32
      %dma_start3A_58 = tpu.memref_slice %arg8[%dma_start3A_56, %dma_start3A_57] : memref<128x128xf32, #tpu.memory_space<vmem>> -> memref<112x128xf32, #tpu.memory_space<vmem>>
      tpu.enqueue_dma source(%dma_start3A_58 : memref<112x128xf32, #tpu.memory_space<vmem>>) target(%dma_start3A_55 : memref<112x128xf32, #tpu.memory_space<hbm>>) target_semaphore(%run_scoped3A : memref<!tpu.dma_semaphore, #tpu.memory_space<semaphore_mem>>)
      %dma_wait3A = arith.constant 0 : i32
      %dma_wait3A_59 = arith.constant 0 : i32
      %dma_wait3A_60 = tpu.memref_slice %arg8[%dma_wait3A, %dma_wait3A_59] : memref<128x128xf32, #tpu.memory_space<vmem>> -> memref<112x128xf32, #tpu.memory_space<vmem>>
      %dma_wait3A_61 = arith.constant 0 : i32
      %dma_wait3A_62 = tpu.memref_slice %arg5[%add3A_47, %dma_wait3A_61] : memref<20000x128xf32, #tpu.memory_space<hbm>> -> memref<112x128xf32, #tpu.memory_space<hbm>>
      %dma_wait3A_63 = arith.constant 0 : i32
      %dma_wait3A_64 = tpu.memref_slice %arg5[%add3A_47, %dma_wait3A_63] : memref<20000x128xf32, #tpu.memory_space<hbm>> -> memref<112x128xf32, #tpu.memory_space<hbm>>
      %dma_wait3A_65 = arith.constant 0 : i32
      %dma_wait3A_66 = arith.constant 0 : i32
      %dma_wait3A_67 = tpu.memref_slice %arg8[%dma_wait3A_65, %dma_wait3A_66] : memref<128x128xf32, #tpu.memory_space<vmem>> -> memref<112x128xf32, #tpu.memory_space<vmem>>
      tpu.wait_dma2 semaphore(%run_scoped3A : memref<!tpu.dma_semaphore, #tpu.memory_space<semaphore_mem>>) src(%dma_wait3A_67 : memref<112x128xf32, #tpu.memory_space<vmem>>) dst(%dma_wait3A_64 : memref<112x128xf32, #tpu.memory_space<hbm>>)
      tpu.yield
    }) : () -> ()
    %eq3A = arith.constant 15 : i32
    %eq3A_48 = arith.cmpi eq, %arg1, %eq3A : i32
    %convert_element_type3A = arith.extui %eq3A_48 : i1 to i32
    %cond3A = arith.constant 0 : i32
    %cond3A_49 = arith.cmpi ne, %convert_element_type3A, %cond3A : i32
    scf.if %cond3A_49 {
      "tpu.region"() ({
        %run_scoped3A = tpu.sem_alloc : memref<!tpu.dma_semaphore, #tpu.memory_space<semaphore_mem>>
        %dma_start3A = arith.constant 0 : i32
        %dma_start3A_54 = arith.constant 0 : i32
        %dma_start3A_55 = tpu.memref_slice %arg8[%dma_start3A, %dma_start3A_54] : memref<128x128xf32, #tpu.memory_space<vmem>> -> memref<16x128xf32, #tpu.memory_space<vmem>>
        %dma_start3A_56 = arith.constant 9984 : i32
        %dma_start3A_57 = arith.constant 0 : i32
        %dma_start3A_58 = tpu.memref_slice %arg10[%dma_start3A_56, %dma_start3A_57] : memref<10112x128xf32, #tpu.memory_space<vmem_shared>> -> memref<16x128xf32, #tpu.memory_space<vmem_shared>>
        %dma_start3A_59 = arith.constant 0 : i32
        %dma_start3A_60 = arith.constant 0 : i32
        %dma_start3A_61 = tpu.memref_slice %arg8[%dma_start3A_59, %dma_start3A_60] : memref<128x128xf32, #tpu.memory_space<vmem>> -> memref<16x128xf32, #tpu.memory_space<vmem>>
        %dma_start3A_62 = arith.constant 9984 : i32
        %dma_start3A_63 = arith.constant 0 : i32
        %dma_start3A_64 = tpu.memref_slice %arg10[%dma_start3A_62, %dma_start3A_63] : memref<10112x128xf32, #tpu.memory_space<vmem_shared>> -> memref<16x128xf32, #tpu.memory_space<vmem_shared>>
        tpu.enqueue_dma source(%dma_start3A_64 : memref<16x128xf32, #tpu.memory_space<vmem_shared>>) target(%dma_start3A_61 : memref<16x128xf32, #tpu.memory_space<vmem>>) target_semaphore(%run_scoped3A : memref<!tpu.dma_semaphore, #tpu.memory_space<semaphore_mem>>)
        %dma_wait3A = arith.constant 0 : i32
        %dma_wait3A_65 = arith.constant 0 : i32
        %dma_wait3A_66 = tpu.memref_slice %arg8[%dma_wait3A, %dma_wait3A_65] : memref<128x128xf32, #tpu.memory_space<vmem>> -> memref<16x128xf32, #tpu.memory_space<vmem>>
        %dma_wait3A_67 = arith.constant 9984 : i32
        %dma_wait3A_68 = arith.constant 0 : i32
        %dma_wait3A_69 = tpu.memref_slice %arg10[%dma_wait3A_67, %dma_wait3A_68] : memref<10112x128xf32, #tpu.memory_space<vmem_shared>> -> memref<16x128xf32, #tpu.memory_space<vmem_shared>>
        %dma_wait3A_70 = arith.constant 0 : i32
        %dma_wait3A_71 = arith.constant 0 : i32
        %dma_wait3A_72 = tpu.memref_slice %arg8[%dma_wait3A_70, %dma_wait3A_71] : memref<128x128xf32, #tpu.memory_space<vmem>> -> memref<16x128xf32, #tpu.memory_space<vmem>>
        %dma_wait3A_73 = arith.constant 9984 : i32
        %dma_wait3A_74 = arith.constant 0 : i32
        %dma_wait3A_75 = tpu.memref_slice %arg10[%dma_wait3A_73, %dma_wait3A_74] : memref<10112x128xf32, #tpu.memory_space<vmem_shared>> -> memref<16x128xf32, #tpu.memory_space<vmem_shared>>
        tpu.wait_dma2 semaphore(%run_scoped3A : memref<!tpu.dma_semaphore, #tpu.memory_space<semaphore_mem>>) src(%dma_wait3A_75 : memref<16x128xf32, #tpu.memory_space<vmem_shared>>) dst(%dma_wait3A_72 : memref<16x128xf32, #tpu.memory_space<vmem>>)
        tpu.yield
      }) : () -> ()
      %mul3A_50 = arith.constant 10000 : i32
      %mul3A_51 = arith.muli %arg0, %mul3A_50 : i32
      %add3A_52 = arith.constant 9984 : i32
      %add3A_53 = arith.addi %mul3A_51, %add3A_52 : i32
      "tpu.region"() ({
        %run_scoped3A = tpu.sem_alloc : memref<!tpu.dma_semaphore, #tpu.memory_space<semaphore_mem>>
        %dma_start3A = arith.constant 0 : i32
        %dma_start3A_54 = arith.constant 0 : i32
        %dma_start3A_55 = tpu.memref_slice %arg8[%dma_start3A, %dma_start3A_54] : memref<128x128xf32, #tpu.memory_space<vmem>> -> memref<16x128xf32, #tpu.memory_space<vmem>>
        %dma_start3A_56 = arith.constant 0 : i32
        %dma_start3A_57 = tpu.memref_slice %arg5[%add3A_53, %dma_start3A_56] : memref<20000x128xf32, #tpu.memory_space<hbm>> -> memref<16x128xf32, #tpu.memory_space<hbm>>
        %dma_start3A_58 = arith.constant 0 : i32
        %dma_start3A_59 = tpu.memref_slice %arg5[%add3A_53, %dma_start3A_58] : memref<20000x128xf32, #tpu.memory_space<hbm>> -> memref<16x128xf32, #tpu.memory_space<hbm>>
        %dma_start3A_60 = arith.constant 0 : i32
        %dma_start3A_61 = arith.constant 0 : i32
        %dma_start3A_62 = tpu.memref_slice %arg8[%dma_start3A_60, %dma_start3A_61] : memref<128x128xf32, #tpu.memory_space<vmem>> -> memref<16x128xf32, #tpu.memory_space<vmem>>
        tpu.enqueue_dma source(%dma_start3A_62 : memref<16x128xf32, #tpu.memory_space<vmem>>) target(%dma_start3A_59 : memref<16x128xf32, #tpu.memory_space<hbm>>) target_semaphore(%run_scoped3A : memref<!tpu.dma_semaphore, #tpu.memory_space<semaphore_mem>>)
        %dma_wait3A = arith.constant 0 : i32
        %dma_wait3A_63 = arith.constant 0 : i32
        %dma_wait3A_64 = tpu.memref_slice %arg8[%dma_wait3A, %dma_wait3A_63] : memref<128x128xf32, #tpu.memory_space<vmem>> -> memref<16x128xf32, #tpu.memory_space<vmem>>
        %dma_wait3A_65 = arith.constant 0 : i32
        %dma_wait3A_66 = tpu.memref_slice %arg5[%add3A_53, %dma_wait3A_65] : memref<20000x128xf32, #tpu.memory_space<hbm>> -> memref<16x128xf32, #tpu.memory_space<hbm>>
        %dma_wait3A_67 = arith.constant 0 : i32
        %dma_wait3A_68 = tpu.memref_slice %arg5[%add3A_53, %dma_wait3A_67] : memref<20000x128xf32, #tpu.memory_space<hbm>> -> memref<16x128xf32, #tpu.memory_space<hbm>>
        %dma_wait3A_69 = arith.constant 0 : i32
        %dma_wait3A_70 = arith.constant 0 : i32
        %dma_wait3A_71 = tpu.memref_slice %arg8[%dma_wait3A_69, %dma_wait3A_70] : memref<128x128xf32, #tpu.memory_space<vmem>> -> memref<16x128xf32, #tpu.memory_space<vmem>>
        tpu.wait_dma2 semaphore(%run_scoped3A : memref<!tpu.dma_semaphore, #tpu.memory_space<semaphore_mem>>) src(%dma_wait3A_71 : memref<16x128xf32, #tpu.memory_space<vmem>>) dst(%dma_wait3A_68 : memref<16x128xf32, #tpu.memory_space<hbm>>)
        tpu.yield
      }) : () -> ()
    } else {
    }
    return
  }
}

#map = affine_map<(d0, d1) -> (0, 0, 0, 0)>
#map1 = affine_map<(d0, d1) -> (0, 0)>
module attributes {stable_mosaic.version = 14 : i64} {
  func.func @body(%arg0: i32, %arg1: i32, %arg2: memref<2x16x40x128xi32, #tpu.memory_space<hbm>>, %arg3: memref<20000x128xf32, #tpu.memory_space<hbm>>, %arg4: memref<40x128xi32, #tpu.memory_space<vmem>>, %arg5: memref<128x128xf32, #tpu.memory_space<vmem>>, %arg6: memref<10112x128xf32, #tpu.memory_space<vmem_shared>>, %arg7: memref<!tpu.dma_semaphore, #tpu.memory_space<semaphore_mem>>) attributes {dimension_semantics = [#tpu.dimension_semantics<core_parallel>, #tpu.dimension_semantics<subcore_parallel>], iteration_bounds = array<i64: 2, 16>, scalar_prefetch = 0 : i64, scratch_operands = 4 : i64, tpu.core_type = #tpu.core_type<sc_vector_subcore>, window_params = [{transform_indices = #map}, {transform_indices = #map1}]} {
    "tpu.region"() ({
      %run_scoped3A = tpu.sem_alloc : memref<!tpu.dma_semaphore, #tpu.memory_space<semaphore_mem>>
      %dma_start3A = arith.constant 0 : i32
      %dma_start3A_56 = arith.constant 0 : i32
      %dma_start3A_57 = tpu.memref_slice %arg2[%arg0, %arg1, %dma_start3A, %dma_start3A_56] : memref<2x16x40x128xi32, #tpu.memory_space<hbm>> -> memref<1x1x40x128xi32, #tpu.memory_space<hbm>>
      %dma_start3A_58 = tpu.memref_squeeze %dma_start3A_57 : memref<1x1x40x128xi32, #tpu.memory_space<hbm>> -> memref<40x128xi32, #tpu.memory_space<hbm>>
      %dma_start3A_59 = arith.constant 0 : i32
      %dma_start3A_60 = arith.constant 0 : i32
      %dma_start3A_61 = tpu.memref_slice %arg2[%arg0, %arg1, %dma_start3A_59, %dma_start3A_60] : memref<2x16x40x128xi32, #tpu.memory_space<hbm>> -> memref<1x1x40x128xi32, #tpu.memory_space<hbm>>
      %dma_start3A_62 = tpu.memref_squeeze %dma_start3A_61 : memref<1x1x40x128xi32, #tpu.memory_space<hbm>> -> memref<40x128xi32, #tpu.memory_space<hbm>>
      tpu.enqueue_dma source(%dma_start3A_62 : memref<40x128xi32, #tpu.memory_space<hbm>>) target(%arg4 : memref<40x128xi32, #tpu.memory_space<vmem>>) target_semaphore(%run_scoped3A : memref<!tpu.dma_semaphore, #tpu.memory_space<semaphore_mem>>)
      %dma_wait3A = arith.constant 0 : i32
      %dma_wait3A_63 = arith.constant 0 : i32
      %dma_wait3A_64 = tpu.memref_slice %arg2[%arg0, %arg1, %dma_wait3A, %dma_wait3A_63] : memref<2x16x40x128xi32, #tpu.memory_space<hbm>> -> memref<1x1x40x128xi32, #tpu.memory_space<hbm>>
      %dma_wait3A_65 = tpu.memref_squeeze %dma_wait3A_64 : memref<1x1x40x128xi32, #tpu.memory_space<hbm>> -> memref<40x128xi32, #tpu.memory_space<hbm>>
      %dma_wait3A_66 = arith.constant 0 : i32
      %dma_wait3A_67 = arith.constant 0 : i32
      %dma_wait3A_68 = tpu.memref_slice %arg2[%arg0, %arg1, %dma_wait3A_66, %dma_wait3A_67] : memref<2x16x40x128xi32, #tpu.memory_space<hbm>> -> memref<1x1x40x128xi32, #tpu.memory_space<hbm>>
      %dma_wait3A_69 = tpu.memref_squeeze %dma_wait3A_68 : memref<1x1x40x128xi32, #tpu.memory_space<hbm>> -> memref<40x128xi32, #tpu.memory_space<hbm>>
      tpu.wait_dma2 semaphore(%run_scoped3A : memref<!tpu.dma_semaphore, #tpu.memory_space<semaphore_mem>>) src(%dma_wait3A_69 : memref<40x128xi32, #tpu.memory_space<hbm>>) dst(%arg4 : memref<40x128xi32, #tpu.memory_space<vmem>>)
      tpu.yield
    }) : () -> ()
    %broadcast_in_dim3A = arith.constant 1.000000e+00 : f32
    %broadcast_in_dim3A_0 = vector.broadcast %broadcast_in_dim3A : f32 to vector<16xf32>
    %broadcast_in_dim3A_1 = arith.constant 0.000000e+00 : f32
    %broadcast_in_dim3A_2 = vector.broadcast %broadcast_in_dim3A_1 : f32 to vector<16xf32>
    %scan3A = arith.constant 0 : i32
    %scan3A_3 = arith.constant 0 : i32
    %scan3A_4 = arith.constant 128 : i32
    %scan3A_5 = arith.addi %scan3A_3, %scan3A_4 : i32
    %scan3A_6 = arith.constant 1 : i32
    scf.for %scan3A_56 = %scan3A_3 to %scan3A_5 step %scan3A_6  : i32 {
      %swap3A = arith.index_cast %scan3A_56 : i32 to index
      %swap3A_57 = arith.constant 0 : index
      %swap3A_58 = tpu.vector_load %arg5[%swap3A, %swap3A_57] {strides = array<i32>} : memref<128x128xf32, #tpu.memory_space<vmem>>, vector<1x16xf32>,
      %swap3A_59 = vector.shape_cast %swap3A_58 : vector<1x16xf32> to vector<16xf32>
      %swap3A_60 = vector.shape_cast %broadcast_in_dim3A_2 : vector<16xf32> to vector<1x16xf32>
      tpu.vector_store %arg5[%swap3A, %swap3A_57], %swap3A_60 {strides = array<i32>} : memref<128x128xf32, #tpu.memory_space<vmem>>, vector<1x16xf32>,
      %swap3A_61 = arith.index_cast %scan3A_56 : i32 to index
      %swap3A_62 = arith.constant 16 : index
      %swap3A_63 = tpu.vector_load %arg5[%swap3A_61, %swap3A_62] {strides = array<i32>} : memref<128x128xf32, #tpu.memory_space<vmem>>, vector<1x16xf32>,
      %swap3A_64 = vector.shape_cast %swap3A_63 : vector<1x16xf32> to vector<16xf32>
      %swap3A_65 = vector.shape_cast %broadcast_in_dim3A_2 : vector<16xf32> to vector<1x16xf32>
      tpu.vector_store %arg5[%swap3A_61, %swap3A_62], %swap3A_65 {strides = array<i32>} : memref<128x128xf32, #tpu.memory_space<vmem>>, vector<1x16xf32>,
      %swap3A_66 = arith.index_cast %scan3A_56 : i32 to index
      %swap3A_67 = arith.constant 32 : index
      %swap3A_68 = tpu.vector_load %arg5[%swap3A_66, %swap3A_67] {strides = array<i32>} : memref<128x128xf32, #tpu.memory_space<vmem>>, vector<1x16xf32>,
      %swap3A_69 = vector.shape_cast %swap3A_68 : vector<1x16xf32> to vector<16xf32>
      %swap3A_70 = vector.shape_cast %broadcast_in_dim3A_2 : vector<16xf32> to vector<1x16xf32>
      tpu.vector_store %arg5[%swap3A_66, %swap3A_67], %swap3A_70 {strides = array<i32>} : memref<128x128xf32, #tpu.memory_space<vmem>>, vector<1x16xf32>,
      %swap3A_71 = arith.index_cast %scan3A_56 : i32 to index
      %swap3A_72 = arith.constant 48 : index
      %swap3A_73 = tpu.vector_load %arg5[%swap3A_71, %swap3A_72] {strides = array<i32>} : memref<128x128xf32, #tpu.memory_space<vmem>>, vector<1x16xf32>,
      %swap3A_74 = vector.shape_cast %swap3A_73 : vector<1x16xf32> to vector<16xf32>
      %swap3A_75 = vector.shape_cast %broadcast_in_dim3A_2 : vector<16xf32> to vector<1x16xf32>
      tpu.vector_store %arg5[%swap3A_71, %swap3A_72], %swap3A_75 {strides = array<i32>} : memref<128x128xf32, #tpu.memory_space<vmem>>, vector<1x16xf32>,
      %swap3A_76 = arith.index_cast %scan3A_56 : i32 to index
      %swap3A_77 = arith.constant 64 : index
      %swap3A_78 = tpu.vector_load %arg5[%swap3A_76, %swap3A_77] {strides = array<i32>} : memref<128x128xf32, #tpu.memory_space<vmem>>, vector<1x16xf32>,
      %swap3A_79 = vector.shape_cast %swap3A_78 : vector<1x16xf32> to vector<16xf32>
      %swap3A_80 = vector.shape_cast %broadcast_in_dim3A_2 : vector<16xf32> to vector<1x16xf32>
      tpu.vector_store %arg5[%swap3A_76, %swap3A_77], %swap3A_80 {strides = array<i32>} : memref<128x128xf32, #tpu.memory_space<vmem>>, vector<1x16xf32>,
      %swap3A_81 = arith.index_cast %scan3A_56 : i32 to index
      %swap3A_82 = arith.constant 80 : index
      %swap3A_83 = tpu.vector_load %arg5[%swap3A_81, %swap3A_82] {strides = array<i32>} : memref<128x128xf32, #tpu.memory_space<vmem>>, vector<1x16xf32>,
      %swap3A_84 = vector.shape_cast %swap3A_83 : vector<1x16xf32> to vector<16xf32>
      %swap3A_85 = vector.shape_cast %broadcast_in_dim3A_2 : vector<16xf32> to vector<1x16xf32>
      tpu.vector_store %arg5[%swap3A_81, %swap3A_82], %swap3A_85 {strides = array<i32>} : memref<128x128xf32, #tpu.memory_space<vmem>>, vector<1x16xf32>,
      %swap3A_86 = arith.index_cast %scan3A_56 : i32 to index
      %swap3A_87 = arith.constant 96 : index
      %swap3A_88 = tpu.vector_load %arg5[%swap3A_86, %swap3A_87] {strides = array<i32>} : memref<128x128xf32, #tpu.memory_space<vmem>>, vector<1x16xf32>,
      %swap3A_89 = vector.shape_cast %swap3A_88 : vector<1x16xf32> to vector<16xf32>
      %swap3A_90 = vector.shape_cast %broadcast_in_dim3A_2 : vector<16xf32> to vector<1x16xf32>
      tpu.vector_store %arg5[%swap3A_86, %swap3A_87], %swap3A_90 {strides = array<i32>} : memref<128x128xf32, #tpu.memory_space<vmem>>, vector<1x16xf32>,
      %swap3A_91 = arith.index_cast %scan3A_56 : i32 to index
      %swap3A_92 = arith.constant 112 : index
      %swap3A_93 = tpu.vector_load %arg5[%swap3A_91, %swap3A_92] {strides = array<i32>} : memref<128x128xf32, #tpu.memory_space<vmem>>, vector<1x16xf32>,
      %swap3A_94 = vector.shape_cast %swap3A_93 : vector<1x16xf32> to vector<16xf32>
      %swap3A_95 = vector.shape_cast %broadcast_in_dim3A_2 : vector<16xf32> to vector<1x16xf32>
      tpu.vector_store %arg5[%swap3A_91, %swap3A_92], %swap3A_95 {strides = array<i32>} : memref<128x128xf32, #tpu.memory_space<vmem>>, vector<1x16xf32>,
    }
    %scan3A_7 = arith.constant 128 : i32
    %mul3A = arith.constant 632 : i32
    %mul3A_8 = arith.muli %arg1, %mul3A : i32
    %add3A = arith.constant 0 : i32
    %add3A_9 = arith.addi %mul3A_8, %add3A : i32
    "tpu.region"() ({
      %run_scoped3A = tpu.sem_alloc : memref<!tpu.dma_semaphore, #tpu.memory_space<semaphore_mem>>
      %dma_start3A = arith.constant 0 : i32
      %dma_start3A_56 = arith.constant 0 : i32
      %dma_start3A_57 = tpu.memref_slice %arg5[%dma_start3A, %dma_start3A_56] : memref<128x128xf32, #tpu.memory_space<vmem>> -> memref<128x128xf32, #tpu.memory_space<vmem>>
      %dma_start3A_58 = arith.constant 0 : i32
      %dma_start3A_59 = tpu.memref_slice %arg6[%add3A_9, %dma_start3A_58] : memref<10112x128xf32, #tpu.memory_space<vmem_shared>> -> memref<128x128xf32, #tpu.memory_space<vmem_shared>>
      %dma_start3A_60 = arith.constant 0 : i32
      %dma_start3A_61 = tpu.memref_slice %arg6[%add3A_9, %dma_start3A_60] : memref<10112x128xf32, #tpu.memory_space<vmem_shared>> -> memref<128x128xf32, #tpu.memory_space<vmem_shared>>
      %dma_start3A_62 = arith.constant 0 : i32
      %dma_start3A_63 = arith.constant 0 : i32
      %dma_start3A_64 = tpu.memref_slice %arg5[%dma_start3A_62, %dma_start3A_63] : memref<128x128xf32, #tpu.memory_space<vmem>> -> memref<128x128xf32, #tpu.memory_space<vmem>>
      tpu.enqueue_dma source(%dma_start3A_64 : memref<128x128xf32, #tpu.memory_space<vmem>>) target(%dma_start3A_61 : memref<128x128xf32, #tpu.memory_space<vmem_shared>>) target_semaphore(%run_scoped3A : memref<!tpu.dma_semaphore, #tpu.memory_space<semaphore_mem>>)
      %dma_wait3A = arith.constant 0 : i32
      %dma_wait3A_65 = arith.constant 0 : i32
      %dma_wait3A_66 = tpu.memref_slice %arg5[%dma_wait3A, %dma_wait3A_65] : memref<128x128xf32, #tpu.memory_space<vmem>> -> memref<128x128xf32, #tpu.memory_space<vmem>>
      %dma_wait3A_67 = arith.constant 0 : i32
      %dma_wait3A_68 = tpu.memref_slice %arg6[%add3A_9, %dma_wait3A_67] : memref<10112x128xf32, #tpu.memory_space<vmem_shared>> -> memref<128x128xf32, #tpu.memory_space<vmem_shared>>
      %dma_wait3A_69 = arith.constant 0 : i32
      %dma_wait3A_70 = tpu.memref_slice %arg6[%add3A_9, %dma_wait3A_69] : memref<10112x128xf32, #tpu.memory_space<vmem_shared>> -> memref<128x128xf32, #tpu.memory_space<vmem_shared>>
      %dma_wait3A_71 = arith.constant 0 : i32
      %dma_wait3A_72 = arith.constant 0 : i32
      %dma_wait3A_73 = tpu.memref_slice %arg5[%dma_wait3A_71, %dma_wait3A_72] : memref<128x128xf32, #tpu.memory_space<vmem>> -> memref<128x128xf32, #tpu.memory_space<vmem>>
      tpu.wait_dma2 semaphore(%run_scoped3A : memref<!tpu.dma_semaphore, #tpu.memory_space<semaphore_mem>>) src(%dma_wait3A_73 : memref<128x128xf32, #tpu.memory_space<vmem>>) dst(%dma_wait3A_70 : memref<128x128xf32, #tpu.memory_space<vmem_shared>>)
      tpu.yield
    }) : () -> ()
    %mul3A_10 = arith.constant 632 : i32
    %mul3A_11 = arith.muli %arg1, %mul3A_10 : i32
    %add3A_12 = arith.constant 128 : i32
    %add3A_13 = arith.addi %mul3A_11, %add3A_12 : i32
    "tpu.region"() ({
      %run_scoped3A = tpu.sem_alloc : memref<!tpu.dma_semaphore, #tpu.memory_space<semaphore_mem>>
      %dma_start3A = arith.constant 0 : i32
      %dma_start3A_56 = arith.constant 0 : i32
      %dma_start3A_57 = tpu.memref_slice %arg5[%dma_start3A, %dma_start3A_56] : memref<128x128xf32, #tpu.memory_space<vmem>> -> memref<128x128xf32, #tpu.memory_space<vmem>>
      %dma_start3A_58 = arith.constant 0 : i32
      %dma_start3A_59 = tpu.memref_slice %arg6[%add3A_13, %dma_start3A_58] : memref<10112x128xf32, #tpu.memory_space<vmem_shared>> -> memref<128x128xf32, #tpu.memory_space<vmem_shared>>
      %dma_start3A_60 = arith.constant 0 : i32
      %dma_start3A_61 = tpu.memref_slice %arg6[%add3A_13, %dma_start3A_60] : memref<10112x128xf32, #tpu.memory_space<vmem_shared>> -> memref<128x128xf32, #tpu.memory_space<vmem_shared>>
      %dma_start3A_62 = arith.constant 0 : i32
      %dma_start3A_63 = arith.constant 0 : i32
      %dma_start3A_64 = tpu.memref_slice %arg5[%dma_start3A_62, %dma_start3A_63] : memref<128x128xf32, #tpu.memory_space<vmem>> -> memref<128x128xf32, #tpu.memory_space<vmem>>
      tpu.enqueue_dma source(%dma_start3A_64 : memref<128x128xf32, #tpu.memory_space<vmem>>) target(%dma_start3A_61 : memref<128x128xf32, #tpu.memory_space<vmem_shared>>) target_semaphore(%run_scoped3A : memref<!tpu.dma_semaphore, #tpu.memory_space<semaphore_mem>>)
      %dma_wait3A = arith.constant 0 : i32
      %dma_wait3A_65 = arith.constant 0 : i32
      %dma_wait3A_66 = tpu.memref_slice %arg5[%dma_wait3A, %dma_wait3A_65] : memref<128x128xf32, #tpu.memory_space<vmem>> -> memref<128x128xf32, #tpu.memory_space<vmem>>
      %dma_wait3A_67 = arith.constant 0 : i32
      %dma_wait3A_68 = tpu.memref_slice %arg6[%add3A_13, %dma_wait3A_67] : memref<10112x128xf32, #tpu.memory_space<vmem_shared>> -> memref<128x128xf32, #tpu.memory_space<vmem_shared>>
      %dma_wait3A_69 = arith.constant 0 : i32
      %dma_wait3A_70 = tpu.memref_slice %arg6[%add3A_13, %dma_wait3A_69] : memref<10112x128xf32, #tpu.memory_space<vmem_shared>> -> memref<128x128xf32, #tpu.memory_space<vmem_shared>>
      %dma_wait3A_71 = arith.constant 0 : i32
      %dma_wait3A_72 = arith.constant 0 : i32
      %dma_wait3A_73 = tpu.memref_slice %arg5[%dma_wait3A_71, %dma_wait3A_72] : memref<128x128xf32, #tpu.memory_space<vmem>> -> memref<128x128xf32, #tpu.memory_space<vmem>>
      tpu.wait_dma2 semaphore(%run_scoped3A : memref<!tpu.dma_semaphore, #tpu.memory_space<semaphore_mem>>) src(%dma_wait3A_73 : memref<128x128xf32, #tpu.memory_space<vmem>>) dst(%dma_wait3A_70 : memref<128x128xf32, #tpu.memory_space<vmem_shared>>)
      tpu.yield
    }) : () -> ()
    %mul3A_14 = arith.constant 632 : i32
    %mul3A_15 = arith.muli %arg1, %mul3A_14 : i32
    %add3A_16 = arith.constant 256 : i32
    %add3A_17 = arith.addi %mul3A_15, %add3A_16 : i32
    "tpu.region"() ({
      %run_scoped3A = tpu.sem_alloc : memref<!tpu.dma_semaphore, #tpu.memory_space<semaphore_mem>>
      %dma_start3A = arith.constant 0 : i32
      %dma_start3A_56 = arith.constant 0 : i32
      %dma_start3A_57 = tpu.memref_slice %arg5[%dma_start3A, %dma_start3A_56] : memref<128x128xf32, #tpu.memory_space<vmem>> -> memref<128x128xf32, #tpu.memory_space<vmem>>
      %dma_start3A_58 = arith.constant 0 : i32
      %dma_start3A_59 = tpu.memref_slice %arg6[%add3A_17, %dma_start3A_58] : memref<10112x128xf32, #tpu.memory_space<vmem_shared>> -> memref<128x128xf32, #tpu.memory_space<vmem_shared>>
      %dma_start3A_60 = arith.constant 0 : i32
      %dma_start3A_61 = tpu.memref_slice %arg6[%add3A_17, %dma_start3A_60] : memref<10112x128xf32, #tpu.memory_space<vmem_shared>> -> memref<128x128xf32, #tpu.memory_space<vmem_shared>>
      %dma_start3A_62 = arith.constant 0 : i32
      %dma_start3A_63 = arith.constant 0 : i32
      %dma_start3A_64 = tpu.memref_slice %arg5[%dma_start3A_62, %dma_start3A_63] : memref<128x128xf32, #tpu.memory_space<vmem>> -> memref<128x128xf32, #tpu.memory_space<vmem>>
      tpu.enqueue_dma source(%dma_start3A_64 : memref<128x128xf32, #tpu.memory_space<vmem>>) target(%dma_start3A_61 : memref<128x128xf32, #tpu.memory_space<vmem_shared>>) target_semaphore(%run_scoped3A : memref<!tpu.dma_semaphore, #tpu.memory_space<semaphore_mem>>)
      %dma_wait3A = arith.constant 0 : i32
      %dma_wait3A_65 = arith.constant 0 : i32
      %dma_wait3A_66 = tpu.memref_slice %arg5[%dma_wait3A, %dma_wait3A_65] : memref<128x128xf32, #tpu.memory_space<vmem>> -> memref<128x128xf32, #tpu.memory_space<vmem>>
      %dma_wait3A_67 = arith.constant 0 : i32
      %dma_wait3A_68 = tpu.memref_slice %arg6[%add3A_17, %dma_wait3A_67] : memref<10112x128xf32, #tpu.memory_space<vmem_shared>> -> memref<128x128xf32, #tpu.memory_space<vmem_shared>>
      %dma_wait3A_69 = arith.constant 0 : i32
      %dma_wait3A_70 = tpu.memref_slice %arg6[%add3A_17, %dma_wait3A_69] : memref<10112x128xf32, #tpu.memory_space<vmem_shared>> -> memref<128x128xf32, #tpu.memory_space<vmem_shared>>
      %dma_wait3A_71 = arith.constant 0 : i32
      %dma_wait3A_72 = arith.constant 0 : i32
      %dma_wait3A_73 = tpu.memref_slice %arg5[%dma_wait3A_71, %dma_wait3A_72] : memref<128x128xf32, #tpu.memory_space<vmem>> -> memref<128x128xf32, #tpu.memory_space<vmem>>
      tpu.wait_dma2 semaphore(%run_scoped3A : memref<!tpu.dma_semaphore, #tpu.memory_space<semaphore_mem>>) src(%dma_wait3A_73 : memref<128x128xf32, #tpu.memory_space<vmem>>) dst(%dma_wait3A_70 : memref<128x128xf32, #tpu.memory_space<vmem_shared>>)
      tpu.yield
    }) : () -> ()
    %mul3A_18 = arith.constant 632 : i32
    %mul3A_19 = arith.muli %arg1, %mul3A_18 : i32
    %add3A_20 = arith.constant 384 : i32
    %add3A_21 = arith.addi %mul3A_19, %add3A_20 : i32
    "tpu.region"() ({
      %run_scoped3A = tpu.sem_alloc : memref<!tpu.dma_semaphore, #tpu.memory_space<semaphore_mem>>
      %dma_start3A = arith.constant 0 : i32
      %dma_start3A_56 = arith.constant 0 : i32
      %dma_start3A_57 = tpu.memref_slice %arg5[%dma_start3A, %dma_start3A_56] : memref<128x128xf32, #tpu.memory_space<vmem>> -> memref<128x128xf32, #tpu.memory_space<vmem>>
      %dma_start3A_58 = arith.constant 0 : i32
      %dma_start3A_59 = tpu.memref_slice %arg6[%add3A_21, %dma_start3A_58] : memref<10112x128xf32, #tpu.memory_space<vmem_shared>> -> memref<128x128xf32, #tpu.memory_space<vmem_shared>>
      %dma_start3A_60 = arith.constant 0 : i32
      %dma_start3A_61 = tpu.memref_slice %arg6[%add3A_21, %dma_start3A_60] : memref<10112x128xf32, #tpu.memory_space<vmem_shared>> -> memref<128x128xf32, #tpu.memory_space<vmem_shared>>
      %dma_start3A_62 = arith.constant 0 : i32
      %dma_start3A_63 = arith.constant 0 : i32
      %dma_start3A_64 = tpu.memref_slice %arg5[%dma_start3A_62, %dma_start3A_63] : memref<128x128xf32, #tpu.memory_space<vmem>> -> memref<128x128xf32, #tpu.memory_space<vmem>>
      tpu.enqueue_dma source(%dma_start3A_64 : memref<128x128xf32, #tpu.memory_space<vmem>>) target(%dma_start3A_61 : memref<128x128xf32, #tpu.memory_space<vmem_shared>>) target_semaphore(%run_scoped3A : memref<!tpu.dma_semaphore, #tpu.memory_space<semaphore_mem>>)
      %dma_wait3A = arith.constant 0 : i32
      %dma_wait3A_65 = arith.constant 0 : i32
      %dma_wait3A_66 = tpu.memref_slice %arg5[%dma_wait3A, %dma_wait3A_65] : memref<128x128xf32, #tpu.memory_space<vmem>> -> memref<128x128xf32, #tpu.memory_space<vmem>>
      %dma_wait3A_67 = arith.constant 0 : i32
      %dma_wait3A_68 = tpu.memref_slice %arg6[%add3A_21, %dma_wait3A_67] : memref<10112x128xf32, #tpu.memory_space<vmem_shared>> -> memref<128x128xf32, #tpu.memory_space<vmem_shared>>
      %dma_wait3A_69 = arith.constant 0 : i32
      %dma_wait3A_70 = tpu.memref_slice %arg6[%add3A_21, %dma_wait3A_69] : memref<10112x128xf32, #tpu.memory_space<vmem_shared>> -> memref<128x128xf32, #tpu.memory_space<vmem_shared>>
      %dma_wait3A_71 = arith.constant 0 : i32
      %dma_wait3A_72 = arith.constant 0 : i32
      %dma_wait3A_73 = tpu.memref_slice %arg5[%dma_wait3A_71, %dma_wait3A_72] : memref<128x128xf32, #tpu.memory_space<vmem>> -> memref<128x128xf32, #tpu.memory_space<vmem>>
      tpu.wait_dma2 semaphore(%run_scoped3A : memref<!tpu.dma_semaphore, #tpu.memory_space<semaphore_mem>>) src(%dma_wait3A_73 : memref<128x128xf32, #tpu.memory_space<vmem>>) dst(%dma_wait3A_70 : memref<128x128xf32, #tpu.memory_space<vmem_shared>>)
      tpu.yield
    }) : () -> ()
    %mul3A_22 = arith.constant 632 : i32
    %mul3A_23 = arith.muli %arg1, %mul3A_22 : i32
    %add3A_24 = arith.constant 512 : i32
    %add3A_25 = arith.addi %mul3A_23, %add3A_24 : i32
    "tpu.region"() ({
      %run_scoped3A = tpu.sem_alloc : memref<!tpu.dma_semaphore, #tpu.memory_space<semaphore_mem>>
      %dma_start3A = arith.constant 0 : i32
      %dma_start3A_56 = arith.constant 0 : i32
      %dma_start3A_57 = tpu.memref_slice %arg5[%dma_start3A, %dma_start3A_56] : memref<128x128xf32, #tpu.memory_space<vmem>> -> memref<120x128xf32, #tpu.memory_space<vmem>>
      %dma_start3A_58 = arith.constant 0 : i32
      %dma_start3A_59 = tpu.memref_slice %arg6[%add3A_25, %dma_start3A_58] : memref<10112x128xf32, #tpu.memory_space<vmem_shared>> -> memref<120x128xf32, #tpu.memory_space<vmem_shared>>
      %dma_start3A_60 = arith.constant 0 : i32
      %dma_start3A_61 = tpu.memref_slice %arg6[%add3A_25, %dma_start3A_60] : memref<10112x128xf32, #tpu.memory_space<vmem_shared>> -> memref<120x128xf32, #tpu.memory_space<vmem_shared>>
      %dma_start3A_62 = arith.constant 0 : i32
      %dma_start3A_63 = arith.constant 0 : i32
      %dma_start3A_64 = tpu.memref_slice %arg5[%dma_start3A_62, %dma_start3A_63] : memref<128x128xf32, #tpu.memory_space<vmem>> -> memref<120x128xf32, #tpu.memory_space<vmem>>
      tpu.enqueue_dma source(%dma_start3A_64 : memref<120x128xf32, #tpu.memory_space<vmem>>) target(%dma_start3A_61 : memref<120x128xf32, #tpu.memory_space<vmem_shared>>) target_semaphore(%run_scoped3A : memref<!tpu.dma_semaphore, #tpu.memory_space<semaphore_mem>>)
      %dma_wait3A = arith.constant 0 : i32
      %dma_wait3A_65 = arith.constant 0 : i32
      %dma_wait3A_66 = tpu.memref_slice %arg5[%dma_wait3A, %dma_wait3A_65] : memref<128x128xf32, #tpu.memory_space<vmem>> -> memref<120x128xf32, #tpu.memory_space<vmem>>
      %dma_wait3A_67 = arith.constant 0 : i32
      %dma_wait3A_68 = tpu.memref_slice %arg6[%add3A_25, %dma_wait3A_67] : memref<10112x128xf32, #tpu.memory_space<vmem_shared>> -> memref<120x128xf32, #tpu.memory_space<vmem_shared>>
      %dma_wait3A_69 = arith.constant 0 : i32
      %dma_wait3A_70 = tpu.memref_slice %arg6[%add3A_25, %dma_wait3A_69] : memref<10112x128xf32, #tpu.memory_space<vmem_shared>> -> memref<120x128xf32, #tpu.memory_space<vmem_shared>>
      %dma_wait3A_71 = arith.constant 0 : i32
      %dma_wait3A_72 = arith.constant 0 : i32
      %dma_wait3A_73 = tpu.memref_slice %arg5[%dma_wait3A_71, %dma_wait3A_72] : memref<128x128xf32, #tpu.memory_space<vmem>> -> memref<120x128xf32, #tpu.memory_space<vmem>>
      tpu.wait_dma2 semaphore(%run_scoped3A : memref<!tpu.dma_semaphore, #tpu.memory_space<semaphore_mem>>) src(%dma_wait3A_73 : memref<120x128xf32, #tpu.memory_space<vmem>>) dst(%dma_wait3A_70 : memref<120x128xf32, #tpu.memory_space<vmem_shared>>)
      tpu.yield
    }) : () -> ()
    %scan3A_26 = arith.constant 0 : i32
    %scan3A_27 = arith.constant 0 : i32
    %scan3A_28 = arith.constant 128 : i32
    %scan3A_29 = arith.addi %scan3A_27, %scan3A_28 : i32
    %scan3A_30 = arith.constant 1 : i32
    scf.for %scan3A_56 = %scan3A_27 to %scan3A_29 step %scan3A_30  : i32 {
      %swap3A = arith.index_cast %scan3A_56 : i32 to index
      %swap3A_57 = arith.constant 0 : index
      %swap3A_58 = tpu.vector_load %arg5[%swap3A, %swap3A_57] {strides = array<i32>} : memref<128x128xf32, #tpu.memory_space<vmem>>, vector<1x16xf32>,
      %swap3A_59 = vector.shape_cast %swap3A_58 : vector<1x16xf32> to vector<16xf32>
      %swap3A_60 = vector.shape_cast %broadcast_in_dim3A_0 : vector<16xf32> to vector<1x16xf32>
      tpu.vector_store %arg5[%swap3A, %swap3A_57], %swap3A_60 {strides = array<i32>} : memref<128x128xf32, #tpu.memory_space<vmem>>, vector<1x16xf32>,
      %swap3A_61 = arith.index_cast %scan3A_56 : i32 to index
      %swap3A_62 = arith.constant 16 : index
      %swap3A_63 = tpu.vector_load %arg5[%swap3A_61, %swap3A_62] {strides = array<i32>} : memref<128x128xf32, #tpu.memory_space<vmem>>, vector<1x16xf32>,
      %swap3A_64 = vector.shape_cast %swap3A_63 : vector<1x16xf32> to vector<16xf32>
      %swap3A_65 = vector.shape_cast %broadcast_in_dim3A_0 : vector<16xf32> to vector<1x16xf32>
      tpu.vector_store %arg5[%swap3A_61, %swap3A_62], %swap3A_65 {strides = array<i32>} : memref<128x128xf32, #tpu.memory_space<vmem>>, vector<1x16xf32>,
      %swap3A_66 = arith.index_cast %scan3A_56 : i32 to index
      %swap3A_67 = arith.constant 32 : index
      %swap3A_68 = tpu.vector_load %arg5[%swap3A_66, %swap3A_67] {strides = array<i32>} : memref<128x128xf32, #tpu.memory_space<vmem>>, vector<1x16xf32>,
      %swap3A_69 = vector.shape_cast %swap3A_68 : vector<1x16xf32> to vector<16xf32>
      %swap3A_70 = vector.shape_cast %broadcast_in_dim3A_0 : vector<16xf32> to vector<1x16xf32>
      tpu.vector_store %arg5[%swap3A_66, %swap3A_67], %swap3A_70 {strides = array<i32>} : memref<128x128xf32, #tpu.memory_space<vmem>>, vector<1x16xf32>,
      %swap3A_71 = arith.index_cast %scan3A_56 : i32 to index
      %swap3A_72 = arith.constant 48 : index
      %swap3A_73 = tpu.vector_load %arg5[%swap3A_71, %swap3A_72] {strides = array<i32>} : memref<128x128xf32, #tpu.memory_space<vmem>>, vector<1x16xf32>,
      %swap3A_74 = vector.shape_cast %swap3A_73 : vector<1x16xf32> to vector<16xf32>
      %swap3A_75 = vector.shape_cast %broadcast_in_dim3A_0 : vector<16xf32> to vector<1x16xf32>
      tpu.vector_store %arg5[%swap3A_71, %swap3A_72], %swap3A_75 {strides = array<i32>} : memref<128x128xf32, #tpu.memory_space<vmem>>, vector<1x16xf32>,
      %swap3A_76 = arith.index_cast %scan3A_56 : i32 to index
      %swap3A_77 = arith.constant 64 : index
      %swap3A_78 = tpu.vector_load %arg5[%swap3A_76, %swap3A_77] {strides = array<i32>} : memref<128x128xf32, #tpu.memory_space<vmem>>, vector<1x16xf32>,
      %swap3A_79 = vector.shape_cast %swap3A_78 : vector<1x16xf32> to vector<16xf32>
      %swap3A_80 = vector.shape_cast %broadcast_in_dim3A_0 : vector<16xf32> to vector<1x16xf32>
      tpu.vector_store %arg5[%swap3A_76, %swap3A_77], %swap3A_80 {strides = array<i32>} : memref<128x128xf32, #tpu.memory_space<vmem>>, vector<1x16xf32>,
      %swap3A_81 = arith.index_cast %scan3A_56 : i32 to index
      %swap3A_82 = arith.constant 80 : index
      %swap3A_83 = tpu.vector_load %arg5[%swap3A_81, %swap3A_82] {strides = array<i32>} : memref<128x128xf32, #tpu.memory_space<vmem>>, vector<1x16xf32>,
      %swap3A_84 = vector.shape_cast %swap3A_83 : vector<1x16xf32> to vector<16xf32>
      %swap3A_85 = vector.shape_cast %broadcast_in_dim3A_0 : vector<16xf32> to vector<1x16xf32>
      tpu.vector_store %arg5[%swap3A_81, %swap3A_82], %swap3A_85 {strides = array<i32>} : memref<128x128xf32, #tpu.memory_space<vmem>>, vector<1x16xf32>,
      %swap3A_86 = arith.index_cast %scan3A_56 : i32 to index
      %swap3A_87 = arith.constant 96 : index
      %swap3A_88 = tpu.vector_load %arg5[%swap3A_86, %swap3A_87] {strides = array<i32>} : memref<128x128xf32, #tpu.memory_space<vmem>>, vector<1x16xf32>,
      %swap3A_89 = vector.shape_cast %swap3A_88 : vector<1x16xf32> to vector<16xf32>
      %swap3A_90 = vector.shape_cast %broadcast_in_dim3A_0 : vector<16xf32> to vector<1x16xf32>
      tpu.vector_store %arg5[%swap3A_86, %swap3A_87], %swap3A_90 {strides = array<i32>} : memref<128x128xf32, #tpu.memory_space<vmem>>, vector<1x16xf32>,
      %swap3A_91 = arith.index_cast %scan3A_56 : i32 to index
      %swap3A_92 = arith.constant 112 : index
      %swap3A_93 = tpu.vector_load %arg5[%swap3A_91, %swap3A_92] {strides = array<i32>} : memref<128x128xf32, #tpu.memory_space<vmem>>, vector<1x16xf32>,
      %swap3A_94 = vector.shape_cast %swap3A_93 : vector<1x16xf32> to vector<16xf32>
      %swap3A_95 = vector.shape_cast %broadcast_in_dim3A_0 : vector<16xf32> to vector<1x16xf32>
      tpu.vector_store %arg5[%swap3A_91, %swap3A_92], %swap3A_95 {strides = array<i32>} : memref<128x128xf32, #tpu.memory_space<vmem>>, vector<1x16xf32>,
    }
    %scan3A_31 = arith.constant 128 : i32
    %barrier3A = arith.constant 0 : index
    tpu.barrier barrier_id(%barrier3A)
    %scan3A_32 = arith.constant 0 : i32
    %scan3A_33 = arith.constant 0 : i32
    %scan3A_34 = arith.constant 40 : i32
    %scan3A_35 = arith.addi %scan3A_33, %scan3A_34 : i32
    %scan3A_36 = arith.constant 1 : i32
    scf.for %scan3A_56 = %scan3A_33 to %scan3A_35 step %scan3A_36  : i32 {
      "tpu.region"() ({
        %run_scoped3A = tpu.sem_alloc : memref<!tpu.dma_semaphore, #tpu.memory_space<semaphore_mem>>
        %dma_start3A = arith.constant 0 : i32
        %dma_start3A_57 = tpu.memref_slice %arg4[%scan3A_56, %dma_start3A] : memref<40x128xi32, #tpu.memory_space<vmem>> -> memref<1x128xi32, #tpu.memory_space<vmem>>
        %dma_start3A_58 = tpu.memref_squeeze %dma_start3A_57 : memref<1x128xi32, #tpu.memory_space<vmem>> -> memref<128xi32, #tpu.memory_space<vmem>>
        %dma_start3A_59 = arith.constant 0 : i32
        %dma_start3A_60 = arith.constant 0 : i32
        %dma_start3A_61 = tpu.memref_slice %arg6[%dma_start3A_59, %dma_start3A_60] : memref<10112x128xf32, #tpu.memory_space<vmem_shared>> -> memref<10112x128xf32, #tpu.memory_space<vmem_shared>>
        tpu.enqueue_indirect_dma source(%arg5 : memref<128x128xf32, #tpu.memory_space<vmem>>) target(%dma_start3A_61 : memref<10112x128xf32, #tpu.memory_space<vmem_shared>>) offsets(%dma_start3A_58 : memref<128xi32, #tpu.memory_space<vmem>>) semaphore(%run_scoped3A : memref<!tpu.dma_semaphore, #tpu.memory_space<semaphore_mem>>) {add = true}
        %dma_wait3A = arith.constant 0 : i32
        %dma_wait3A_62 = tpu.memref_slice %arg4[%scan3A_56, %dma_wait3A] : memref<40x128xi32, #tpu.memory_space<vmem>> -> memref<1x128xi32, #tpu.memory_space<vmem>>
        %dma_wait3A_63 = tpu.memref_squeeze %dma_wait3A_62 : memref<1x128xi32, #tpu.memory_space<vmem>> -> memref<128xi32, #tpu.memory_space<vmem>>
        %dma_wait3A_64 = arith.constant 0 : i32
        %dma_wait3A_65 = arith.constant 0 : i32
        %dma_wait3A_66 = tpu.memref_slice %arg6[%dma_wait3A_64, %dma_wait3A_65] : memref<10112x128xf32, #tpu.memory_space<vmem_shared>> -> memref<10112x128xf32, #tpu.memory_space<vmem_shared>>
        tpu.wait_indirect_dma semaphore(%run_scoped3A : memref<!tpu.dma_semaphore, #tpu.memory_space<semaphore_mem>>) src(%arg5 : memref<128x128xf32, #tpu.memory_space<vmem>>) dst(%dma_wait3A_66 : memref<10112x128xf32, #tpu.memory_space<vmem_shared>>)
        tpu.yield
      }) : () -> ()
    }
    %scan3A_37 = arith.constant 40 : i32
    %barrier3A_38 = arith.constant 0 : index
    tpu.barrier barrier_id(%barrier3A_38)
    %mul3A_39 = arith.constant 624 : i32
    %mul3A_40 = arith.muli %arg1, %mul3A_39 : i32
    %scan3A_41 = arith.constant 0 : i32
    %scan3A_42 = arith.constant 0 : i32
    %scan3A_43 = arith.constant 4 : i32
    %scan3A_44 = arith.addi %scan3A_42, %scan3A_43 : i32
    %scan3A_45 = arith.constant 1 : i32
    scf.for %scan3A_56 = %scan3A_42 to %scan3A_44 step %scan3A_45  : i32 {
      %mul3A_57 = arith.constant 128 : i32
      %mul3A_58 = arith.muli %scan3A_56, %mul3A_57 : i32
      %add3A_59 = arith.addi %mul3A_40, %mul3A_58 : i32
      "tpu.region"() ({
        %run_scoped3A = tpu.sem_alloc : memref<!tpu.dma_semaphore, #tpu.memory_space<semaphore_mem>>
        %dma_start3A = arith.constant 0 : i32
        %dma_start3A_64 = tpu.memref_slice %arg6[%add3A_59, %dma_start3A] : memref<10112x128xf32, #tpu.memory_space<vmem_shared>> -> memref<128x128xf32, #tpu.memory_space<vmem_shared>>
        %dma_start3A_65 = arith.constant 0 : i32
        %dma_start3A_66 = tpu.memref_slice %arg6[%add3A_59, %dma_start3A_65] : memref<10112x128xf32, #tpu.memory_space<vmem_shared>> -> memref<128x128xf32, #tpu.memory_space<vmem_shared>>
        tpu.enqueue_dma source(%dma_start3A_66 : memref<128x128xf32, #tpu.memory_space<vmem_shared>>) target(%arg5 : memref<128x128xf32, #tpu.memory_space<vmem>>) target_semaphore(%run_scoped3A : memref<!tpu.dma_semaphore, #tpu.memory_space<semaphore_mem>>)
        %dma_wait3A = arith.constant 0 : i32
        %dma_wait3A_67 = tpu.memref_slice %arg6[%add3A_59, %dma_wait3A] : memref<10112x128xf32, #tpu.memory_space<vmem_shared>> -> memref<128x128xf32, #tpu.memory_space<vmem_shared>>
        %dma_wait3A_68 = arith.constant 0 : i32
        %dma_wait3A_69 = tpu.memref_slice %arg6[%add3A_59, %dma_wait3A_68] : memref<10112x128xf32, #tpu.memory_space<vmem_shared>> -> memref<128x128xf32, #tpu.memory_space<vmem_shared>>
        tpu.wait_dma2 semaphore(%run_scoped3A : memref<!tpu.dma_semaphore, #tpu.memory_space<semaphore_mem>>) src(%dma_wait3A_69 : memref<128x128xf32, #tpu.memory_space<vmem_shared>>) dst(%arg5 : memref<128x128xf32, #tpu.memory_space<vmem>>)
        tpu.yield
      }) : () -> ()
      %mul3A_60 = arith.constant 10000 : i32
      %mul3A_61 = arith.muli %arg0, %mul3A_60 : i32
      %add3A_62 = arith.addi %mul3A_61, %mul3A_40 : i32
      %add3A_63 = arith.addi %add3A_62, %mul3A_58 : i32
      "tpu.region"() ({
        %run_scoped3A = tpu.sem_alloc : memref<!tpu.dma_semaphore, #tpu.memory_space<semaphore_mem>>
        %dma_start3A = arith.constant 0 : i32
        %dma_start3A_64 = tpu.memref_slice %arg3[%add3A_63, %dma_start3A] : memref<20000x128xf32, #tpu.memory_space<hbm>> -> memref<128x128xf32, #tpu.memory_space<hbm>>
        %dma_start3A_65 = arith.constant 0 : i32
        %dma_start3A_66 = tpu.memref_slice %arg3[%add3A_63, %dma_start3A_65] : memref<20000x128xf32, #tpu.memory_space<hbm>> -> memref<128x128xf32, #tpu.memory_space<hbm>>
        tpu.enqueue_dma source(%arg5 : memref<128x128xf32, #tpu.memory_space<vmem>>) target(%dma_start3A_66 : memref<128x128xf32, #tpu.memory_space<hbm>>) target_semaphore(%run_scoped3A : memref<!tpu.dma_semaphore, #tpu.memory_space<semaphore_mem>>)
        %dma_wait3A = arith.constant 0 : i32
        %dma_wait3A_67 = tpu.memref_slice %arg3[%add3A_63, %dma_wait3A] : memref<20000x128xf32, #tpu.memory_space<hbm>> -> memref<128x128xf32, #tpu.memory_space<hbm>>
        %dma_wait3A_68 = arith.constant 0 : i32
        %dma_wait3A_69 = tpu.memref_slice %arg3[%add3A_63, %dma_wait3A_68] : memref<20000x128xf32, #tpu.memory_space<hbm>> -> memref<128x128xf32, #tpu.memory_space<hbm>>
        tpu.wait_dma2 semaphore(%run_scoped3A : memref<!tpu.dma_semaphore, #tpu.memory_space<semaphore_mem>>) src(%arg5 : memref<128x128xf32, #tpu.memory_space<vmem>>) dst(%dma_wait3A_69 : memref<128x128xf32, #tpu.memory_space<hbm>>)
        tpu.yield
      }) : () -> ()
    }
    %scan3A_46 = arith.constant 4 : i32
    %add3A_47 = arith.constant 512 : i32
    %add3A_48 = arith.addi %mul3A_40, %add3A_47 : i32
    "tpu.region"() ({
      %run_scoped3A = tpu.sem_alloc : memref<!tpu.dma_semaphore, #tpu.memory_space<semaphore_mem>>
      %dma_start3A = arith.constant 0 : i32
      %dma_start3A_56 = arith.constant 0 : i32
      %dma_start3A_57 = tpu.memref_slice %arg5[%dma_start3A, %dma_start3A_56] : memref<128x128xf32, #tpu.memory_space<vmem>> -> memref<112x128xf32, #tpu.memory_space<vmem>>
      %dma_start3A_58 = arith.constant 0 : i32
      %dma_start3A_59 = tpu.memref_slice %arg6[%add3A_48, %dma_start3A_58] : memref<10112x128xf32, #tpu.memory_space<vmem_shared>> -> memref<112x128xf32, #tpu.memory_space<vmem_shared>>
      %dma_start3A_60 = arith.constant 0 : i32
      %dma_start3A_61 = arith.constant 0 : i32
      %dma_start3A_62 = tpu.memref_slice %arg5[%dma_start3A_60, %dma_start3A_61] : memref<128x128xf32, #tpu.memory_space<vmem>> -> memref<112x128xf32, #tpu.memory_space<vmem>>
      %dma_start3A_63 = arith.constant 0 : i32
      %dma_start3A_64 = tpu.memref_slice %arg6[%add3A_48, %dma_start3A_63] : memref<10112x128xf32, #tpu.memory_space<vmem_shared>> -> memref<112x128xf32, #tpu.memory_space<vmem_shared>>
      tpu.enqueue_dma source(%dma_start3A_64 : memref<112x128xf32, #tpu.memory_space<vmem_shared>>) target(%dma_start3A_62 : memref<112x128xf32, #tpu.memory_space<vmem>>) target_semaphore(%run_scoped3A : memref<!tpu.dma_semaphore, #tpu.memory_space<semaphore_mem>>)
      %dma_wait3A = arith.constant 0 : i32
      %dma_wait3A_65 = arith.constant 0 : i32
      %dma_wait3A_66 = tpu.memref_slice %arg5[%dma_wait3A, %dma_wait3A_65] : memref<128x128xf32, #tpu.memory_space<vmem>> -> memref<112x128xf32, #tpu.memory_space<vmem>>
      %dma_wait3A_67 = arith.constant 0 : i32
      %dma_wait3A_68 = tpu.memref_slice %arg6[%add3A_48, %dma_wait3A_67] : memref<10112x128xf32, #tpu.memory_space<vmem_shared>> -> memref<112x128xf32, #tpu.memory_space<vmem_shared>>
      %dma_wait3A_69 = arith.constant 0 : i32
      %dma_wait3A_70 = arith.constant 0 : i32
      %dma_wait3A_71 = tpu.memref_slice %arg5[%dma_wait3A_69, %dma_wait3A_70] : memref<128x128xf32, #tpu.memory_space<vmem>> -> memref<112x128xf32, #tpu.memory_space<vmem>>
      %dma_wait3A_72 = arith.constant 0 : i32
      %dma_wait3A_73 = tpu.memref_slice %arg6[%add3A_48, %dma_wait3A_72] : memref<10112x128xf32, #tpu.memory_space<vmem_shared>> -> memref<112x128xf32, #tpu.memory_space<vmem_shared>>
      tpu.wait_dma2 semaphore(%run_scoped3A : memref<!tpu.dma_semaphore, #tpu.memory_space<semaphore_mem>>) src(%dma_wait3A_73 : memref<112x128xf32, #tpu.memory_space<vmem_shared>>) dst(%dma_wait3A_71 : memref<112x128xf32, #tpu.memory_space<vmem>>)
      tpu.yield
    }) : () -> ()
    %mul3A_49 = arith.constant 10000 : i32
    %mul3A_50 = arith.muli %arg0, %mul3A_49 : i32
    %add3A_51 = arith.addi %mul3A_50, %mul3A_40 : i32
    %add3A_52 = arith.constant 512 : i32
    %add3A_53 = arith.addi %add3A_51, %add3A_52 : i32
    "tpu.region"() ({
      %run_scoped3A = tpu.sem_alloc : memref<!tpu.dma_semaphore, #tpu.memory_space<semaphore_mem>>
      %dma_start3A = arith.constant 0 : i32
      %dma_start3A_56 = arith.constant 0 : i32
      %dma_start3A_57 = tpu.memref_slice %arg5[%dma_start3A, %dma_start3A_56] : memref<128x128xf32, #tpu.memory_space<vmem>> -> memref<112x128xf32, #tpu.memory_space<vmem>>
      %dma_start3A_58 = arith.constant 0 : i32
      %dma_start3A_59 = tpu.memref_slice %arg3[%add3A_53, %dma_start3A_58] : memref<20000x128xf32, #tpu.memory_space<hbm>> -> memref<112x128xf32, #tpu.memory_space<hbm>>
      %dma_start3A_60 = arith.constant 0 : i32
      %dma_start3A_61 = tpu.memref_slice %arg3[%add3A_53, %dma_start3A_60] : memref<20000x128xf32, #tpu.memory_space<hbm>> -> memref<112x128xf32, #tpu.memory_space<hbm>>
      %dma_start3A_62 = arith.constant 0 : i32
      %dma_start3A_63 = arith.constant 0 : i32
      %dma_start3A_64 = tpu.memref_slice %arg5[%dma_start3A_62, %dma_start3A_63] : memref<128x128xf32, #tpu.memory_space<vmem>> -> memref<112x128xf32, #tpu.memory_space<vmem>>
      tpu.enqueue_dma source(%dma_start3A_64 : memref<112x128xf32, #tpu.memory_space<vmem>>) target(%dma_start3A_61 : memref<112x128xf32, #tpu.memory_space<hbm>>) target_semaphore(%run_scoped3A : memref<!tpu.dma_semaphore, #tpu.memory_space<semaphore_mem>>)
      %dma_wait3A = arith.constant 0 : i32
      %dma_wait3A_65 = arith.constant 0 : i32
      %dma_wait3A_66 = tpu.memref_slice %arg5[%dma_wait3A, %dma_wait3A_65] : memref<128x128xf32, #tpu.memory_space<vmem>> -> memref<112x128xf32, #tpu.memory_space<vmem>>
      %dma_wait3A_67 = arith.constant 0 : i32
      %dma_wait3A_68 = tpu.memref_slice %arg3[%add3A_53, %dma_wait3A_67] : memref<20000x128xf32, #tpu.memory_space<hbm>> -> memref<112x128xf32, #tpu.memory_space<hbm>>
      %dma_wait3A_69 = arith.constant 0 : i32
      %dma_wait3A_70 = tpu.memref_slice %arg3[%add3A_53, %dma_wait3A_69] : memref<20000x128xf32, #tpu.memory_space<hbm>> -> memref<112x128xf32, #tpu.memory_space<hbm>>
      %dma_wait3A_71 = arith.constant 0 : i32
      %dma_wait3A_72 = arith.constant 0 : i32
      %dma_wait3A_73 = tpu.memref_slice %arg5[%dma_wait3A_71, %dma_wait3A_72] : memref<128x128xf32, #tpu.memory_space<vmem>> -> memref<112x128xf32, #tpu.memory_space<vmem>>
      tpu.wait_dma2 semaphore(%run_scoped3A : memref<!tpu.dma_semaphore, #tpu.memory_space<semaphore_mem>>) src(%dma_wait3A_73 : memref<112x128xf32, #tpu.memory_space<vmem>>) dst(%dma_wait3A_70 : memref<112x128xf32, #tpu.memory_space<hbm>>)
      tpu.yield
    }) : () -> ()
    %eq3A = arith.constant 15 : i32
    %eq3A_54 = arith.cmpi eq, %arg1, %eq3A : i32
    %convert_element_type3A = arith.extui %eq3A_54 : i1 to i32
    %cond3A = arith.constant 0 : i32
    %cond3A_55 = arith.cmpi ne, %convert_element_type3A, %cond3A : i32
    scf.if %cond3A_55 {
      "tpu.region"() ({
        %run_scoped3A = tpu.sem_alloc : memref<!tpu.dma_semaphore, #tpu.memory_space<semaphore_mem>>
        %dma_start3A = arith.constant 0 : i32
        %dma_start3A_60 = arith.constant 0 : i32
        %dma_start3A_61 = tpu.memref_slice %arg5[%dma_start3A, %dma_start3A_60] : memref<128x128xf32, #tpu.memory_space<vmem>> -> memref<16x128xf32, #tpu.memory_space<vmem>>
        %dma_start3A_62 = arith.constant 9984 : i32
        %dma_start3A_63 = arith.constant 0 : i32
        %dma_start3A_64 = tpu.memref_slice %arg6[%dma_start3A_62, %dma_start3A_63] : memref<10112x128xf32, #tpu.memory_space<vmem_shared>> -> memref<16x128xf32, #tpu.memory_space<vmem_shared>>
        %dma_start3A_65 = arith.constant 0 : i32
        %dma_start3A_66 = arith.constant 0 : i32
        %dma_start3A_67 = tpu.memref_slice %arg5[%dma_start3A_65, %dma_start3A_66] : memref<128x128xf32, #tpu.memory_space<vmem>> -> memref<16x128xf32, #tpu.memory_space<vmem>>
        %dma_start3A_68 = arith.constant 9984 : i32
        %dma_start3A_69 = arith.constant 0 : i32
        %dma_start3A_70 = tpu.memref_slice %arg6[%dma_start3A_68, %dma_start3A_69] : memref<10112x128xf32, #tpu.memory_space<vmem_shared>> -> memref<16x128xf32, #tpu.memory_space<vmem_shared>>
        tpu.enqueue_dma source(%dma_start3A_70 : memref<16x128xf32, #tpu.memory_space<vmem_shared>>) target(%dma_start3A_67 : memref<16x128xf32, #tpu.memory_space<vmem>>) target_semaphore(%run_scoped3A : memref<!tpu.dma_semaphore, #tpu.memory_space<semaphore_mem>>)
        %dma_wait3A = arith.constant 0 : i32
        %dma_wait3A_71 = arith.constant 0 : i32
        %dma_wait3A_72 = tpu.memref_slice %arg5[%dma_wait3A, %dma_wait3A_71] : memref<128x128xf32, #tpu.memory_space<vmem>> -> memref<16x128xf32, #tpu.memory_space<vmem>>
        %dma_wait3A_73 = arith.constant 9984 : i32
        %dma_wait3A_74 = arith.constant 0 : i32
        %dma_wait3A_75 = tpu.memref_slice %arg6[%dma_wait3A_73, %dma_wait3A_74] : memref<10112x128xf32, #tpu.memory_space<vmem_shared>> -> memref<16x128xf32, #tpu.memory_space<vmem_shared>>
        %dma_wait3A_76 = arith.constant 0 : i32
        %dma_wait3A_77 = arith.constant 0 : i32
        %dma_wait3A_78 = tpu.memref_slice %arg5[%dma_wait3A_76, %dma_wait3A_77] : memref<128x128xf32, #tpu.memory_space<vmem>> -> memref<16x128xf32, #tpu.memory_space<vmem>>
        %dma_wait3A_79 = arith.constant 9984 : i32
        %dma_wait3A_80 = arith.constant 0 : i32
        %dma_wait3A_81 = tpu.memref_slice %arg6[%dma_wait3A_79, %dma_wait3A_80] : memref<10112x128xf32, #tpu.memory_space<vmem_shared>> -> memref<16x128xf32, #tpu.memory_space<vmem_shared>>
        tpu.wait_dma2 semaphore(%run_scoped3A : memref<!tpu.dma_semaphore, #tpu.memory_space<semaphore_mem>>) src(%dma_wait3A_81 : memref<16x128xf32, #tpu.memory_space<vmem_shared>>) dst(%dma_wait3A_78 : memref<16x128xf32, #tpu.memory_space<vmem>>)
        tpu.yield
      }) : () -> ()
      %mul3A_56 = arith.constant 10000 : i32
      %mul3A_57 = arith.muli %arg0, %mul3A_56 : i32
      %add3A_58 = arith.constant 9984 : i32
      %add3A_59 = arith.addi %mul3A_57, %add3A_58 : i32
      "tpu.region"() ({
        %run_scoped3A = tpu.sem_alloc : memref<!tpu.dma_semaphore, #tpu.memory_space<semaphore_mem>>
        %dma_start3A = arith.constant 0 : i32
        %dma_start3A_60 = arith.constant 0 : i32
        %dma_start3A_61 = tpu.memref_slice %arg5[%dma_start3A, %dma_start3A_60] : memref<128x128xf32, #tpu.memory_space<vmem>> -> memref<16x128xf32, #tpu.memory_space<vmem>>
        %dma_start3A_62 = arith.constant 0 : i32
        %dma_start3A_63 = tpu.memref_slice %arg3[%add3A_59, %dma_start3A_62] : memref<20000x128xf32, #tpu.memory_space<hbm>> -> memref<16x128xf32, #tpu.memory_space<hbm>>
        %dma_start3A_64 = arith.constant 0 : i32
        %dma_start3A_65 = tpu.memref_slice %arg3[%add3A_59, %dma_start3A_64] : memref<20000x128xf32, #tpu.memory_space<hbm>> -> memref<16x128xf32, #tpu.memory_space<hbm>>
        %dma_start3A_66 = arith.constant 0 : i32
        %dma_start3A_67 = arith.constant 0 : i32
        %dma_start3A_68 = tpu.memref_slice %arg5[%dma_start3A_66, %dma_start3A_67] : memref<128x128xf32, #tpu.memory_space<vmem>> -> memref<16x128xf32, #tpu.memory_space<vmem>>
        tpu.enqueue_dma source(%dma_start3A_68 : memref<16x128xf32, #tpu.memory_space<vmem>>) target(%dma_start3A_65 : memref<16x128xf32, #tpu.memory_space<hbm>>) target_semaphore(%run_scoped3A : memref<!tpu.dma_semaphore, #tpu.memory_space<semaphore_mem>>)
        %dma_wait3A = arith.constant 0 : i32
        %dma_wait3A_69 = arith.constant 0 : i32
        %dma_wait3A_70 = tpu.memref_slice %arg5[%dma_wait3A, %dma_wait3A_69] : memref<128x128xf32, #tpu.memory_space<vmem>> -> memref<16x128xf32, #tpu.memory_space<vmem>>
        %dma_wait3A_71 = arith.constant 0 : i32
        %dma_wait3A_72 = tpu.memref_slice %arg3[%add3A_59, %dma_wait3A_71] : memref<20000x128xf32, #tpu.memory_space<hbm>> -> memref<16x128xf32, #tpu.memory_space<hbm>>
        %dma_wait3A_73 = arith.constant 0 : i32
        %dma_wait3A_74 = tpu.memref_slice %arg3[%add3A_59, %dma_wait3A_73] : memref<20000x128xf32, #tpu.memory_space<hbm>> -> memref<16x128xf32, #tpu.memory_space<hbm>>
        %dma_wait3A_75 = arith.constant 0 : i32
        %dma_wait3A_76 = arith.constant 0 : i32
        %dma_wait3A_77 = tpu.memref_slice %arg5[%dma_wait3A_75, %dma_wait3A_76] : memref<128x128xf32, #tpu.memory_space<vmem>> -> memref<16x128xf32, #tpu.memory_space<vmem>>
        tpu.wait_dma2 semaphore(%run_scoped3A : memref<!tpu.dma_semaphore, #tpu.memory_space<semaphore_mem>>) src(%dma_wait3A_77 : memref<16x128xf32, #tpu.memory_space<vmem>>) dst(%dma_wait3A_74 : memref<16x128xf32, #tpu.memory_space<hbm>>)
        tpu.yield
      }) : () -> ()
    } else {
    }
    return
  }
}

module attributes {stable_mosaic.version = 14 : i64} {
  func.func @_dense1_body(%arg0: i32, %arg1: memref<2x1000x128xf32, #tpu.memory_space<vmem>>, %arg2: memref<2x1000x128xf32, #tpu.memory_space<vmem>>, %arg3: memref<2x1000x128xf32, #tpu.memory_space<vmem>>, %arg4: memref<256x256xf32, #tpu.memory_space<vmem>>, %arg5: memref<256x256xf32, #tpu.memory_space<vmem>>, %arg6: memref<1x256xf32, #tpu.memory_space<vmem>>, %arg7: memref<1x256xf32, #tpu.memory_space<vmem>>, %arg8: memref<2x1000x128xf32, #tpu.memory_space<vmem>>) attributes {dimension_semantics = [#tpu.dimension_semantics<arbitrary>], iteration_bounds = array<i64: 10>, scalar_prefetch = 0 : i64, scratch_operands = 0 : i64, tpu.core_type = #tpu.core_type<tc>, window_params = [{transform_indices = @transform_0, window_bounds = array<i64: 2, 1000, 128>}, {transform_indices = @transform_1, window_bounds = array<i64: 2, 1000, 128>}, {transform_indices = @transform_2, window_bounds = array<i64: 2, 1000, 128>}, {pipeline_mode = #tpu.pipeline_mode<synchronous>, transform_indices = @transform_3, window_bounds = array<i64: 256, 256>}, {pipeline_mode = #tpu.pipeline_mode<synchronous>, transform_indices = @transform_4, window_bounds = array<i64: 256, 256>}, {pipeline_mode = #tpu.pipeline_mode<synchronous>, transform_indices = @transform_5, window_bounds = array<i64: 1, 256>}, {pipeline_mode = #tpu.pipeline_mode<synchronous>, transform_indices = @transform_6, window_bounds = array<i64: 1, 256>}, {transform_indices = @transform_7, window_bounds = array<i64: 2, 1000, 128>}]} {
    %get3A = arith.constant 0 : index
    %get3A_0 = arith.constant 0 : index
    %get3A_1 = arith.constant 0 : index
    %get3A_2 = vector.load %arg2[%get3A, %get3A_0, %get3A_1] : memref<2x1000x128xf32, #tpu.memory_space<vmem>>, vector<1x1000x128xf32>
    %get3A_3 = vector.shape_cast %get3A_2 : vector<1x1000x128xf32> to vector<1000x128xf32>
    %slice3A = vector.extract_strided_slice %get3A_3 {offsets = [0, 0], sizes = [1000, 1], strides = [1, 1]} : vector<1000x128xf32> to vector<1000x1xf32>
    %get3A_4 = arith.constant 1 : index
    %get3A_5 = arith.constant 0 : index
    %get3A_6 = arith.constant 0 : index
    %get3A_7 = vector.load %arg2[%get3A_4, %get3A_5, %get3A_6] : memref<2x1000x128xf32, #tpu.memory_space<vmem>>, vector<1x1000x128xf32>
    %get3A_8 = vector.shape_cast %get3A_7 : vector<1x1000x128xf32> to vector<1000x128xf32>
    %slice3A_9 = vector.extract_strided_slice %get3A_8 {offsets = [0, 0], sizes = [1000, 1], strides = [1, 1]} : vector<1000x128xf32> to vector<1000x1xf32>
    %add3A = arith.addf %slice3A, %slice3A_9 : vector<1000x1xf32>
    %max3A = arith.constant 1.000000e+00 : f32
    %max3A_10 = vector.broadcast %max3A : f32 to vector<1000x1xf32>
    %max3A_11 = arith.maximumf %add3A, %max3A_10 : vector<1000x1xf32>
    %div3A = arith.constant 1.000000e+00 : f32
    %div3A_12 = vector.broadcast %div3A : f32 to vector<1000x1xf32>
    %div3A_13 = arith.divf %div3A_12, %max3A_11 : vector<1000x1xf32>
    %get3A_14 = arith.constant 0 : index
    %get3A_15 = arith.constant 0 : index
    %get3A_16 = arith.constant 0 : index
    %get3A_17 = vector.load %arg1[%get3A_14, %get3A_15, %get3A_16] : memref<2x1000x128xf32, #tpu.memory_space<vmem>>, vector<1x1000x128xf32>
    %get3A_18 = vector.shape_cast %get3A_17 : vector<1x1000x128xf32> to vector<1000x128xf32>
    %get3A_19 = arith.constant 1 : index
    %get3A_20 = arith.constant 0 : index
    %get3A_21 = arith.constant 0 : index
    %get3A_22 = vector.load %arg1[%get3A_19, %get3A_20, %get3A_21] : memref<2x1000x128xf32, #tpu.memory_space<vmem>>, vector<1x1000x128xf32>
    %get3A_23 = vector.shape_cast %get3A_22 : vector<1x1000x128xf32> to vector<1000x128xf32>
    %concatenate3A = tpu.concatenate %get3A_18, %get3A_23 in 1 : vector<1000x128xf32>, vector<1000x128xf32> -> vector<1000x256xf32>
    %mul3A = vector.broadcast %div3A_13 : vector<1000x1xf32> to vector<1000x256xf32>
    %mul3A_24 = arith.mulf %concatenate3A, %mul3A : vector<1000x256xf32>
    %get3A_25 = arith.constant 0 : index
    %get3A_26 = arith.constant 0 : index
    %get3A_27 = arith.constant 0 : index
    %get3A_28 = vector.load %arg3[%get3A_25, %get3A_26, %get3A_27] : memref<2x1000x128xf32, #tpu.memory_space<vmem>>, vector<1x1000x128xf32>
    %get3A_29 = vector.shape_cast %get3A_28 : vector<1x1000x128xf32> to vector<1000x128xf32>
    %get3A_30 = arith.constant 1 : index
    %get3A_31 = arith.constant 0 : index
    %get3A_32 = arith.constant 0 : index
    %get3A_33 = vector.load %arg3[%get3A_30, %get3A_31, %get3A_32] : memref<2x1000x128xf32, #tpu.memory_space<vmem>>, vector<1x1000x128xf32>
    %get3A_34 = vector.shape_cast %get3A_33 : vector<1x1000x128xf32> to vector<1000x128xf32>
    %concatenate3A_35 = tpu.concatenate %get3A_29, %get3A_34 in 1 : vector<1000x128xf32>, vector<1000x128xf32> -> vector<1000x256xf32>
    %get3A_36 = arith.constant 0 : index
    %get3A_37 = arith.constant 0 : index
    %get3A_38 = vector.load %arg4[%get3A_36, %get3A_37] : memref<256x256xf32, #tpu.memory_space<vmem>>, vector<256x256xf32>
    %dot_general3A = arith.constant dense<0.000000e+00> : vector<1000x256xf32>
    %dot_general3A_39 = tpu.matmul %mul3A_24, %get3A_38, %dot_general3A {dimension_numbers = #tpu.dot_dimension_numbers<[1], [0], [0], [1], [0, 0, 1, 1], [], []>, transpose_lhs_hint = false} : vector<1000x256xf32>, vector<256x256xf32>, vector<1000x256xf32> -> vector<1000x256xf32>
    %get3A_40 = arith.constant 0 : index
    %get3A_41 = arith.constant 0 : index
    %get3A_42 = vector.load %arg5[%get3A_40, %get3A_41] : memref<256x256xf32, #tpu.memory_space<vmem>>, vector<256x256xf32>
    %dot_general3A_43 = arith.constant dense<0.000000e+00> : vector<1000x256xf32>
    %dot_general3A_44 = tpu.matmul %concatenate3A_35, %get3A_42, %dot_general3A_43 {dimension_numbers = #tpu.dot_dimension_numbers<[1], [0], [0], [1], [0, 0, 1, 1], [], []>, transpose_lhs_hint = false} : vector<1000x256xf32>, vector<256x256xf32>, vector<1000x256xf32> -> vector<1000x256xf32>
    %add3A_45 = arith.addf %dot_general3A_39, %dot_general3A_44 : vector<1000x256xf32>
    %get3A_46 = arith.constant 0 : index
    %get3A_47 = arith.constant 0 : index
    %get3A_48 = vector.load %arg6[%get3A_46, %get3A_47] : memref<1x256xf32, #tpu.memory_space<vmem>>, vector<1x256xf32>
    %mul3A_49 = vector.broadcast %get3A_48 : vector<1x256xf32> to vector<1000x256xf32>
    %mul3A_50 = arith.mulf %add3A_45, %mul3A_49 : vector<1000x256xf32>
    %get3A_51 = arith.constant 0 : index
    %get3A_52 = arith.constant 0 : index
    %get3A_53 = vector.load %arg7[%get3A_51, %get3A_52] : memref<1x256xf32, #tpu.memory_space<vmem>>, vector<1x256xf32>
    %add3A_54 = vector.broadcast %get3A_53 : vector<1x256xf32> to vector<1000x256xf32>
    %add3A_55 = arith.addf %mul3A_50, %add3A_54 : vector<1000x256xf32>
    %max3A_56 = arith.constant 0.000000e+00 : f32
    %max3A_57 = vector.broadcast %max3A_56 : f32 to vector<1000x256xf32>
    %max3A_58 = arith.maximumf %add3A_55, %max3A_57 : vector<1000x256xf32>
    %slice3A_59 = vector.extract_strided_slice %max3A_58 {offsets = [0, 0], sizes = [1000, 128], strides = [1, 1]} : vector<1000x256xf32> to vector<1000x128xf32>
    %swap3A = arith.constant 0 : index
    %swap3A_60 = arith.constant 0 : index
    %swap3A_61 = arith.constant 0 : index
    %swap3A_62 = vector.load %arg8[%swap3A, %swap3A_60, %swap3A_61] : memref<2x1000x128xf32, #tpu.memory_space<vmem>>, vector<1x1000x128xf32>
    %swap3A_63 = vector.shape_cast %swap3A_62 : vector<1x1000x128xf32> to vector<1000x128xf32>
    %swap3A_64 = vector.shape_cast %slice3A_59 : vector<1000x128xf32> to vector<1x1000x128xf32>
    tpu.vector_store %arg8[%swap3A, %swap3A_60, %swap3A_61], %swap3A_64 {strides = array<i32>} : memref<2x1000x128xf32, #tpu.memory_space<vmem>>, vector<1x1000x128xf32>,
    %slice3A_65 = vector.extract_strided_slice %max3A_58 {offsets = [0, 128], sizes = [1000, 128], strides = [1, 1]} : vector<1000x256xf32> to vector<1000x128xf32>
    %swap3A_66 = arith.constant 1 : index
    %swap3A_67 = arith.constant 0 : index
    %swap3A_68 = arith.constant 0 : index
    %swap3A_69 = vector.load %arg8[%swap3A_66, %swap3A_67, %swap3A_68] : memref<2x1000x128xf32, #tpu.memory_space<vmem>>, vector<1x1000x128xf32>
    %swap3A_70 = vector.shape_cast %swap3A_69 : vector<1x1000x128xf32> to vector<1000x128xf32>
    %swap3A_71 = vector.shape_cast %slice3A_65 : vector<1000x128xf32> to vector<1x1000x128xf32>
    tpu.vector_store %arg8[%swap3A_66, %swap3A_67, %swap3A_68], %swap3A_71 {strides = array<i32>} : memref<2x1000x128xf32, #tpu.memory_space<vmem>>, vector<1x1000x128xf32>,
    return
  }
  func.func @transform_0(%arg0: i32) -> (i32, i32, i32) {
    %c0_i32 = arith.constant 0 : i32
    %c0_i32_0 = arith.constant 0 : i32
    %c0_i32_1 = arith.constant 0 : i32
    return %c0_i32, %arg0, %c0_i32_0 : i32, i32, i32
  }
  func.func @transform_1(%arg0: i32) -> (i32, i32, i32) {
    %c0_i32 = arith.constant 0 : i32
    %c0_i32_0 = arith.constant 0 : i32
    %c0_i32_1 = arith.constant 0 : i32
    return %c0_i32, %arg0, %c0_i32_0 : i32, i32, i32
  }
  func.func @transform_2(%arg0: i32) -> (i32, i32, i32) {
    %c0_i32 = arith.constant 0 : i32
    %c0_i32_0 = arith.constant 0 : i32
    %c0_i32_1 = arith.constant 0 : i32
    return %c0_i32, %arg0, %c0_i32_0 : i32, i32, i32
  }
  func.func @transform_3(%arg0: i32) -> (i32, i32) {
    %c0_i32 = arith.constant 0 : i32
    %c0_i32_0 = arith.constant 0 : i32
    %c0_i32_1 = arith.constant 0 : i32
    return %c0_i32, %c0_i32_0 : i32, i32
  }
  func.func @transform_4(%arg0: i32) -> (i32, i32) {
    %c0_i32 = arith.constant 0 : i32
    %c0_i32_0 = arith.constant 0 : i32
    %c0_i32_1 = arith.constant 0 : i32
    return %c0_i32, %c0_i32_0 : i32, i32
  }
  func.func @transform_5(%arg0: i32) -> (i32, i32) {
    %c0_i32 = arith.constant 0 : i32
    %c0_i32_0 = arith.constant 0 : i32
    %c0_i32_1 = arith.constant 0 : i32
    return %c0_i32, %c0_i32_0 : i32, i32
  }
  func.func @transform_6(%arg0: i32) -> (i32, i32) {
    %c0_i32 = arith.constant 0 : i32
    %c0_i32_0 = arith.constant 0 : i32
    %c0_i32_1 = arith.constant 0 : i32
    return %c0_i32, %c0_i32_0 : i32, i32
  }
  func.func @transform_7(%arg0: i32) -> (i32, i32, i32) {
    %c0_i32 = arith.constant 0 : i32
    %c0_i32_0 = arith.constant 0 : i32
    %c0_i32_1 = arith.constant 0 : i32
    return %c0_i32, %arg0, %c0_i32_0 : i32, i32, i32
  }
}

module attributes {stable_mosaic.version = 14 : i64} {
  func.func @_dense2_body(%arg0: i32, %arg1: memref<2x1000x128xf32, #tpu.memory_space<vmem>>, %arg2: memref<2x1000x128xf32, #tpu.memory_space<vmem>>, %arg3: memref<2x1000x128xf32, #tpu.memory_space<vmem>>, %arg4: memref<256x256xf32, #tpu.memory_space<vmem>>, %arg5: memref<256x256xf32, #tpu.memory_space<vmem>>, %arg6: memref<1x256xf32, #tpu.memory_space<vmem>>, %arg7: memref<1x256xf32, #tpu.memory_space<vmem>>, %arg8: memref<256x512xf32, #tpu.memory_space<vmem>>, %arg9: memref<1x512xf32, #tpu.memory_space<vmem>>, %arg10: memref<1000x512xf32, #tpu.memory_space<vmem>>) attributes {dimension_semantics = [#tpu.dimension_semantics<arbitrary>], iteration_bounds = array<i64: 10>, scalar_prefetch = 0 : i64, scratch_operands = 0 : i64, tpu.core_type = #tpu.core_type<tc>, window_params = [{transform_indices = @transform_0, window_bounds = array<i64: 2, 1000, 128>}, {transform_indices = @transform_1, window_bounds = array<i64: 2, 1000, 128>}, {transform_indices = @transform_2, window_bounds = array<i64: 2, 1000, 128>}, {pipeline_mode = #tpu.pipeline_mode<synchronous>, transform_indices = @transform_3, window_bounds = array<i64: 256, 256>}, {pipeline_mode = #tpu.pipeline_mode<synchronous>, transform_indices = @transform_4, window_bounds = array<i64: 256, 256>}, {pipeline_mode = #tpu.pipeline_mode<synchronous>, transform_indices = @transform_5, window_bounds = array<i64: 1, 256>}, {pipeline_mode = #tpu.pipeline_mode<synchronous>, transform_indices = @transform_6, window_bounds = array<i64: 1, 256>}, {pipeline_mode = #tpu.pipeline_mode<synchronous>, transform_indices = @transform_7, window_bounds = array<i64: 256, 512>}, {pipeline_mode = #tpu.pipeline_mode<synchronous>, transform_indices = @transform_8, window_bounds = array<i64: 1, 512>}, {transform_indices = @transform_9, window_bounds = array<i64: 1000, 512>}]} {
    %get3A = arith.constant 0 : index
    %get3A_0 = arith.constant 0 : index
    %get3A_1 = arith.constant 0 : index
    %get3A_2 = vector.load %arg2[%get3A, %get3A_0, %get3A_1] : memref<2x1000x128xf32, #tpu.memory_space<vmem>>, vector<1x1000x128xf32>
    %get3A_3 = vector.shape_cast %get3A_2 : vector<1x1000x128xf32> to vector<1000x128xf32>
    %slice3A = vector.extract_strided_slice %get3A_3 {offsets = [0, 0], sizes = [1000, 1], strides = [1, 1]} : vector<1000x128xf32> to vector<1000x1xf32>
    %get3A_4 = arith.constant 1 : index
    %get3A_5 = arith.constant 0 : index
    %get3A_6 = arith.constant 0 : index
    %get3A_7 = vector.load %arg2[%get3A_4, %get3A_5, %get3A_6] : memref<2x1000x128xf32, #tpu.memory_space<vmem>>, vector<1x1000x128xf32>
    %get3A_8 = vector.shape_cast %get3A_7 : vector<1x1000x128xf32> to vector<1000x128xf32>
    %slice3A_9 = vector.extract_strided_slice %get3A_8 {offsets = [0, 0], sizes = [1000, 1], strides = [1, 1]} : vector<1000x128xf32> to vector<1000x1xf32>
    %add3A = arith.addf %slice3A, %slice3A_9 : vector<1000x1xf32>
    %max3A = arith.constant 1.000000e+00 : f32
    %max3A_10 = vector.broadcast %max3A : f32 to vector<1000x1xf32>
    %max3A_11 = arith.maximumf %add3A, %max3A_10 : vector<1000x1xf32>
    %div3A = arith.constant 1.000000e+00 : f32
    %div3A_12 = vector.broadcast %div3A : f32 to vector<1000x1xf32>
    %div3A_13 = arith.divf %div3A_12, %max3A_11 : vector<1000x1xf32>
    %get3A_14 = arith.constant 0 : index
    %get3A_15 = arith.constant 0 : index
    %get3A_16 = arith.constant 0 : index
    %get3A_17 = vector.load %arg1[%get3A_14, %get3A_15, %get3A_16] : memref<2x1000x128xf32, #tpu.memory_space<vmem>>, vector<1x1000x128xf32>
    %get3A_18 = vector.shape_cast %get3A_17 : vector<1x1000x128xf32> to vector<1000x128xf32>
    %get3A_19 = arith.constant 1 : index
    %get3A_20 = arith.constant 0 : index
    %get3A_21 = arith.constant 0 : index
    %get3A_22 = vector.load %arg1[%get3A_19, %get3A_20, %get3A_21] : memref<2x1000x128xf32, #tpu.memory_space<vmem>>, vector<1x1000x128xf32>
    %get3A_23 = vector.shape_cast %get3A_22 : vector<1x1000x128xf32> to vector<1000x128xf32>
    %concatenate3A = tpu.concatenate %get3A_18, %get3A_23 in 1 : vector<1000x128xf32>, vector<1000x128xf32> -> vector<1000x256xf32>
    %mul3A = vector.broadcast %div3A_13 : vector<1000x1xf32> to vector<1000x256xf32>
    %mul3A_24 = arith.mulf %concatenate3A, %mul3A : vector<1000x256xf32>
    %get3A_25 = arith.constant 0 : index
    %get3A_26 = arith.constant 0 : index
    %get3A_27 = arith.constant 0 : index
    %get3A_28 = vector.load %arg3[%get3A_25, %get3A_26, %get3A_27] : memref<2x1000x128xf32, #tpu.memory_space<vmem>>, vector<1x1000x128xf32>
    %get3A_29 = vector.shape_cast %get3A_28 : vector<1x1000x128xf32> to vector<1000x128xf32>
    %get3A_30 = arith.constant 1 : index
    %get3A_31 = arith.constant 0 : index
    %get3A_32 = arith.constant 0 : index
    %get3A_33 = vector.load %arg3[%get3A_30, %get3A_31, %get3A_32] : memref<2x1000x128xf32, #tpu.memory_space<vmem>>, vector<1x1000x128xf32>
    %get3A_34 = vector.shape_cast %get3A_33 : vector<1x1000x128xf32> to vector<1000x128xf32>
    %concatenate3A_35 = tpu.concatenate %get3A_29, %get3A_34 in 1 : vector<1000x128xf32>, vector<1000x128xf32> -> vector<1000x256xf32>
    %get3A_36 = arith.constant 0 : index
    %get3A_37 = arith.constant 0 : index
    %get3A_38 = vector.load %arg4[%get3A_36, %get3A_37] : memref<256x256xf32, #tpu.memory_space<vmem>>, vector<256x256xf32>
    %dot_general3A = arith.constant dense<0.000000e+00> : vector<1000x256xf32>
    %dot_general3A_39 = tpu.matmul %mul3A_24, %get3A_38, %dot_general3A {dimension_numbers = #tpu.dot_dimension_numbers<[1], [0], [0], [1], [0, 0, 1, 1], [], []>, transpose_lhs_hint = false} : vector<1000x256xf32>, vector<256x256xf32>, vector<1000x256xf32> -> vector<1000x256xf32>
    %get3A_40 = arith.constant 0 : index
    %get3A_41 = arith.constant 0 : index
    %get3A_42 = vector.load %arg5[%get3A_40, %get3A_41] : memref<256x256xf32, #tpu.memory_space<vmem>>, vector<256x256xf32>
    %dot_general3A_43 = arith.constant dense<0.000000e+00> : vector<1000x256xf32>
    %dot_general3A_44 = tpu.matmul %concatenate3A_35, %get3A_42, %dot_general3A_43 {dimension_numbers = #tpu.dot_dimension_numbers<[1], [0], [0], [1], [0, 0, 1, 1], [], []>, transpose_lhs_hint = false} : vector<1000x256xf32>, vector<256x256xf32>, vector<1000x256xf32> -> vector<1000x256xf32>
    %add3A_45 = arith.addf %dot_general3A_39, %dot_general3A_44 : vector<1000x256xf32>
    %get3A_46 = arith.constant 0 : index
    %get3A_47 = arith.constant 0 : index
    %get3A_48 = vector.load %arg6[%get3A_46, %get3A_47] : memref<1x256xf32, #tpu.memory_space<vmem>>, vector<1x256xf32>
    %mul3A_49 = vector.broadcast %get3A_48 : vector<1x256xf32> to vector<1000x256xf32>
    %mul3A_50 = arith.mulf %add3A_45, %mul3A_49 : vector<1000x256xf32>
    %get3A_51 = arith.constant 0 : index
    %get3A_52 = arith.constant 0 : index
    %get3A_53 = vector.load %arg7[%get3A_51, %get3A_52] : memref<1x256xf32, #tpu.memory_space<vmem>>, vector<1x256xf32>
    %add3A_54 = vector.broadcast %get3A_53 : vector<1x256xf32> to vector<1000x256xf32>
    %add3A_55 = arith.addf %mul3A_50, %add3A_54 : vector<1000x256xf32>
    %max3A_56 = arith.constant 0.000000e+00 : f32
    %max3A_57 = vector.broadcast %max3A_56 : f32 to vector<1000x256xf32>
    %max3A_58 = arith.maximumf %add3A_55, %max3A_57 : vector<1000x256xf32>
    %get3A_59 = arith.constant 0 : index
    %get3A_60 = arith.constant 0 : index
    %get3A_61 = vector.load %arg8[%get3A_59, %get3A_60] : memref<256x512xf32, #tpu.memory_space<vmem>>, vector<256x512xf32>
    %dot_general3A_62 = arith.constant dense<0.000000e+00> : vector<1000x512xf32>
    %dot_general3A_63 = tpu.matmul %max3A_58, %get3A_61, %dot_general3A_62 {dimension_numbers = #tpu.dot_dimension_numbers<[1], [0], [0], [1], [0, 0, 1, 1], [], []>, transpose_lhs_hint = false} : vector<1000x256xf32>, vector<256x512xf32>, vector<1000x512xf32> -> vector<1000x512xf32>
    %get3A_64 = arith.constant 0 : index
    %get3A_65 = arith.constant 0 : index
    %get3A_66 = vector.load %arg9[%get3A_64, %get3A_65] : memref<1x512xf32, #tpu.memory_space<vmem>>, vector<1x512xf32>
    %add3A_67 = vector.broadcast %get3A_66 : vector<1x512xf32> to vector<1000x512xf32>
    %add3A_68 = arith.addf %dot_general3A_63, %add3A_67 : vector<1000x512xf32>
    %swap3A = arith.constant 0 : index
    %swap3A_69 = arith.constant 0 : index
    %swap3A_70 = vector.load %arg10[%swap3A, %swap3A_69] : memref<1000x512xf32, #tpu.memory_space<vmem>>, vector<1000x512xf32>
    tpu.vector_store %arg10[%swap3A, %swap3A_69], %add3A_68 {strides = array<i32>} : memref<1000x512xf32, #tpu.memory_space<vmem>>, vector<1000x512xf32>,
    return
  }
  func.func @transform_0(%arg0: i32) -> (i32, i32, i32) {
    %c0_i32 = arith.constant 0 : i32
    %c0_i32_0 = arith.constant 0 : i32
    %c0_i32_1 = arith.constant 0 : i32
    return %c0_i32, %arg0, %c0_i32_0 : i32, i32, i32
  }
  func.func @transform_1(%arg0: i32) -> (i32, i32, i32) {
    %c0_i32 = arith.constant 0 : i32
    %c0_i32_0 = arith.constant 0 : i32
    %c0_i32_1 = arith.constant 0 : i32
    return %c0_i32, %arg0, %c0_i32_0 : i32, i32, i32
  }
  func.func @transform_2(%arg0: i32) -> (i32, i32, i32) {
    %c0_i32 = arith.constant 0 : i32
    %c0_i32_0 = arith.constant 0 : i32
    %c0_i32_1 = arith.constant 0 : i32
    return %c0_i32, %arg0, %c0_i32_0 : i32, i32, i32
  }
  func.func @transform_3(%arg0: i32) -> (i32, i32) {
    %c0_i32 = arith.constant 0 : i32
    %c0_i32_0 = arith.constant 0 : i32
    %c0_i32_1 = arith.constant 0 : i32
    return %c0_i32, %c0_i32_0 : i32, i32
  }
  func.func @transform_4(%arg0: i32) -> (i32, i32) {
    %c0_i32 = arith.constant 0 : i32
    %c0_i32_0 = arith.constant 0 : i32
    %c0_i32_1 = arith.constant 0 : i32
    return %c0_i32, %c0_i32_0 : i32, i32
  }
  func.func @transform_5(%arg0: i32) -> (i32, i32) {
    %c0_i32 = arith.constant 0 : i32
    %c0_i32_0 = arith.constant 0 : i32
    %c0_i32_1 = arith.constant 0 : i32
    return %c0_i32, %c0_i32_0 : i32, i32
  }
  func.func @transform_6(%arg0: i32) -> (i32, i32) {
    %c0_i32 = arith.constant 0 : i32
    %c0_i32_0 = arith.constant 0 : i32
    %c0_i32_1 = arith.constant 0 : i32
    return %c0_i32, %c0_i32_0 : i32, i32
  }
  func.func @transform_7(%arg0: i32) -> (i32, i32) {
    %c0_i32 = arith.constant 0 : i32
    %c0_i32_0 = arith.constant 0 : i32
    %c0_i32_1 = arith.constant 0 : i32
    return %c0_i32, %c0_i32_0 : i32, i32
  }
  func.func @transform_8(%arg0: i32) -> (i32, i32) {
    %c0_i32 = arith.constant 0 : i32
    %c0_i32_0 = arith.constant 0 : i32
    %c0_i32_1 = arith.constant 0 : i32
    return %c0_i32, %c0_i32_0 : i32, i32
  }
  func.func @transform_9(%arg0: i32) -> (i32, i32) {
    %c0_i32 = arith.constant 0 : i32
    %c0_i32_0 = arith.constant 0 : i32
    return %arg0, %c0_i32 : i32, i32
  }
}

module attributes {stable_mosaic.version = 14 : i64} {
  func.func @_lstm_body(%arg0: memref<10000x512xf32, #tpu.memory_space<vmem>>, %arg1: memref<80x128xi32, #tpu.memory_space<vmem>>, %arg2: memref<128x512xf32, #tpu.memory_space<vmem>>, %arg3: memref<128x64xf32, #tpu.memory_space<vmem>>, %arg4: memref<1x64xf32, #tpu.memory_space<vmem>>, %arg5: memref<64x10xf32, #tpu.memory_space<vmem>>, %arg6: memref<1x10xf32, #tpu.memory_space<vmem>>, %arg7: memref<8x10xf32, #tpu.memory_space<vmem>>) attributes {dimension_semantics = [], scalar_prefetch = 0 : i64, scratch_operands = 0 : i64, tpu.core_type = #tpu.core_type<tc>} {
    %get3A = arith.constant 0 : index
    %get3A_0 = arith.constant 0 : index
    %get3A_1 = vector.load %arg1[%get3A, %get3A_0] : memref<80x128xi32, #tpu.memory_space<vmem>>, vector<80x128xi32>
    %eq3A = arith.constant 0 : i32
    %eq3A_2 = vector.broadcast %eq3A : i32 to vector<80x128xi32>
    %eq3A_3 = arith.cmpi eq, %get3A_1, %eq3A_2 : vector<80x128xi32>
    %jit3A = arith.constant 1 : i32
    %jit3A_4 = arith.constant 0 : i32
    %broadcast_in_dim3A = vector.broadcast %jit3A : i32 to vector<80x128xi32>
    %broadcast_in_dim3A_5 = vector.broadcast %jit3A_4 : i32 to vector<80x128xi32>
    %select_n3A = arith.select %eq3A_3, %broadcast_in_dim3A, %broadcast_in_dim3A_5 : vector<80x128xi1>, vector<80x128xi32>
    %reduce_sum3A = vector.shape_cast %select_n3A : vector<80x128xi32> to vector<1x80x128xi32>
    %reduce_sum3A_6 = arith.constant dense<0> : vector<1xi32>
    %reduce_sum3A_7 = vector.multi_reduction <add>, %reduce_sum3A, %reduce_sum3A_6 [1, 2] : vector<1x80x128xi32> to vector<1xi32>
    %reduce_sum3A_8 = vector.shape_cast %reduce_sum3A_7 : vector<1xi32> to vector<1x1x1xi32>
    %reduce_sum3A_9 = vector.extract %reduce_sum3A_8[0, 0, 0] : i32 from vector<1x1x1xi32>
    %add3A = arith.constant 0 : i32
    %add3A_10 = arith.addi %add3A, %reduce_sum3A_9 : i32
    %eq3A_11 = arith.constant 1 : i32
    %eq3A_12 = vector.broadcast %eq3A_11 : i32 to vector<80x128xi32>
    %eq3A_13 = arith.cmpi eq, %get3A_1, %eq3A_12 : vector<80x128xi32>
    %jit3A_14 = arith.constant 1 : i32
    %jit3A_15 = arith.constant 0 : i32
    %broadcast_in_dim3A_16 = vector.broadcast %jit3A_14 : i32 to vector<80x128xi32>
    %broadcast_in_dim3A_17 = vector.broadcast %jit3A_15 : i32 to vector<80x128xi32>
    %select_n3A_18 = arith.select %eq3A_13, %broadcast_in_dim3A_16, %broadcast_in_dim3A_17 : vector<80x128xi1>, vector<80x128xi32>
    %reduce_sum3A_19 = vector.shape_cast %select_n3A_18 : vector<80x128xi32> to vector<1x80x128xi32>
    %reduce_sum3A_20 = arith.constant dense<0> : vector<1xi32>
    %reduce_sum3A_21 = vector.multi_reduction <add>, %reduce_sum3A_19, %reduce_sum3A_20 [1, 2] : vector<1x80x128xi32> to vector<1xi32>
    %reduce_sum3A_22 = vector.shape_cast %reduce_sum3A_21 : vector<1xi32> to vector<1x1x1xi32>
    %reduce_sum3A_23 = vector.extract %reduce_sum3A_22[0, 0, 0] : i32 from vector<1x1x1xi32>
    %add3A_24 = arith.addi %add3A_10, %reduce_sum3A_23 : i32
    %eq3A_25 = arith.constant 2 : i32
    %eq3A_26 = vector.broadcast %eq3A_25 : i32 to vector<80x128xi32>
    %eq3A_27 = arith.cmpi eq, %get3A_1, %eq3A_26 : vector<80x128xi32>
    %jit3A_28 = arith.constant 1 : i32
    %jit3A_29 = arith.constant 0 : i32
    %broadcast_in_dim3A_30 = vector.broadcast %jit3A_28 : i32 to vector<80x128xi32>
    %broadcast_in_dim3A_31 = vector.broadcast %jit3A_29 : i32 to vector<80x128xi32>
    %select_n3A_32 = arith.select %eq3A_27, %broadcast_in_dim3A_30, %broadcast_in_dim3A_31 : vector<80x128xi1>, vector<80x128xi32>
    %reduce_sum3A_33 = vector.shape_cast %select_n3A_32 : vector<80x128xi32> to vector<1x80x128xi32>
    %reduce_sum3A_34 = arith.constant dense<0> : vector<1xi32>
    %reduce_sum3A_35 = vector.multi_reduction <add>, %reduce_sum3A_33, %reduce_sum3A_34 [1, 2] : vector<1x80x128xi32> to vector<1xi32>
    %reduce_sum3A_36 = vector.shape_cast %reduce_sum3A_35 : vector<1xi32> to vector<1x1x1xi32>
    %reduce_sum3A_37 = vector.extract %reduce_sum3A_36[0, 0, 0] : i32 from vector<1x1x1xi32>
    %add3A_38 = arith.addi %add3A_24, %reduce_sum3A_37 : i32
    %eq3A_39 = arith.constant 3 : i32
    %eq3A_40 = vector.broadcast %eq3A_39 : i32 to vector<80x128xi32>
    %eq3A_41 = arith.cmpi eq, %get3A_1, %eq3A_40 : vector<80x128xi32>
    %jit3A_42 = arith.constant 1 : i32
    %jit3A_43 = arith.constant 0 : i32
    %broadcast_in_dim3A_44 = vector.broadcast %jit3A_42 : i32 to vector<80x128xi32>
    %broadcast_in_dim3A_45 = vector.broadcast %jit3A_43 : i32 to vector<80x128xi32>
    %select_n3A_46 = arith.select %eq3A_41, %broadcast_in_dim3A_44, %broadcast_in_dim3A_45 : vector<80x128xi1>, vector<80x128xi32>
    %reduce_sum3A_47 = vector.shape_cast %select_n3A_46 : vector<80x128xi32> to vector<1x80x128xi32>
    %reduce_sum3A_48 = arith.constant dense<0> : vector<1xi32>
    %reduce_sum3A_49 = vector.multi_reduction <add>, %reduce_sum3A_47, %reduce_sum3A_48 [1, 2] : vector<1x80x128xi32> to vector<1xi32>
    %reduce_sum3A_50 = vector.shape_cast %reduce_sum3A_49 : vector<1xi32> to vector<1x1x1xi32>
    %reduce_sum3A_51 = vector.extract %reduce_sum3A_50[0, 0, 0] : i32 from vector<1x1x1xi32>
    %add3A_52 = arith.addi %add3A_38, %reduce_sum3A_51 : i32
    %eq3A_53 = arith.constant 4 : i32
    %eq3A_54 = vector.broadcast %eq3A_53 : i32 to vector<80x128xi32>
    %eq3A_55 = arith.cmpi eq, %get3A_1, %eq3A_54 : vector<80x128xi32>
    %jit3A_56 = arith.constant 1 : i32
    %jit3A_57 = arith.constant 0 : i32
    %broadcast_in_dim3A_58 = vector.broadcast %jit3A_56 : i32 to vector<80x128xi32>
    %broadcast_in_dim3A_59 = vector.broadcast %jit3A_57 : i32 to vector<80x128xi32>
    %select_n3A_60 = arith.select %eq3A_55, %broadcast_in_dim3A_58, %broadcast_in_dim3A_59 : vector<80x128xi1>, vector<80x128xi32>
    %reduce_sum3A_61 = vector.shape_cast %select_n3A_60 : vector<80x128xi32> to vector<1x80x128xi32>
    %reduce_sum3A_62 = arith.constant dense<0> : vector<1xi32>
    %reduce_sum3A_63 = vector.multi_reduction <add>, %reduce_sum3A_61, %reduce_sum3A_62 [1, 2] : vector<1x80x128xi32> to vector<1xi32>
    %reduce_sum3A_64 = vector.shape_cast %reduce_sum3A_63 : vector<1xi32> to vector<1x1x1xi32>
    %reduce_sum3A_65 = vector.extract %reduce_sum3A_64[0, 0, 0] : i32 from vector<1x1x1xi32>
    %add3A_66 = arith.addi %add3A_52, %reduce_sum3A_65 : i32
    %eq3A_67 = arith.constant 5 : i32
    %eq3A_68 = vector.broadcast %eq3A_67 : i32 to vector<80x128xi32>
    %eq3A_69 = arith.cmpi eq, %get3A_1, %eq3A_68 : vector<80x128xi32>
    %jit3A_70 = arith.constant 1 : i32
    %jit3A_71 = arith.constant 0 : i32
    %broadcast_in_dim3A_72 = vector.broadcast %jit3A_70 : i32 to vector<80x128xi32>
    %broadcast_in_dim3A_73 = vector.broadcast %jit3A_71 : i32 to vector<80x128xi32>
    %select_n3A_74 = arith.select %eq3A_69, %broadcast_in_dim3A_72, %broadcast_in_dim3A_73 : vector<80x128xi1>, vector<80x128xi32>
    %reduce_sum3A_75 = vector.shape_cast %select_n3A_74 : vector<80x128xi32> to vector<1x80x128xi32>
    %reduce_sum3A_76 = arith.constant dense<0> : vector<1xi32>
    %reduce_sum3A_77 = vector.multi_reduction <add>, %reduce_sum3A_75, %reduce_sum3A_76 [1, 2] : vector<1x80x128xi32> to vector<1xi32>
    %reduce_sum3A_78 = vector.shape_cast %reduce_sum3A_77 : vector<1xi32> to vector<1x1x1xi32>
    %reduce_sum3A_79 = vector.extract %reduce_sum3A_78[0, 0, 0] : i32 from vector<1x1x1xi32>
    %add3A_80 = arith.addi %add3A_66, %reduce_sum3A_79 : i32
    %eq3A_81 = arith.constant 6 : i32
    %eq3A_82 = vector.broadcast %eq3A_81 : i32 to vector<80x128xi32>
    %eq3A_83 = arith.cmpi eq, %get3A_1, %eq3A_82 : vector<80x128xi32>
    %jit3A_84 = arith.constant 1 : i32
    %jit3A_85 = arith.constant 0 : i32
    %broadcast_in_dim3A_86 = vector.broadcast %jit3A_84 : i32 to vector<80x128xi32>
    %broadcast_in_dim3A_87 = vector.broadcast %jit3A_85 : i32 to vector<80x128xi32>
    %select_n3A_88 = arith.select %eq3A_83, %broadcast_in_dim3A_86, %broadcast_in_dim3A_87 : vector<80x128xi1>, vector<80x128xi32>
    %reduce_sum3A_89 = vector.shape_cast %select_n3A_88 : vector<80x128xi32> to vector<1x80x128xi32>
    %reduce_sum3A_90 = arith.constant dense<0> : vector<1xi32>
    %reduce_sum3A_91 = vector.multi_reduction <add>, %reduce_sum3A_89, %reduce_sum3A_90 [1, 2] : vector<1x80x128xi32> to vector<1xi32>
    %reduce_sum3A_92 = vector.shape_cast %reduce_sum3A_91 : vector<1xi32> to vector<1x1x1xi32>
    %reduce_sum3A_93 = vector.extract %reduce_sum3A_92[0, 0, 0] : i32 from vector<1x1x1xi32>
    %add3A_94 = arith.addi %add3A_80, %reduce_sum3A_93 : i32
    %eq3A_95 = arith.constant 7 : i32
    %eq3A_96 = vector.broadcast %eq3A_95 : i32 to vector<80x128xi32>
    %eq3A_97 = arith.cmpi eq, %get3A_1, %eq3A_96 : vector<80x128xi32>
    %jit3A_98 = arith.constant 1 : i32
    %jit3A_99 = arith.constant 0 : i32
    %broadcast_in_dim3A_100 = vector.broadcast %jit3A_98 : i32 to vector<80x128xi32>
    %broadcast_in_dim3A_101 = vector.broadcast %jit3A_99 : i32 to vector<80x128xi32>
    %select_n3A_102 = arith.select %eq3A_97, %broadcast_in_dim3A_100, %broadcast_in_dim3A_101 : vector<80x128xi1>, vector<80x128xi32>
    %reduce_sum3A_103 = vector.shape_cast %select_n3A_102 : vector<80x128xi32> to vector<1x80x128xi32>
    %reduce_sum3A_104 = arith.constant dense<0> : vector<1xi32>
    %reduce_sum3A_105 = vector.multi_reduction <add>, %reduce_sum3A_103, %reduce_sum3A_104 [1, 2] : vector<1x80x128xi32> to vector<1xi32>
    %reduce_sum3A_106 = vector.shape_cast %reduce_sum3A_105 : vector<1xi32> to vector<1x1x1xi32>
    %reduce_sum3A_107 = vector.extract %reduce_sum3A_106[0, 0, 0] : i32 from vector<1x1x1xi32>
    %max3A = arith.maxsi %reduce_sum3A_9, %reduce_sum3A_23 : i32
    %max3A_108 = arith.maxsi %max3A, %reduce_sum3A_37 : i32
    %max3A_109 = arith.maxsi %max3A_108, %reduce_sum3A_51 : i32
    %max3A_110 = arith.maxsi %max3A_109, %reduce_sum3A_65 : i32
    %max3A_111 = arith.maxsi %max3A_110, %reduce_sum3A_79 : i32
    %max3A_112 = arith.maxsi %max3A_111, %reduce_sum3A_93 : i32
    %max3A_113 = arith.maxsi %max3A_112, %reduce_sum3A_107 : i32
    %broadcast_in_dim3A_114 = vector.broadcast %reduce_sum3A_9 : i32 to vector<1x128xi32>
    %broadcast_in_dim3A_115 = vector.broadcast %reduce_sum3A_23 : i32 to vector<1x128xi32>
    %broadcast_in_dim3A_116 = vector.broadcast %reduce_sum3A_37 : i32 to vector<1x128xi32>
    %broadcast_in_dim3A_117 = vector.broadcast %reduce_sum3A_51 : i32 to vector<1x128xi32>
    %broadcast_in_dim3A_118 = vector.broadcast %reduce_sum3A_65 : i32 to vector<1x128xi32>
    %broadcast_in_dim3A_119 = vector.broadcast %reduce_sum3A_79 : i32 to vector<1x128xi32>
    %broadcast_in_dim3A_120 = vector.broadcast %reduce_sum3A_93 : i32 to vector<1x128xi32>
    %broadcast_in_dim3A_121 = vector.broadcast %reduce_sum3A_107 : i32 to vector<1x128xi32>
    %concatenate3A = tpu.concatenate %broadcast_in_dim3A_114, %broadcast_in_dim3A_115, %broadcast_in_dim3A_116, %broadcast_in_dim3A_117, %broadcast_in_dim3A_118, %broadcast_in_dim3A_119, %broadcast_in_dim3A_120, %broadcast_in_dim3A_121 in 0 : vector<1x128xi32>, vector<1x128xi32>, vector<1x128xi32>, vector<1x128xi32>, vector<1x128xi32>, vector<1x128xi32>, vector<1x128xi32>, vector<1x128xi32> -> vector<8x128xi32>
    %broadcast_in_dim3A_122 = arith.constant 0.000000e+00 : f32
    %broadcast_in_dim3A_123 = vector.broadcast %broadcast_in_dim3A_122 : f32 to vector<8x128xf32>
    %broadcast_in_dim3A_124 = arith.constant 0.000000e+00 : f32
    %broadcast_in_dim3A_125 = vector.broadcast %broadcast_in_dim3A_124 : f32 to vector<8x128xf32>
    %sub3A = arith.constant 1 : i32
    %sub3A_126 = arith.subi %reduce_sum3A_9, %sub3A : i32
    %min3A = arith.constant 0 : i32
    %min3A_127 = arith.minsi %min3A, %sub3A_126 : i32
    %add3A_128 = arith.constant 0 : i32
    %add3A_129 = arith.addi %add3A_128, %min3A_127 : i32
    %max3A_130 = arith.constant 0 : i32
    %max3A_131 = arith.maxsi %add3A_129, %max3A_130 : i32
    %min3A_132 = arith.constant 9999 : i32
    %min3A_133 = arith.minsi %max3A_131, %min3A_132 : i32
    %get3A_134 = arith.index_cast %min3A_133 : i32 to index
    %get3A_135 = arith.constant 0 : index
    %get3A_136 = vector.load %arg0[%get3A_134, %get3A_135] : memref<10000x512xf32, #tpu.memory_space<vmem>>, vector<1x512xf32>
    %sub3A_137 = arith.constant 1 : i32
    %sub3A_138 = arith.subi %reduce_sum3A_23, %sub3A_137 : i32
    %min3A_139 = arith.constant 0 : i32
    %min3A_140 = arith.minsi %min3A_139, %sub3A_138 : i32
    %add3A_141 = arith.addi %add3A_10, %min3A_140 : i32
    %max3A_142 = arith.constant 0 : i32
    %max3A_143 = arith.maxsi %add3A_141, %max3A_142 : i32
    %min3A_144 = arith.constant 9999 : i32
    %min3A_145 = arith.minsi %max3A_143, %min3A_144 : i32
    %get3A_146 = arith.index_cast %min3A_145 : i32 to index
    %get3A_147 = arith.constant 0 : index
    %get3A_148 = vector.load %arg0[%get3A_146, %get3A_147] : memref<10000x512xf32, #tpu.memory_space<vmem>>, vector<1x512xf32>
    %sub3A_149 = arith.constant 1 : i32
    %sub3A_150 = arith.subi %reduce_sum3A_37, %sub3A_149 : i32
    %min3A_151 = arith.constant 0 : i32
    %min3A_152 = arith.minsi %min3A_151, %sub3A_150 : i32
    %add3A_153 = arith.addi %add3A_24, %min3A_152 : i32
    %max3A_154 = arith.constant 0 : i32
    %max3A_155 = arith.maxsi %add3A_153, %max3A_154 : i32
    %min3A_156 = arith.constant 9999 : i32
    %min3A_157 = arith.minsi %max3A_155, %min3A_156 : i32
    %get3A_158 = arith.index_cast %min3A_157 : i32 to index
    %get3A_159 = arith.constant 0 : index
    %get3A_160 = vector.load %arg0[%get3A_158, %get3A_159] : memref<10000x512xf32, #tpu.memory_space<vmem>>, vector<1x512xf32>
    %sub3A_161 = arith.constant 1 : i32
    %sub3A_162 = arith.subi %reduce_sum3A_51, %sub3A_161 : i32
    %min3A_163 = arith.constant 0 : i32
    %min3A_164 = arith.minsi %min3A_163, %sub3A_162 : i32
    %add3A_165 = arith.addi %add3A_38, %min3A_164 : i32
    %max3A_166 = arith.constant 0 : i32
    %max3A_167 = arith.maxsi %add3A_165, %max3A_166 : i32
    %min3A_168 = arith.constant 9999 : i32
    %min3A_169 = arith.minsi %max3A_167, %min3A_168 : i32
    %get3A_170 = arith.index_cast %min3A_169 : i32 to index
    %get3A_171 = arith.constant 0 : index
    %get3A_172 = vector.load %arg0[%get3A_170, %get3A_171] : memref<10000x512xf32, #tpu.memory_space<vmem>>, vector<1x512xf32>
    %sub3A_173 = arith.constant 1 : i32
    %sub3A_174 = arith.subi %reduce_sum3A_65, %sub3A_173 : i32
    %min3A_175 = arith.constant 0 : i32
    %min3A_176 = arith.minsi %min3A_175, %sub3A_174 : i32
    %add3A_177 = arith.addi %add3A_52, %min3A_176 : i32
    %max3A_178 = arith.constant 0 : i32
    %max3A_179 = arith.maxsi %add3A_177, %max3A_178 : i32
    %min3A_180 = arith.constant 9999 : i32
    %min3A_181 = arith.minsi %max3A_179, %min3A_180 : i32
    %get3A_182 = arith.index_cast %min3A_181 : i32 to index
    %get3A_183 = arith.constant 0 : index
    %get3A_184 = vector.load %arg0[%get3A_182, %get3A_183] : memref<10000x512xf32, #tpu.memory_space<vmem>>, vector<1x512xf32>
    %sub3A_185 = arith.constant 1 : i32
    %sub3A_186 = arith.subi %reduce_sum3A_79, %sub3A_185 : i32
    %min3A_187 = arith.constant 0 : i32
    %min3A_188 = arith.minsi %min3A_187, %sub3A_186 : i32
    %add3A_189 = arith.addi %add3A_66, %min3A_188 : i32
    %max3A_190 = arith.constant 0 : i32
    %max3A_191 = arith.maxsi %add3A_189, %max3A_190 : i32
    %min3A_192 = arith.constant 9999 : i32
    %min3A_193 = arith.minsi %max3A_191, %min3A_192 : i32
    %get3A_194 = arith.index_cast %min3A_193 : i32 to index
    %get3A_195 = arith.constant 0 : index
    %get3A_196 = vector.load %arg0[%get3A_194, %get3A_195] : memref<10000x512xf32, #tpu.memory_space<vmem>>, vector<1x512xf32>
    %sub3A_197 = arith.constant 1 : i32
    %sub3A_198 = arith.subi %reduce_sum3A_93, %sub3A_197 : i32
    %min3A_199 = arith.constant 0 : i32
    %min3A_200 = arith.minsi %min3A_199, %sub3A_198 : i32
    %add3A_201 = arith.addi %add3A_80, %min3A_200 : i32
    %max3A_202 = arith.constant 0 : i32
    %max3A_203 = arith.maxsi %add3A_201, %max3A_202 : i32
    %min3A_204 = arith.constant 9999 : i32
    %min3A_205 = arith.minsi %max3A_203, %min3A_204 : i32
    %get3A_206 = arith.index_cast %min3A_205 : i32 to index
    %get3A_207 = arith.constant 0 : index
    %get3A_208 = vector.load %arg0[%get3A_206, %get3A_207] : memref<10000x512xf32, #tpu.memory_space<vmem>>, vector<1x512xf32>
    %sub3A_209 = arith.constant 1 : i32
    %sub3A_210 = arith.subi %reduce_sum3A_107, %sub3A_209 : i32
    %min3A_211 = arith.constant 0 : i32
    %min3A_212 = arith.minsi %min3A_211, %sub3A_210 : i32
    %add3A_213 = arith.addi %add3A_94, %min3A_212 : i32
    %max3A_214 = arith.constant 0 : i32
    %max3A_215 = arith.maxsi %add3A_213, %max3A_214 : i32
    %min3A_216 = arith.constant 9999 : i32
    %min3A_217 = arith.minsi %max3A_215, %min3A_216 : i32
    %get3A_218 = arith.index_cast %min3A_217 : i32 to index
    %get3A_219 = arith.constant 0 : index
    %get3A_220 = vector.load %arg0[%get3A_218, %get3A_219] : memref<10000x512xf32, #tpu.memory_space<vmem>>, vector<1x512xf32>
    %concatenate3A_221 = tpu.concatenate %get3A_136, %get3A_148, %get3A_160, %get3A_172, %get3A_184, %get3A_196, %get3A_208, %get3A_220 in 0 : vector<1x512xf32>, vector<1x512xf32>, vector<1x512xf32>, vector<1x512xf32>, vector<1x512xf32>, vector<1x512xf32>, vector<1x512xf32>, vector<1x512xf32> -> vector<8x512xf32>
    %while3A = arith.constant 0 : i32
    %while3A_222 = arith.constant 0 : i32
    %while3A_223 = arith.subi %max3A_113, %while3A_222 : i32
    %while3A_224 = arith.addi %while3A_222, %while3A_223 : i32
    %while3A_225 = arith.constant 1 : i32
    %while3A_226 = arith.divsi %while3A_223, %while3A_225 : i32
    %while3A_227 = arith.muli %while3A_226, %while3A_225 : i32
    %while3A_228 = arith.addi %while3A_222, %while3A_227 : i32
    %while3A_229 = arith.constant 1 : i32
    %while3A_230:3 = scf.for %while3A_257 = %while3A_222 to %while3A_228 step %while3A_229 iter_args(%while3A_258 = %broadcast_in_dim3A_123, %while3A_259 = %broadcast_in_dim3A_125, %while3A_260 = %concatenate3A_221) -> (vector<8x128xf32>, vector<8x128xf32>, vector<8x512xf32>)  : i32 {
      %get3A_261 = arith.constant 0 : index
      %get3A_262 = arith.constant 0 : index
      %get3A_263 = vector.load %arg2[%get3A_261, %get3A_262] : memref<128x512xf32, #tpu.memory_space<vmem>>, vector<128x512xf32>
      %dot_general3A_264 = arith.constant dense<0.000000e+00> : vector<8x512xf32>
      %dot_general3A_265 = tpu.matmul %while3A_258, %get3A_263, %dot_general3A_264 {dimension_numbers = #tpu.dot_dimension_numbers<[1], [0], [0], [1], [0, 0, 1, 1], [], []>, transpose_lhs_hint = false} : vector<8x128xf32>, vector<128x512xf32>, vector<8x512xf32> -> vector<8x512xf32>
      %add3A_266 = arith.addf %while3A_260, %dot_general3A_265 : vector<8x512xf32>
      %slice3A = vector.extract_strided_slice %add3A_266 {offsets = [0, 0], sizes = [8, 128], strides = [1, 1]} : vector<8x512xf32> to vector<8x128xf32>
      %logistic3A = arith.negf %slice3A : vector<8x128xf32>
      %logistic3A_267 = math.exp %logistic3A : vector<8x128xf32>
      %logistic3A_268 = arith.constant 1.000000e+00 : f32
      %logistic3A_269 = vector.broadcast %logistic3A_268 : f32 to vector<8x128xf32>
      %logistic3A_270 = arith.addf %logistic3A_269, %logistic3A_267 : vector<8x128xf32>
      %logistic3A_271 = arith.divf %logistic3A_269, %logistic3A_270 : vector<8x128xf32>
      %slice3A_272 = vector.extract_strided_slice %add3A_266 {offsets = [0, 128], sizes = [8, 128], strides = [1, 1]} : vector<8x512xf32> to vector<8x128xf32>
      %logistic3A_273 = arith.negf %slice3A_272 : vector<8x128xf32>
      %logistic3A_274 = math.exp %logistic3A_273 : vector<8x128xf32>
      %logistic3A_275 = arith.constant 1.000000e+00 : f32
      %logistic3A_276 = vector.broadcast %logistic3A_275 : f32 to vector<8x128xf32>
      %logistic3A_277 = arith.addf %logistic3A_276, %logistic3A_274 : vector<8x128xf32>
      %logistic3A_278 = arith.divf %logistic3A_276, %logistic3A_277 : vector<8x128xf32>
      %slice3A_279 = vector.extract_strided_slice %add3A_266 {offsets = [0, 256], sizes = [8, 128], strides = [1, 1]} : vector<8x512xf32> to vector<8x128xf32>
      %tanh3A = math.tanh %slice3A_279 : vector<8x128xf32>
      %slice3A_280 = vector.extract_strided_slice %add3A_266 {offsets = [0, 384], sizes = [8, 128], strides = [1, 1]} : vector<8x512xf32> to vector<8x128xf32>
      %logistic3A_281 = arith.negf %slice3A_280 : vector<8x128xf32>
      %logistic3A_282 = math.exp %logistic3A_281 : vector<8x128xf32>
      %logistic3A_283 = arith.constant 1.000000e+00 : f32
      %logistic3A_284 = vector.broadcast %logistic3A_283 : f32 to vector<8x128xf32>
      %logistic3A_285 = arith.addf %logistic3A_284, %logistic3A_282 : vector<8x128xf32>
      %logistic3A_286 = arith.divf %logistic3A_284, %logistic3A_285 : vector<8x128xf32>
      %mul3A = arith.mulf %logistic3A_278, %while3A_259 : vector<8x128xf32>
      %mul3A_287 = arith.mulf %logistic3A_271, %tanh3A : vector<8x128xf32>
      %add3A_288 = arith.addf %mul3A, %mul3A_287 : vector<8x128xf32>
      %tanh3A_289 = math.tanh %add3A_288 : vector<8x128xf32>
      %mul3A_290 = arith.mulf %logistic3A_286, %tanh3A_289 : vector<8x128xf32>
      %gt3A = vector.broadcast %while3A_257 : i32 to vector<8x128xi32>
      %gt3A_291 = arith.cmpi sgt, %concatenate3A, %gt3A : vector<8x128xi32>
      %select_n3A_292 = arith.select %gt3A_291, %mul3A_290, %while3A_258 : vector<8x128xi1>, vector<8x128xf32>
      %select_n3A_293 = arith.select %gt3A_291, %add3A_288, %while3A_259 : vector<8x128xi1>, vector<8x128xf32>
      %add3A_294 = arith.constant 1 : i32
      %add3A_295 = arith.addi %while3A_257, %add3A_294 : i32
      %sub3A_296 = arith.constant 1 : i32
      %sub3A_297 = arith.subi %reduce_sum3A_9, %sub3A_296 : i32
      %min3A_298 = arith.minsi %add3A_295, %sub3A_297 : i32
      %add3A_299 = arith.addi %while3A, %min3A_298 : i32
      %max3A_300 = arith.constant 0 : i32
      %max3A_301 = arith.maxsi %add3A_299, %max3A_300 : i32
      %min3A_302 = arith.constant 9999 : i32
      %min3A_303 = arith.minsi %max3A_301, %min3A_302 : i32
      %get3A_304 = arith.index_cast %min3A_303 : i32 to index
      %get3A_305 = arith.constant 0 : index
      %get3A_306 = vector.load %arg0[%get3A_304, %get3A_305] : memref<10000x512xf32, #tpu.memory_space<vmem>>, vector<1x512xf32>
      %sub3A_307 = arith.constant 1 : i32
      %sub3A_308 = arith.subi %reduce_sum3A_23, %sub3A_307 : i32
      %min3A_309 = arith.minsi %add3A_295, %sub3A_308 : i32
      %add3A_310 = arith.addi %add3A_10, %min3A_309 : i32
      %max3A_311 = arith.constant 0 : i32
      %max3A_312 = arith.maxsi %add3A_310, %max3A_311 : i32
      %min3A_313 = arith.constant 9999 : i32
      %min3A_314 = arith.minsi %max3A_312, %min3A_313 : i32
      %get3A_315 = arith.index_cast %min3A_314 : i32 to index
      %get3A_316 = arith.constant 0 : index
      %get3A_317 = vector.load %arg0[%get3A_315, %get3A_316] : memref<10000x512xf32, #tpu.memory_space<vmem>>, vector<1x512xf32>
      %sub3A_318 = arith.constant 1 : i32
      %sub3A_319 = arith.subi %reduce_sum3A_37, %sub3A_318 : i32
      %min3A_320 = arith.minsi %add3A_295, %sub3A_319 : i32
      %add3A_321 = arith.addi %add3A_24, %min3A_320 : i32
      %max3A_322 = arith.constant 0 : i32
      %max3A_323 = arith.maxsi %add3A_321, %max3A_322 : i32
      %min3A_324 = arith.constant 9999 : i32
      %min3A_325 = arith.minsi %max3A_323, %min3A_324 : i32
      %get3A_326 = arith.index_cast %min3A_325 : i32 to index
      %get3A_327 = arith.constant 0 : index
      %get3A_328 = vector.load %arg0[%get3A_326, %get3A_327] : memref<10000x512xf32, #tpu.memory_space<vmem>>, vector<1x512xf32>
      %sub3A_329 = arith.constant 1 : i32
      %sub3A_330 = arith.subi %reduce_sum3A_51, %sub3A_329 : i32
      %min3A_331 = arith.minsi %add3A_295, %sub3A_330 : i32
      %add3A_332 = arith.addi %add3A_38, %min3A_331 : i32
      %max3A_333 = arith.constant 0 : i32
      %max3A_334 = arith.maxsi %add3A_332, %max3A_333 : i32
      %min3A_335 = arith.constant 9999 : i32
      %min3A_336 = arith.minsi %max3A_334, %min3A_335 : i32
      %get3A_337 = arith.index_cast %min3A_336 : i32 to index
      %get3A_338 = arith.constant 0 : index
      %get3A_339 = vector.load %arg0[%get3A_337, %get3A_338] : memref<10000x512xf32, #tpu.memory_space<vmem>>, vector<1x512xf32>
      %sub3A_340 = arith.constant 1 : i32
      %sub3A_341 = arith.subi %reduce_sum3A_65, %sub3A_340 : i32
      %min3A_342 = arith.minsi %add3A_295, %sub3A_341 : i32
      %add3A_343 = arith.addi %add3A_52, %min3A_342 : i32
      %max3A_344 = arith.constant 0 : i32
      %max3A_345 = arith.maxsi %add3A_343, %max3A_344 : i32
      %min3A_346 = arith.constant 9999 : i32
      %min3A_347 = arith.minsi %max3A_345, %min3A_346 : i32
      %get3A_348 = arith.index_cast %min3A_347 : i32 to index
      %get3A_349 = arith.constant 0 : index
      %get3A_350 = vector.load %arg0[%get3A_348, %get3A_349] : memref<10000x512xf32, #tpu.memory_space<vmem>>, vector<1x512xf32>
      %sub3A_351 = arith.constant 1 : i32
      %sub3A_352 = arith.subi %reduce_sum3A_79, %sub3A_351 : i32
      %min3A_353 = arith.minsi %add3A_295, %sub3A_352 : i32
      %add3A_354 = arith.addi %add3A_66, %min3A_353 : i32
      %max3A_355 = arith.constant 0 : i32
      %max3A_356 = arith.maxsi %add3A_354, %max3A_355 : i32
      %min3A_357 = arith.constant 9999 : i32
      %min3A_358 = arith.minsi %max3A_356, %min3A_357 : i32
      %get3A_359 = arith.index_cast %min3A_358 : i32 to index
      %get3A_360 = arith.constant 0 : index
      %get3A_361 = vector.load %arg0[%get3A_359, %get3A_360] : memref<10000x512xf32, #tpu.memory_space<vmem>>, vector<1x512xf32>
      %sub3A_362 = arith.constant 1 : i32
      %sub3A_363 = arith.subi %reduce_sum3A_93, %sub3A_362 : i32
      %min3A_364 = arith.minsi %add3A_295, %sub3A_363 : i32
      %add3A_365 = arith.addi %add3A_80, %min3A_364 : i32
      %max3A_366 = arith.constant 0 : i32
      %max3A_367 = arith.maxsi %add3A_365, %max3A_366 : i32
      %min3A_368 = arith.constant 9999 : i32
      %min3A_369 = arith.minsi %max3A_367, %min3A_368 : i32
      %get3A_370 = arith.index_cast %min3A_369 : i32 to index
      %get3A_371 = arith.constant 0 : index
      %get3A_372 = vector.load %arg0[%get3A_370, %get3A_371] : memref<10000x512xf32, #tpu.memory_space<vmem>>, vector<1x512xf32>
      %sub3A_373 = arith.constant 1 : i32
      %sub3A_374 = arith.subi %reduce_sum3A_107, %sub3A_373 : i32
      %min3A_375 = arith.minsi %add3A_295, %sub3A_374 : i32
      %add3A_376 = arith.addi %add3A_94, %min3A_375 : i32
      %max3A_377 = arith.constant 0 : i32
      %max3A_378 = arith.maxsi %add3A_376, %max3A_377 : i32
      %min3A_379 = arith.constant 9999 : i32
      %min3A_380 = arith.minsi %max3A_378, %min3A_379 : i32
      %get3A_381 = arith.index_cast %min3A_380 : i32 to index
      %get3A_382 = arith.constant 0 : index
      %get3A_383 = vector.load %arg0[%get3A_381, %get3A_382] : memref<10000x512xf32, #tpu.memory_space<vmem>>, vector<1x512xf32>
      %concatenate3A_384 = tpu.concatenate %get3A_306, %get3A_317, %get3A_328, %get3A_339, %get3A_350, %get3A_361, %get3A_372, %get3A_383 in 0 : vector<1x512xf32>, vector<1x512xf32>, vector<1x512xf32>, vector<1x512xf32>, vector<1x512xf32>, vector<1x512xf32>, vector<1x512xf32>, vector<1x512xf32> -> vector<8x512xf32>
      scf.yield %select_n3A_292, %select_n3A_293, %concatenate3A_384 : vector<8x128xf32>, vector<8x128xf32>, vector<8x512xf32>
    }
    %while3A_231 = arith.constant 1 : i32
    %while3A_232:3 = scf.for %while3A_257 = %while3A_228 to %while3A_224 step %while3A_231 iter_args(%while3A_258 = %while3A_230#0, %while3A_259 = %while3A_230#1, %while3A_260 = %while3A_230#2) -> (vector<8x128xf32>, vector<8x128xf32>, vector<8x512xf32>)  : i32 {
      %get3A_261 = arith.constant 0 : index
      %get3A_262 = arith.constant 0 : index
      %get3A_263 = vector.load %arg2[%get3A_261, %get3A_262] : memref<128x512xf32, #tpu.memory_space<vmem>>, vector<128x512xf32>
      %dot_general3A_264 = arith.constant dense<0.000000e+00> : vector<8x512xf32>
      %dot_general3A_265 = tpu.matmul %while3A_258, %get3A_263, %dot_general3A_264 {dimension_numbers = #tpu.dot_dimension_numbers<[1], [0], [0], [1], [0, 0, 1, 1], [], []>, transpose_lhs_hint = false} : vector<8x128xf32>, vector<128x512xf32>, vector<8x512xf32> -> vector<8x512xf32>
      %add3A_266 = arith.addf %while3A_260, %dot_general3A_265 : vector<8x512xf32>
      %slice3A = vector.extract_strided_slice %add3A_266 {offsets = [0, 0], sizes = [8, 128], strides = [1, 1]} : vector<8x512xf32> to vector<8x128xf32>
      %logistic3A = arith.negf %slice3A : vector<8x128xf32>
      %logistic3A_267 = math.exp %logistic3A : vector<8x128xf32>
      %logistic3A_268 = arith.constant 1.000000e+00 : f32
      %logistic3A_269 = vector.broadcast %logistic3A_268 : f32 to vector<8x128xf32>
      %logistic3A_270 = arith.addf %logistic3A_269, %logistic3A_267 : vector<8x128xf32>
      %logistic3A_271 = arith.divf %logistic3A_269, %logistic3A_270 : vector<8x128xf32>
      %slice3A_272 = vector.extract_strided_slice %add3A_266 {offsets = [0, 128], sizes = [8, 128], strides = [1, 1]} : vector<8x512xf32> to vector<8x128xf32>
      %logistic3A_273 = arith.negf %slice3A_272 : vector<8x128xf32>
      %logistic3A_274 = math.exp %logistic3A_273 : vector<8x128xf32>
      %logistic3A_275 = arith.constant 1.000000e+00 : f32
      %logistic3A_276 = vector.broadcast %logistic3A_275 : f32 to vector<8x128xf32>
      %logistic3A_277 = arith.addf %logistic3A_276, %logistic3A_274 : vector<8x128xf32>
      %logistic3A_278 = arith.divf %logistic3A_276, %logistic3A_277 : vector<8x128xf32>
      %slice3A_279 = vector.extract_strided_slice %add3A_266 {offsets = [0, 256], sizes = [8, 128], strides = [1, 1]} : vector<8x512xf32> to vector<8x128xf32>
      %tanh3A = math.tanh %slice3A_279 : vector<8x128xf32>
      %slice3A_280 = vector.extract_strided_slice %add3A_266 {offsets = [0, 384], sizes = [8, 128], strides = [1, 1]} : vector<8x512xf32> to vector<8x128xf32>
      %logistic3A_281 = arith.negf %slice3A_280 : vector<8x128xf32>
      %logistic3A_282 = math.exp %logistic3A_281 : vector<8x128xf32>
      %logistic3A_283 = arith.constant 1.000000e+00 : f32
      %logistic3A_284 = vector.broadcast %logistic3A_283 : f32 to vector<8x128xf32>
      %logistic3A_285 = arith.addf %logistic3A_284, %logistic3A_282 : vector<8x128xf32>
      %logistic3A_286 = arith.divf %logistic3A_284, %logistic3A_285 : vector<8x128xf32>
      %mul3A = arith.mulf %logistic3A_278, %while3A_259 : vector<8x128xf32>
      %mul3A_287 = arith.mulf %logistic3A_271, %tanh3A : vector<8x128xf32>
      %add3A_288 = arith.addf %mul3A, %mul3A_287 : vector<8x128xf32>
      %tanh3A_289 = math.tanh %add3A_288 : vector<8x128xf32>
      %mul3A_290 = arith.mulf %logistic3A_286, %tanh3A_289 : vector<8x128xf32>
      %gt3A = vector.broadcast %while3A_257 : i32 to vector<8x128xi32>
      %gt3A_291 = arith.cmpi sgt, %concatenate3A, %gt3A : vector<8x128xi32>
      %select_n3A_292 = arith.select %gt3A_291, %mul3A_290, %while3A_258 : vector<8x128xi1>, vector<8x128xf32>
      %select_n3A_293 = arith.select %gt3A_291, %add3A_288, %while3A_259 : vector<8x128xi1>, vector<8x128xf32>
      %add3A_294 = arith.constant 1 : i32
      %add3A_295 = arith.addi %while3A_257, %add3A_294 : i32
      %sub3A_296 = arith.constant 1 : i32
      %sub3A_297 = arith.subi %reduce_sum3A_9, %sub3A_296 : i32
      %min3A_298 = arith.minsi %add3A_295, %sub3A_297 : i32
      %add3A_299 = arith.addi %while3A, %min3A_298 : i32
      %max3A_300 = arith.constant 0 : i32
      %max3A_301 = arith.maxsi %add3A_299, %max3A_300 : i32
      %min3A_302 = arith.constant 9999 : i32
      %min3A_303 = arith.minsi %max3A_301, %min3A_302 : i32
      %get3A_304 = arith.index_cast %min3A_303 : i32 to index
      %get3A_305 = arith.constant 0 : index
      %get3A_306 = vector.load %arg0[%get3A_304, %get3A_305] : memref<10000x512xf32, #tpu.memory_space<vmem>>, vector<1x512xf32>
      %sub3A_307 = arith.constant 1 : i32
      %sub3A_308 = arith.subi %reduce_sum3A_23, %sub3A_307 : i32
      %min3A_309 = arith.minsi %add3A_295, %sub3A_308 : i32
      %add3A_310 = arith.addi %add3A_10, %min3A_309 : i32
      %max3A_311 = arith.constant 0 : i32
      %max3A_312 = arith.maxsi %add3A_310, %max3A_311 : i32
      %min3A_313 = arith.constant 9999 : i32
      %min3A_314 = arith.minsi %max3A_312, %min3A_313 : i32
      %get3A_315 = arith.index_cast %min3A_314 : i32 to index
      %get3A_316 = arith.constant 0 : index
      %get3A_317 = vector.load %arg0[%get3A_315, %get3A_316] : memref<10000x512xf32, #tpu.memory_space<vmem>>, vector<1x512xf32>
      %sub3A_318 = arith.constant 1 : i32
      %sub3A_319 = arith.subi %reduce_sum3A_37, %sub3A_318 : i32
      %min3A_320 = arith.minsi %add3A_295, %sub3A_319 : i32
      %add3A_321 = arith.addi %add3A_24, %min3A_320 : i32
      %max3A_322 = arith.constant 0 : i32
      %max3A_323 = arith.maxsi %add3A_321, %max3A_322 : i32
      %min3A_324 = arith.constant 9999 : i32
      %min3A_325 = arith.minsi %max3A_323, %min3A_324 : i32
      %get3A_326 = arith.index_cast %min3A_325 : i32 to index
      %get3A_327 = arith.constant 0 : index
      %get3A_328 = vector.load %arg0[%get3A_326, %get3A_327] : memref<10000x512xf32, #tpu.memory_space<vmem>>, vector<1x512xf32>
      %sub3A_329 = arith.constant 1 : i32
      %sub3A_330 = arith.subi %reduce_sum3A_51, %sub3A_329 : i32
      %min3A_331 = arith.minsi %add3A_295, %sub3A_330 : i32
      %add3A_332 = arith.addi %add3A_38, %min3A_331 : i32
      %max3A_333 = arith.constant 0 : i32
      %max3A_334 = arith.maxsi %add3A_332, %max3A_333 : i32
      %min3A_335 = arith.constant 9999 : i32
      %min3A_336 = arith.minsi %max3A_334, %min3A_335 : i32
      %get3A_337 = arith.index_cast %min3A_336 : i32 to index
      %get3A_338 = arith.constant 0 : index
      %get3A_339 = vector.load %arg0[%get3A_337, %get3A_338] : memref<10000x512xf32, #tpu.memory_space<vmem>>, vector<1x512xf32>
      %sub3A_340 = arith.constant 1 : i32
      %sub3A_341 = arith.subi %reduce_sum3A_65, %sub3A_340 : i32
      %min3A_342 = arith.minsi %add3A_295, %sub3A_341 : i32
      %add3A_343 = arith.addi %add3A_52, %min3A_342 : i32
      %max3A_344 = arith.constant 0 : i32
      %max3A_345 = arith.maxsi %add3A_343, %max3A_344 : i32
      %min3A_346 = arith.constant 9999 : i32
      %min3A_347 = arith.minsi %max3A_345, %min3A_346 : i32
      %get3A_348 = arith.index_cast %min3A_347 : i32 to index
      %get3A_349 = arith.constant 0 : index
      %get3A_350 = vector.load %arg0[%get3A_348, %get3A_349] : memref<10000x512xf32, #tpu.memory_space<vmem>>, vector<1x512xf32>
      %sub3A_351 = arith.constant 1 : i32
      %sub3A_352 = arith.subi %reduce_sum3A_79, %sub3A_351 : i32
      %min3A_353 = arith.minsi %add3A_295, %sub3A_352 : i32
      %add3A_354 = arith.addi %add3A_66, %min3A_353 : i32
      %max3A_355 = arith.constant 0 : i32
      %max3A_356 = arith.maxsi %add3A_354, %max3A_355 : i32
      %min3A_357 = arith.constant 9999 : i32
      %min3A_358 = arith.minsi %max3A_356, %min3A_357 : i32
      %get3A_359 = arith.index_cast %min3A_358 : i32 to index
      %get3A_360 = arith.constant 0 : index
      %get3A_361 = vector.load %arg0[%get3A_359, %get3A_360] : memref<10000x512xf32, #tpu.memory_space<vmem>>, vector<1x512xf32>
      %sub3A_362 = arith.constant 1 : i32
      %sub3A_363 = arith.subi %reduce_sum3A_93, %sub3A_362 : i32
      %min3A_364 = arith.minsi %add3A_295, %sub3A_363 : i32
      %add3A_365 = arith.addi %add3A_80, %min3A_364 : i32
      %max3A_366 = arith.constant 0 : i32
      %max3A_367 = arith.maxsi %add3A_365, %max3A_366 : i32
      %min3A_368 = arith.constant 9999 : i32
      %min3A_369 = arith.minsi %max3A_367, %min3A_368 : i32
      %get3A_370 = arith.index_cast %min3A_369 : i32 to index
      %get3A_371 = arith.constant 0 : index
      %get3A_372 = vector.load %arg0[%get3A_370, %get3A_371] : memref<10000x512xf32, #tpu.memory_space<vmem>>, vector<1x512xf32>
      %sub3A_373 = arith.constant 1 : i32
      %sub3A_374 = arith.subi %reduce_sum3A_107, %sub3A_373 : i32
      %min3A_375 = arith.minsi %add3A_295, %sub3A_374 : i32
      %add3A_376 = arith.addi %add3A_94, %min3A_375 : i32
      %max3A_377 = arith.constant 0 : i32
      %max3A_378 = arith.maxsi %add3A_376, %max3A_377 : i32
      %min3A_379 = arith.constant 9999 : i32
      %min3A_380 = arith.minsi %max3A_378, %min3A_379 : i32
      %get3A_381 = arith.index_cast %min3A_380 : i32 to index
      %get3A_382 = arith.constant 0 : index
      %get3A_383 = vector.load %arg0[%get3A_381, %get3A_382] : memref<10000x512xf32, #tpu.memory_space<vmem>>, vector<1x512xf32>
      %concatenate3A_384 = tpu.concatenate %get3A_306, %get3A_317, %get3A_328, %get3A_339, %get3A_350, %get3A_361, %get3A_372, %get3A_383 in 0 : vector<1x512xf32>, vector<1x512xf32>, vector<1x512xf32>, vector<1x512xf32>, vector<1x512xf32>, vector<1x512xf32>, vector<1x512xf32>, vector<1x512xf32> -> vector<8x512xf32>
      scf.yield %select_n3A_292, %select_n3A_293, %concatenate3A_384 : vector<8x128xf32>, vector<8x128xf32>, vector<8x512xf32>
    }
    %get3A_233 = arith.constant 0 : index
    %get3A_234 = arith.constant 0 : index
    %get3A_235 = vector.load %arg3[%get3A_233, %get3A_234] : memref<128x64xf32, #tpu.memory_space<vmem>>, vector<128x64xf32>
    %dot_general3A = arith.constant dense<0.000000e+00> : vector<8x64xf32>
    %dot_general3A_236 = tpu.matmul %while3A_232#0, %get3A_235, %dot_general3A {dimension_numbers = #tpu.dot_dimension_numbers<[1], [0], [0], [1], [0, 0, 1, 1], [], []>, transpose_lhs_hint = false} : vector<8x128xf32>, vector<128x64xf32>, vector<8x64xf32> -> vector<8x64xf32>
    %get3A_237 = arith.constant 0 : index
    %get3A_238 = arith.constant 0 : index
    %get3A_239 = vector.load %arg4[%get3A_237, %get3A_238] : memref<1x64xf32, #tpu.memory_space<vmem>>, vector<1x64xf32>
    %add3A_240 = vector.broadcast %get3A_239 : vector<1x64xf32> to vector<8x64xf32>
    %add3A_241 = arith.addf %dot_general3A_236, %add3A_240 : vector<8x64xf32>
    %max3A_242 = arith.constant 0.000000e+00 : f32
    %max3A_243 = vector.broadcast %max3A_242 : f32 to vector<8x64xf32>
    %max3A_244 = arith.maximumf %add3A_241, %max3A_243 : vector<8x64xf32>
    %get3A_245 = arith.constant 0 : index
    %get3A_246 = arith.constant 0 : index
    %get3A_247 = vector.load %arg5[%get3A_245, %get3A_246] : memref<64x10xf32, #tpu.memory_space<vmem>>, vector<64x10xf32>
    %dot_general3A_248 = arith.constant dense<0.000000e+00> : vector<8x10xf32>
    %dot_general3A_249 = tpu.matmul %max3A_244, %get3A_247, %dot_general3A_248 {dimension_numbers = #tpu.dot_dimension_numbers<[1], [0], [0], [1], [0, 0, 1, 1], [], []>, transpose_lhs_hint = false} : vector<8x64xf32>, vector<64x10xf32>, vector<8x10xf32> -> vector<8x10xf32>
    %get3A_250 = arith.constant 0 : index
    %get3A_251 = arith.constant 0 : index
    %get3A_252 = vector.load %arg6[%get3A_250, %get3A_251] : memref<1x10xf32, #tpu.memory_space<vmem>>, vector<1x10xf32>
    %add3A_253 = vector.broadcast %get3A_252 : vector<1x10xf32> to vector<8x10xf32>
    %add3A_254 = arith.addf %dot_general3A_249, %add3A_253 : vector<8x10xf32>
    %swap3A = arith.constant 0 : index
    %swap3A_255 = arith.constant 0 : index
    %swap3A_256 = vector.load %arg7[%swap3A, %swap3A_255] : memref<8x10xf32, #tpu.memory_space<vmem>>, vector<8x10xf32>
    tpu.vector_store %arg7[%swap3A, %swap3A_255], %add3A_254 {strides = array<i32>} : memref<8x10xf32, #tpu.memory_space<vmem>>, vector<8x10xf32>,
    return
  }
}

</mosaic_0001>

<sc_bundles>
// kernel: kernel.11.cloned.1.call-start
scs
__scs_entry_jumppad:
0x0: {  	(pc) =	sbr.rel $0x88, $3  }
0x1: {  	(tag) =	ssettag $0x0;
	lr =	simm.s32 $0x1  }
0x2: {  	[smem:$0x3F8A] =	sst lr;
	_ =	strace $0xD0000000  }
0x3: {  	_ = 	snop  }
0x4: {  	_ = 	snop  }
0x5: {  	_ = 	snop  }
0x6: {  	_ = 	snop  }
0x7: {  	_ = 	snop  }
__scs_overlays_trampoline_lowered:
0x8: {  	[smem:$0x3F99] =	sst s0  }
0x9: {  	[smem:$0x3F9A] =	sst s1  }
0xa: {  	[smem:$0x3F9B] =	sst s2  }
0xb: {  	[smem:$0x3F9C] =	sst s3  }
0xc: {  	[smem:$0x3F9D] =	sst s4  }
0xd: {  	[smem:$0x3F9E] =	sst s5  }
0xe: {  	[smem:$0x3F9F] =	sst s6  }
0xf: {  	[smem:$0x3FA0] =	sst s7  }
0x10: {  	[smem:$0x3FA1] =	sst s8  }
0x11: {  	[smem:$0x3FA2] =	sst s9;
	s0 =	simm.s32 @!p0 $0x0  }
0x12: {  	s1 =	sld [smem:$0x3F88];
	s0 =	simm.s32 @p0 $0x1  }
0x13: {  	[smem:$0x3FA3] =	sst s0;
	s0 =	simm.s32 @!p1 $0x0  }
0x14: {  	s2 =	sld [smem:$0x3F87];
	s0 =	simm.s32 @p1 $0x1  }
0x15: {  	[smem:$0x3FA4] =	sst s0;
	s0 =	simm.s32 @!p2 $0x0  }
0x16: {  	s3 =	sld [smem:$0x3FDB];
	s0 =	simm.s32 @p2 $0x1  }
0x17: {  	s4 =	simm.s32 $0x1BF5;
	[smem:$0x3FA6] =	sst s0  }
0x18: {  	s0 =	sld [smem:$0x3F89];
	_ =	swait.ge [sflag:s4], $0x0  }
0x19: {  	s7 =	sld [smem:$0x3F8A]  }
0x1a: {  	s8 =	sadd.s32 $0xFFFFE003, lr  }
0x1b: {  	s9 =	sadd.s32 $0xFFFFFEF7, lr;
	s5 =	simm.s32 $0xFFFFFFFF;
	p2 =	slt.u32 s8, $0xFFFFF086  }
0x1c: {  	p1 =	slt.u32 s9, $0xF7A;
	s5 =	simm.s32 @!p2 $0x0  }
0x1d: {  	s5 =	simm.s32 @p1 $0x1;
	p0 =	seq.s32 s7, s2  }
0x1e: {  	s7 =	smul.u32 @!p0 $0xF7A, s2;
	p2 =	seq.s32 @!p0 s5, $0x0  }
0x1f: {  	s9 =	smul.u32 $0xF7A, s1;
	s8 =	simm.s32 @!p0 $0x1BF5;
	p2 =	por !p2, p0  }
0x20: {  	[sflag:s8] =	ssyncset.s32 @!p0 $0xFFFFF086;
	s6 =	sadd.s32 @!p0 s3, s7;
	s7 =	simm.s32 @!p0 $0x108  }
0x21: {  	s3 =	sadd.s32 s3, s9;
	s6 =	sadd.s32 @!p0 $0x88, s6;
	s7 =	simm.s32 @p2 $0x1082  }
0x22: {  	[simem:s7], [sflag:s8] =	dma.local @!p0 [hbm:s6], $0xF7A  }
0x23: {  	s9 =	sor.u32 $0xD0000000, s2;
	s6 =	simm.s32 $0x108;
	_ =	swait.ge @!p0 [sflag:s8], $0x0  }
0x24: {  	s3 =	sadd.s32 $0x88, s3;
	s6 =	simm.s32 @!p1 $0x1082;
	[sflag:s4] =	ssyncset.s32 $0xFFFFF086  }
0x25: {  	[simem:s6], [sflag:s4] =	dma.local [hbm:s3], $0xF7A  }
0x26: {  	[smem:$0x3F8A] =	sst s1;
	(tag) =	ssettag s2;
	_ =	strace s9  }
0x27: {  	s1 =	sld [smem:$0x3F9A]  }
0x28: {  	s2 =	sld [smem:$0x3F9B]  }
0x29: {  	s4 =	sld [smem:$0x3F9D]  }
0x2a: {  	p0 =	seq.s32 s5, $0x0;
	s5 =	sld [smem:$0x3F9E]  }
0x2b: {  	s6 =	sld [smem:$0x3F9F]  }
0x2c: {  	s7 =	sld [smem:$0x3FA0]  }
0x2d: {  	s3 =	simm.s32 $0x108;
	s8 =	sld [smem:$0x3FA1]  }
0x2e: {  	s3 =	simm.s32 @!p0 $0x1082;
	s9 =	sld [smem:$0x3FA2]  }
0x2f: {  	lr =	sadd.s32 s0, s3;
	s0 =	sld [smem:$0x3F99]  }
0x30: {  	s3 =	sld [smem:$0x3F9C]  }
0x31: {  	[smem:$0x3FA5] =	sst s10  }
0x32: {  	s10 =	sld [smem:$0x3FA3];
	_ =	sdelay $0x3  }
0x33: {  	p0 =	seq.s32 s10, $0x1;
	s10 =	sld [smem:$0x3FA5];
	_ =	sdelay $0x3  }
0x34: {  	[smem:$0x3FA5] =	sst s10  }
0x35: {  	s10 =	sld [smem:$0x3FA4];
	_ =	sdelay $0x3  }
0x36: {  	p1 =	seq.s32 s10, $0x1;
	s10 =	sld [smem:$0x3FA5];
	_ =	sdelay $0x3  }
0x37: {  	[smem:$0x3FA5] =	sst s10  }
0x38: {  	s10 =	sld [smem:$0x3FA6]  }
0x39: {  	_ = 	snop;
	(pc) =	sbr.ind lr, $3  }
0x3a: {  	_ = 	snop  }
0x3b: {  	_ = 	snop  }
0x3c: {  	p2 =	seq.s32 s10, $0x1;
	s10 =	sld [smem:$0x3FA5]  }
0x3d: {  	_ =	shalt  }
0x3e: {  	_ =	shalt  }
0x3f: {  	_ =	shalt  }
0x40: {  	_ =	shalt  }
0x41: {  	_ =	shalt  }
0x42: {  	_ =	shalt  }
0x43: {  	_ =	shalt  }
0x44: {  	_ =	shalt  }
0x45: {  	_ =	shalt  }
0x46: {  	_ =	shalt  }
0x47: {  	_ =	shalt  }
0x48: {  	_ =	shalt  }
0x49: {  	_ =	shalt  }
0x4a: {  	_ =	shalt  }
0x4b: {  	_ =	shalt  }
0x4c: {  	_ =	shalt  }
0x4d: {  	_ =	shalt  }
0x4e: {  	_ =	shalt  }
0x4f: {  	_ =	shalt  }
0x50: {  	_ =	shalt  }
0x51: {  	_ =	shalt  }
0x52: {  	_ =	shalt  }
0x53: {  	_ =	shalt  }
0x54: {  	_ =	shalt  }
0x55: {  	_ =	shalt  }
0x56: {  	_ =	shalt  }
0x57: {  	_ =	shalt  }
0x58: {  	_ =	shalt  }
0x59: {  	_ =	shalt  }
0x5a: {  	_ =	shalt  }
0x5b: {  	_ =	shalt  }
0x5c: {  	_ =	shalt  }
0x5d: {  	_ =	shalt  }
0x5e: {  	_ =	shalt  }
0x5f: {  	_ =	shalt  }
0x60: {  	_ =	shalt  }
0x61: {  	_ =	shalt  }
0x62: {  	_ =	shalt  }
0x63: {  	_ =	shalt  }
0x64: {  	_ =	shalt  }
0x65: {  	_ =	shalt  }
0x66: {  	_ =	shalt  }
0x67: {  	_ =	shalt  }
0x68: {  	_ =	shalt  }
0x69: {  	_ =	shalt  }
0x6a: {  	_ =	shalt  }
0x6b: {  	_ =	shalt  }
0x6c: {  	_ =	shalt  }
0x6d: {  	_ =	shalt  }
0x6e: {  	_ =	shalt  }
0x6f: {  	_ =	shalt  }
0x70: {  	_ =	shalt  }
0x71: {  	_ =	shalt  }
0x72: {  	_ =	shalt  }
0x73: {  	_ =	shalt  }
0x74: {  	_ =	shalt  }
0x75: {  	_ =	shalt  }
0x76: {  	_ =	shalt  }
0x77: {  	_ =	shalt  }
0x78: {  	_ =	shalt  }
0x79: {  	_ =	shalt  }
0x7a: {  	_ =	shalt  }
0x7b: {  	_ =	shalt  }
0x7c: {  	_ =	shalt  }
0x7d: {  	_ =	shalt  }
0x7e: {  	_ =	shalt  }
0x7f: {  	_ =	shalt  }
0x80: {  	_ =	shalt  }
0x81: {  	_ =	shalt  }
0x82: {  	_ =	shalt  }
0x83: {  	_ =	shalt  }
0x84: {  	_ =	shalt  }
0x85: {  	_ =	shalt  }
0x86: {  	_ =	shalt  }
0x87: {  	_ =	shalt  }
.Lfunc_end0:
.L_simem_size_0:
called_computation.1_lowered:
.L_overlay_start_0:
0x88: {  	s2 =	sld [smem:$0x3FD9]  }
0x89: {  	s3 =	sld [smem:$0x3FFE];
	_ =	sdelay $0x1  }
0x8a: {  	s1 =	srdreg.scid  }
0x8b: {  	s0 =	sand.u32 $0x1, s1  }
0x8c: {  	s16 =	sshll.u32 s0, $0xA;
	s2 =	sadd.s32 s3, s2  }
0x8d: {  	s2 =	sadd.s32 s2, s16  }
0x8e: {  	[smem:$0x3FB1] =	sst s2  }
0x8f: {  	_ = 	snop  }
0x90: {  	(tm) =	ssettm $0x1  }
0x91: {  	s17 =	sld [smem:$0x3FFB];
	_ =	sdelay $0x3  }
0x92: {  	_ =	strace s17  }
0x93: {  	s2 =	sld [smem:$0x3FFC];
	_ =	sdelay $0x3  }
0x94: {  	_ =	strace s2  }
0x95: {  	s2 =	sld [smem:$0x3FFD];
	_ =	sdelay $0x3  }
0x96: {  	_ =	strace s2  }
0x97: {  	_ =	strace $0x8FFFFFFF  }
0x98: {  	s18 =	sld [smem:$0x3FDB];
	_ =	sdelay $0x1  }
0x99: {  	s19 =	simm.s32 $_scs_section_size  }
0x9a: {  	s4 =	simm.s32 $_size__tile_overlayer_lowered;
	s5 =	simm.s32 $_tile_overlayer_lowered  }
0x9b: {  	s22 =	simm.s32 $0x1BFF;
	s21 =	sshll.u32 s5, $0x1;
	s2 =	sadd.s32 s19, s18  }
0x9c: {  	s6 =	simm.s32 $0x0;
	s20 =	sshll.u32 s4, $0x1;
	s4 =	sadd.s32 s21, s2  }
0x9d: {  	[timem:s6], [sflag:s22] =	dma.local [hbm:s4], s20  }
0x9e: {  	_ =	swait.ge [sflag:s22], s20  }
0x9f: {  	s3 =	ssub.s32 $0x0, s20;
	[sflag:s22] =	ssyncset.done $0x0  }
0xa0: {  	[sflag:s22] =	ssyncadd.s32 s3;
	_ =	sdelay $0x1  }
0xa1: {  	s23 =	simm.s32 $0x1B8B  }
0xa2: {  	_ =	swait.ge [sflag:s23], $0x1  }
0xa3: {  	[sflag:s23] =	ssyncset.done $0x0  }
0xa4: {  	s25 =	simm.s32 $0x1B8E;
	s24 =	sld [smem:$0x3FFE];
	[sflag:s23] =	ssyncadd.s32 $0xFFFFFFFF  }
0xa5: {  	s26 =	simm.s32 $execute0_lowered;
	[smem:$0x3FD2] =	sst s25  }
0xa6: {  	s4 =	sshll.u32 s26, $0x1;
	_ =	strace $0x80000046;
	[dreg:$0x1] =	wrdreg $0xFFFFFFFF  }
0xa7: {  	s28 =	simm.s32 $_size_execute0_lowered;
	s2 =	sadd.s32 s2, s4;
	[dreg:$0x0] =	wrdreg $0x0  }
0xa8: {  	s4 =	sshll.u32 s28, $0x1;
	[dreg:$0x2] =	wrdreg s2  }
0xa9: {  	[dreg:$0x3] =	wrdreg s4  }
0xaa: {  	[dreg:$0x4] =	wrdreg $0xC0  }
0xab: {  	_ =	task [dreg:s6], $0x5FFFF  }
0xac: {  	[dreg:$0x1] =	wrdreg $0xFFFFFFFF  }
0xad: {  	[dreg:$0x0] =	wrdreg $0x60  }
0xae: {  	[dreg:$0x2] =	wrdreg s24  }
0xaf: {  	[dreg:$0x3] =	wrdreg $0xA8000  }
0xb0: {  	[dreg:$0x4] =	wrdreg $0xA  }
0xb1: {  	_ =	task.clear_ibuf [dreg:s6], $0x5FFFF;
	_ =	strace $0x90000046  }
0xb2: {  	s29 =	simm.s32 $0xA;
	_ =	strace $0x80000048  }
0xb3: {  	_ =	swait.ge [sflag:s29], $0x1  }
0xb4: {  	[sflag:s29] =	ssyncadd.s32 $0xFFFFFFFF  }
0xb5: {  	_ =	strace $0x90000048  }
0xb6: {  	_ =	sfence  }
0xb7: {  	s30 =	sld [smem:$0x0];
	_ =	sdelay $0x2  }
0xb8: {  	s31 =	sshll.u32 s1, $0xD;
	s1 =	sshrl.u32 s1, $0x2  }
0xb9: {  	s3 =	sand.u32 $0x4000, s31;
	s1 =	sadd.s32 s1, s30  }
0xba: {  	s0 =	sor.u32 s3, s0;
	s1 =	sshll.u32 s1, $0x11  }
0xbb: {  	s0 =	sor.u32 s1, s0  }
0xbc: {  	s0 =	sadd.s32 $0x8F2B, s0  }
0xbd: {  	[sflag:s0] =	ssyncadd.remote.s32 $0x1  }
0xbe: {  	_ =	sfence.sel $0xFFFF  }
0xbf: {  	[dreg:$0x0] =	wrdreg $0xFFFFFFFF;
	(pc) =	sbr.abs _section_cstart, $3  }
0xc0: {  	[dreg:$0x1] =	wrdreg $0xFFFFFFFF  }
0xc1: {  	_ =	task.clear_ibuf [dreg:s6], $0x2FFFF;
	_ =	strace $0x9FFFFFFF  }
0xc2: {  	(tm) =	ssettm $0x7FFFFFFF  }
0xc3: {  	_ =	shalt  }
tec
execute0_lowered:
.L_overlay_start_1:
0x0: {  	(tag) =	ssettag $0x1  }
0x1: {  	s0 =	rddreg [dreg:$0x0]  }
0x2: {  	s1 =	srdreg.scid;
	s13 =	stileid.u32  }
0x3: {  	s2 =	rddreg [dreg:$0x1];
	s3 =	simm.s32 $0x0;
	s5 =	smul.u32 $0x2800, s13  }
0x4: {  	s28 =	simm.s32 $0x2800;
	s29 =	simm.s32 $0x3;
	s18 =	smul.u32 $0x4F000, s13  }
0x5: {  	s30 =	simm.s32 $0x1400;
	s31 =	simm.s32 $0x80;
	s9 =	smul.u32 $0x270, s13  }
0x6: {  	s1 =	sand.u32 $0x1, s1;
	[smem:$0x7FF] =	sst s3;
	s19 =	smul.u32 $0x4E000, s13  }
0x7: {  	s24 =	sadd.s32 $0x138000, s2;
	p0 =	sne.s32 s13, $0xF;
	s4 =	smul.u32 $0x28000, s1  }
0x8: {  	_ =	strace $0x80000047;
	s8 =	ssub.s32 $0x2, s1;
	s11 =	smul.u32 $0x2710, s1  }
0x9: {  	s1 =	smul.u32 $0x138800, s1;
	[dreg:$0x9] =	wrdreg s24;
	s10 =	sshrl.u32 s8, $0x1  }
0xa: {  	s6 =	sadd.s32 s4, s5;
	s4 =	sadd.s32 $0x4800, s0;
	s5 =	sshrl.u32 s5, $0x3  }
0xb: {  	s8 =	ssub.s32 s8, s10;
	s9 =	sadd.s32 s11, s9;
	s10 =	sshrl.u32 s19, $0x2  }
0xc: {  	s1 =	sshrl.u32 s1, $0x3;
	s11 =	simm.s32 $0x0;
	s6 =	sshrl.u32 s6, $0x3  }
0xd: {  	s7 =	sadd.s32 s5, s0;
	s5 =	sshrl.u32 s18, $0x2;
	s10 =	sadd.s32 s10, s2  }
0xe: {  	s9 =	sshll.u32 s9, $0x4;
	s25 =	smax.u32 s8, $0x1;
	s8 =	simm.s32 $0x2700  }
0xf: {  	s6 =	sadd.s32 s6, s0;
	s23 =	sadd.s32 $0x10000, s10;
	[dreg:$0xb] =	wrdreg s25  }
0x10: {  	s5 =	sadd.s32 s5, s2;
	s26 =	sadd.s32 $0x4000, s10;
	[dreg:$0x7] =	wrdreg s23  }
0x11: {  	s0 =	sadd.s32 $0x61A00, s0;
	s12 =	sadd.s32 $0x4000, s5;
	[dreg:$0xc] =	wrdreg s26  }
0x12: {  	s19 =	sadd.s32 $0x8000, s10;
	s20 =	sadd.s32 $0x8000, s5;
	[dreg:$0x3] =	wrdreg s12  }
0x13: {  	s25 =	sadd.s32 $0x5CC80, s7;
	s21 =	sadd.s32 $0xC000, s5;
	[dreg:$0x4] =	wrdreg s20  }
0x14: {  	s22 =	sadd.s32 $0x10000, s5;
	s23 =	sadd.s32 $0x5CA00, s7;
	[dreg:$0x5] =	wrdreg s21  }
0x15: {  	s24 =	sadd.s32 $0x52C80, s6;
	s7 =	simm.s32 $0x1380;
	[dreg:$0x6] =	wrdreg s22  }
0x16: {  	s12 =	sadd.s32 s0, s9;
	s0 =	sadd.s32 s0, s1;
	s21 =	sadd.s32 $0xC000, s10  }
0x17: {  	s22 =	sadd.s32 $0x52A00, s6;
	s1 =	simm.s32 $0x1;
	s6 =	simm.s32 $0x2  }
0x18: {  	s9 =	sadd.s32 $0x2000, s12;
	s0 =	sadd.s32 $0x27000, s0;
	s18 =	sadd.s32 $0x800, s12  }
0x19: {  	s20 =	sadd.s32 $0x1000, s12;
	s26 =	sadd.s32 $0x1800, s12;
	[dreg:$0x8] =	wrdreg s9  }
0x1a: {  	v0 =	vimm.f32 $0.0e+00;
	[dreg:$0xa] =	wrdreg s0;
	s0 =	simm.s32 $0x6800;
	s9 =	simm.s32 $0x2780  }
.LBB2_1:
0x1b: {  	s13 =	simm.s32 $0x0;
	s14 =	simm.s32 $0x200  }
.LBB2_2:
0x1c: {  	p1 =	sne.s32 s14, $0xFE00;
	[tilespmem:s13+$0x2870] =	vst v0  }
0x1d: {  	[tilespmem:s13+$0x2800] =	vst v0  }
0x1e: {  	[tilespmem:s13+$0x2810] =	vst v0  }
.Ltmp0:
0x1f: {  	[tilespmem:s13+$0x2820] =	vst v0;
	(pc) =	sbr.rel @p1 .LBB2_2-.Ltmp0, $4  }
0x20: {  	[tilespmem:s13+$0x2830] =	vst v0  }
0x21: {  	[tilespmem:s13+$0x2840] =	vst v0  }
0x22: {  	[tilespmem:s13+$0x2850] =	vst v0  }
0x23: {  	[tilespmem:s13+$0x2860] =	vst v0;
	s13 =	sshra.s32 s14, $0x2;
	s14 =	sadd.s32 $0x200, s14  }
0x24: {  	[tilespmem:s13+$0x2870] =	vst v0  }
0x25: {  	[tilespmem:s13+$0x2800] =	vst v0  }
0x26: {  	[tilespmem:s13+$0x2810] =	vst v0  }
0x27: {  	[tilespmem:s13+$0x2820] =	vst v0  }
0x28: {  	[tilespmem:s13+$0x2830] =	vst v0  }
0x29: {  	[tilespmem:s13+$0x2840] =	vst v0  }
0x2a: {  	[tilespmem:s13+$0x2850] =	vst v0  }
0x2b: {  	[tilespmem:s13+$0x2860] =	vst v0  }
0x2c: {  	[spmem:s5] =	stream.linear.scatter [tilespmem:s28], [sflag:$0x3], $0x4000, $0x38;
	[tilespmem:$0x1E400] =	vst v63  }
0x2d: {  	_ =	swait.ge [sflag:s29], $0x4000  }
0x2e: {  	[sflag:s29] =	ssyncset.done $0x0  }
0x2f: {  	s17 =	rddreg [dreg:$0x3];
	[sflag:s29] =	ssyncadd.s32 $0xFFFFC000  }
0x30: {  	[spmem:s17] =	stream.linear.scatter [tilespmem:s28], [sflag:$0x3], $0x4000, $0x38;
	[tilespmem:$0x1E400] =	vst v63  }
0x31: {  	_ =	swait.ge [sflag:s29], $0x4000  }
0x32: {  	[sflag:s29] =	ssyncset.done $0x0  }
0x33: {  	s14 =	rddreg [dreg:$0x4];
	[sflag:s29] =	ssyncadd.s32 $0xFFFFC000  }
0x34: {  	[spmem:s14] =	stream.linear.scatter [tilespmem:s28], [sflag:$0x3], $0x4000, $0x38;
	[tilespmem:$0x1E400] =	vst v63  }
0x35: {  	_ =	swait.ge [sflag:s29], $0x4000  }
0x36: {  	[sflag:s29] =	ssyncset.done $0x0  }
0x37: {  	s15 =	rddreg [dreg:$0x5];
	[sflag:s29] =	ssyncadd.s32 $0xFFFFC000  }
0x38: {  	[spmem:s15] =	stream.linear.scatter [tilespmem:s28], [sflag:$0x3], $0x4000, $0x38;
	[tilespmem:$0x1E400] =	vst v63  }
0x39: {  	_ =	swait.ge [sflag:s29], $0x4000  }
0x3a: {  	[sflag:s29] =	ssyncset.done $0x0  }
0x3b: {  	s16 =	rddreg [dreg:$0x6];
	[sflag:s29] =	ssyncadd.s32 $0xFFFFC000  }
0x3c: {  	[spmem:s16] =	stream.linear.scatter [tilespmem:s28], [sflag:$0x3], $0x3C00, $0x38;
	[tilespmem:$0x1E400] =	vst v63  }
0x3d: {  	_ =	swait.ge [sflag:s29], $0x3C00  }
0x3e: {  	[sflag:s29] =	ssyncset.done $0x0  }
0x3f: {  	[sflag:s29] =	ssyncadd.s32 $0xFFFFC400  }
0x40: {  	s17 =	simm.s32 $0x0;
	[bflag:$0x0] =	sbarrier.arrive $0xFFFF  }
0x41: {  	[tilespmem:s17], [sflag:$0x3] =	stream.linear.gather [hbm4b:s22+s17], $0x1400, $0x38;
	[tilespmem:$0x1E400] =	vst v63  }
0x42: {  	_ =	swait.ge [sflag:s29], $0x1400  }
0x43: {  	[sflag:s29] =	ssyncset.done $0x0  }
0x44: {  	[sflag:s29] =	ssyncadd.s32 $0xFFFFEC00  }
0x45: {  	[tilespmem:s30], [sflag:$0x3] =	stream.linear.gather [hbm4b:s23+s17], $0x1400, $0x38;
	[tilespmem:$0x1E400] =	vst v63  }
0x46: {  	_ =	swait.ge [sflag:s29], $0x1400  }
0x47: {  	[sflag:s29] =	ssyncset.done $0x0  }
0x48: {  	[sflag:s29] =	ssyncadd.s32 $0xFFFFEC00  }
0x49: {  	[tilespmem:s28], [sflag:$0x1] =	stream.indirect.gather [hbm4b:s4+s31], $0x80, s17, s31, $0xb8;
	[tilespmem:$0x1E400] =	vst v63  }
0x4a: {  	s14 =	simm.s32 $0x80  }
0x4b: {  	[tilespmem:s0], [sflag:$0x2] =	stream.indirect.gather [hbm4b:s4+s31], $0x80, s14, s31, $0xb8;
	[tilespmem:$0x1E400] =	vst v63  }
0x4c: {  	_ =	swait.ge [sflag:s1], $0x4000  }
0x4d: {  	[sflag:s1] =	ssyncset.done $0x0  }
0x4e: {  	s15 =	simm.s32 $0x1400;
	[sflag:s1] =	ssyncadd.s32 $0xFFFFC000  }
0x4f: {  	[spmem:s2] =	stream.indirect.scatter.add.f32 [tilespmem:s28], [sflag:$0x3], $0x80, s15, s31, $0xb8;
	[tilespmem:$0x1E400] =	vst v63  }
0x50: {  	_ =	swait.ge [sflag:s29], $0x4000  }
0x51: {  	[sflag:s29] =	ssyncset.done $0x0  }
0x52: {  	s16 =	simm.s32 $0x100;
	[sflag:s29] =	ssyncadd.s32 $0xFFFFC000  }
0x53: {  	[tilespmem:s28], [sflag:$0x1] =	stream.indirect.gather [hbm4b:s4+s31], $0x80, s16, s31, $0xb8;
	[tilespmem:$0x1E400] =	vst v63  }
0x54: {  	_ =	swait.ge [sflag:s6], $0x4000  }
0x55: {  	[sflag:s6] =	ssyncset.done $0x0  }
0x56: {  	s17 =	simm.s32 $0x1480;
	[sflag:s6] =	ssyncadd.s32 $0xFFFFC000  }
0x57: {  	[spmem:s2] =	stream.indirect.scatter.add.f32 [tilespmem:s0], [sflag:$0x3], $0x80, s17, s31, $0xb8;
	[tilespmem:$0x1E400] =	vst v63  }
0x58: {  	_ =	swait.ge [sflag:s29], $0x4000  }
0x59: {  	s13 =	simm.s32 $0x100;
	s14 =	simm.s32 $0x800;
	[sflag:s29] =	ssyncset.done $0x0  }
.LBB2_4:
0x5a: {  	s15 =	sadd.s32 $0x80, s13  }
0x5b: {  	[sflag:s29] =	ssyncadd.s32 $0xFFFFC000;
	s16 =	smov.u32 s14;
	s17 =	sadd.s32 $0x400, s14  }
0x5c: {  	[tilespmem:s0], [sflag:$0x2] =	stream.indirect.gather [hbm4b:s4+s31], $0x80, s15, s31, $0xb8;
	[tilespmem:$0x1E400] =	vst v63  }
0x5d: {  	p1 =	sne.s32 s14, $0x4800;
	_ =	swait.ge [sflag:s1], $0x4000  }
0x5e: {  	[sflag:s1] =	ssyncset.done $0x0  }
0x5f: {  	s14 =	sadd.s32 $0x1400, s13;
	[sflag:s1] =	ssyncadd.s32 $0xFFFFC000  }
0x60: {  	[spmem:s2] =	stream.indirect.scatter.add.f32 [tilespmem:s28], [sflag:$0x3], $0x80, s14, s31, $0xb8;
	[tilespmem:$0x1E400] =	vst v63  }
0x61: {  	_ =	swait.ge [sflag:s29], $0x4000  }
0x62: {  	[sflag:s29] =	ssyncset.done $0x0  }
0x63: {  	s14 =	sadd.s32 $0x100, s13;
	[sflag:s29] =	ssyncadd.s32 $0xFFFFC000  }
0x64: {  	[tilespmem:s28], [sflag:$0x1] =	stream.indirect.gather [hbm4b:s4+s31], $0x80, s14, s31, $0xb8;
	[tilespmem:$0x1E400] =	vst v63  }
0x65: {  	_ =	swait.ge [sflag:s6], $0x4000  }
.Ltmp1:
0x66: {  	[sflag:s6] =	ssyncset.done $0x0;
	(pc) =	sbr.rel @p1 .LBB2_4-.Ltmp1, $4  }
0x67: {  	s13 =	sadd.s32 $0x1480, s13;
	[sflag:s6] =	ssyncadd.s32 $0xFFFFC000  }
0x68: {  	[spmem:s2] =	stream.indirect.scatter.add.f32 [tilespmem:s0], [sflag:$0x3], $0x80, s13, s31, $0xb8;
	[tilespmem:$0x1E400] =	vst v63  }
0x69: {  	_ =	swait.ge [sflag:s29], $0x4000  }
0x6a: {  	s14 =	smov.u32 s17;
	s13 =	sshra.s32 s16, $0x2;
	[sflag:s29] =	ssyncset.done $0x0  }
0x6b: {  	s14 =	sadd.s32 $0x80, s13;
	[sflag:s29] =	ssyncadd.s32 $0xFFFFC000  }
0x6c: {  	[tilespmem:s0], [sflag:$0x2] =	stream.indirect.gather [hbm4b:s4+s31], $0x80, s14, s31, $0xb8;
	[tilespmem:$0x1E400] =	vst v63  }
0x6d: {  	_ =	swait.ge [sflag:s1], $0x4000  }
0x6e: {  	[sflag:s1] =	ssyncset.done $0x0  }
0x6f: {  	s17 =	sadd.s32 $0x1400, s13;
	[sflag:s1] =	ssyncadd.s32 $0xFFFFC000  }
0x70: {  	[spmem:s2] =	stream.indirect.scatter.add.f32 [tilespmem:s28], [sflag:$0x3], $0x80, s17, s31, $0xb8;
	[tilespmem:$0x1E400] =	vst v63  }
0x71: {  	_ =	swait.ge [sflag:s29], $0x4000  }
0x72: {  	[sflag:s29] =	ssyncset.done $0x0  }
0x73: {  	s15 =	sadd.s32 $0x100, s13;
	[sflag:s29] =	ssyncadd.s32 $0xFFFFC000  }
0x74: {  	[tilespmem:s28], [sflag:$0x1] =	stream.indirect.gather [hbm4b:s4+s31], $0x80, s15, s31, $0xb8;
	[tilespmem:$0x1E400] =	vst v63  }
0x75: {  	_ =	swait.ge [sflag:s6], $0x4000  }
0x76: {  	[sflag:s6] =	ssyncset.done $0x0  }
0x77: {  	s16 =	sadd.s32 $0x1480, s13;
	[sflag:s6] =	ssyncadd.s32 $0xFFFFC000  }
0x78: {  	[spmem:s2] =	stream.indirect.scatter.add.f32 [tilespmem:s0], [sflag:$0x3], $0x80, s16, s31, $0xb8;
	[tilespmem:$0x1E400] =	vst v63  }
0x79: {  	_ =	swait.ge [sflag:s29], $0x4000  }
0x7a: {  	[sflag:s29] =	ssyncset.done $0x0  }
0x7b: {  	[sflag:s29] =	ssyncadd.s32 $0xFFFFC000  }
0x7c: {  	[tilespmem:s0], [sflag:$0x2] =	stream.indirect.gather [hbm4b:s4+s31], $0x80, s7, s31, $0xb8;
	[tilespmem:$0x1E400] =	vst v63  }
0x7d: {  	_ =	swait.ge [sflag:s1], $0x4000  }
0x7e: {  	[sflag:s1] =	ssyncset.done $0x0  }
0x7f: {  	[sflag:s1] =	ssyncadd.s32 $0xFFFFC000  }
0x80: {  	[spmem:s2] =	stream.indirect.scatter.add.f32 [tilespmem:s28], [sflag:$0x3], $0x80, s8, s31, $0xb8;
	[tilespmem:$0x1E400] =	vst v63  }
0x81: {  	_ =	swait.ge [sflag:s29], $0x4000  }
0x82: {  	[sflag:s29] =	ssyncset.done $0x0  }
0x83: {  	[sflag:s29] =	ssyncadd.s32 $0xFFFFC000  }
0x84: {  	_ =	swait.ge [sflag:s6], $0x4000  }
0x85: {  	[sflag:s6] =	ssyncset.done $0x0  }
0x86: {  	[sflag:s6] =	ssyncadd.s32 $0xFFFFC000  }
0x87: {  	[spmem:s2] =	stream.indirect.scatter.add.f32 [tilespmem:s0], [sflag:$0x3], $0x80, s9, s31, $0xb8;
	[tilespmem:$0x1E400] =	vst v63  }
0x88: {  	_ =	swait.ge [sflag:s29], $0x4000  }
0x89: {  	[sflag:s29] =	ssyncset.done $0x0  }
0x8a: {  	s17 =	simm.s32 $0x0;
	[sflag:s29] =	ssyncadd.s32 $0xFFFFC000  }
0x8b: {  	[tilespmem:s17], [sflag:$0x3] =	stream.linear.gather [hbm4b:s24+s17], $0x1400, $0x38;
	[tilespmem:$0x1E400] =	vst v63  }
0x8c: {  	_ =	swait.ge [sflag:s29], $0x1400  }
0x8d: {  	[sflag:s29] =	ssyncset.done $0x0  }
0x8e: {  	[sflag:s29] =	ssyncadd.s32 $0xFFFFEC00  }
0x8f: {  	[tilespmem:s30], [sflag:$0x3] =	stream.linear.gather [hbm4b:s25+s17], $0x1400, $0x38;
	[tilespmem:$0x1E400] =	vst v63  }
0x90: {  	_ =	swait.ge [sflag:s29], $0x1400  }
0x91: {  	[sflag:s29] =	ssyncset.done $0x0  }
0x92: {  	[sflag:s29] =	ssyncadd.s32 $0xFFFFEC00  }
0x93: {  	[tilespmem:s28], [sflag:$0x1] =	stream.indirect.gather [hbm4b:s4+s31], $0x80, s17, s31, $0xb8;
	[tilespmem:$0x1E400] =	vst v63  }
0x94: {  	s14 =	simm.s32 $0x80  }
0x95: {  	[tilespmem:s0], [sflag:$0x2] =	stream.indirect.gather [hbm4b:s4+s31], $0x80, s14, s31, $0xb8;
	[tilespmem:$0x1E400] =	vst v63  }
0x96: {  	_ =	swait.ge [sflag:s1], $0x4000  }
0x97: {  	[sflag:s1] =	ssyncset.done $0x0  }
0x98: {  	s15 =	simm.s32 $0x1400;
	[sflag:s1] =	ssyncadd.s32 $0xFFFFC000  }
0x99: {  	[spmem:s2] =	stream.indirect.scatter.add.f32 [tilespmem:s28], [sflag:$0x3], $0x80, s15, s31, $0xb8;
	[tilespmem:$0x1E400] =	vst v63  }
0x9a: {  	_ =	swait.ge [sflag:s29], $0x4000  }
0x9b: {  	[sflag:s29] =	ssyncset.done $0x0  }
0x9c: {  	s16 =	simm.s32 $0x100;
	[sflag:s29] =	ssyncadd.s32 $0xFFFFC000  }
0x9d: {  	[tilespmem:s28], [sflag:$0x1] =	stream.indirect.gather [hbm4b:s4+s31], $0x80, s16, s31, $0xb8;
	[tilespmem:$0x1E400] =	vst v63  }
0x9e: {  	_ =	swait.ge [sflag:s6], $0x4000  }
0x9f: {  	[sflag:s6] =	ssyncset.done $0x0  }
0xa0: {  	s17 =	simm.s32 $0x1480;
	[sflag:s6] =	ssyncadd.s32 $0xFFFFC000  }
0xa1: {  	[spmem:s2] =	stream.indirect.scatter.add.f32 [tilespmem:s0], [sflag:$0x3], $0x80, s17, s31, $0xb8;
	[tilespmem:$0x1E400] =	vst v63  }
0xa2: {  	_ =	swait.ge [sflag:s29], $0x4000  }
0xa3: {  	s13 =	simm.s32 $0x100;
	s14 =	simm.s32 $0x800;
	[sflag:s29] =	ssyncset.done $0x0  }
.LBB2_6:
0xa4: {  	s15 =	sadd.s32 $0x80, s13  }
0xa5: {  	[sflag:s29] =	ssyncadd.s32 $0xFFFFC000;
	s16 =	smov.u32 s14;
	s17 =	sadd.s32 $0x400, s14  }
0xa6: {  	[tilespmem:s0], [sflag:$0x2] =	stream.indirect.gather [hbm4b:s4+s31], $0x80, s15, s31, $0xb8;
	[tilespmem:$0x1E400] =	vst v63  }
0xa7: {  	p1 =	sne.s32 s14, $0x4800;
	_ =	swait.ge [sflag:s1], $0x4000  }
0xa8: {  	[sflag:s1] =	ssyncset.done $0x0  }
0xa9: {  	s14 =	sadd.s32 $0x1400, s13;
	[sflag:s1] =	ssyncadd.s32 $0xFFFFC000  }
0xaa: {  	[spmem:s2] =	stream.indirect.scatter.add.f32 [tilespmem:s28], [sflag:$0x3], $0x80, s14, s31, $0xb8;
	[tilespmem:$0x1E400] =	vst v63  }
0xab: {  	_ =	swait.ge [sflag:s29], $0x4000  }
0xac: {  	[sflag:s29] =	ssyncset.done $0x0  }
0xad: {  	s14 =	sadd.s32 $0x100, s13;
	[sflag:s29] =	ssyncadd.s32 $0xFFFFC000  }
0xae: {  	[tilespmem:s28], [sflag:$0x1] =	stream.indirect.gather [hbm4b:s4+s31], $0x80, s14, s31, $0xb8;
	[tilespmem:$0x1E400] =	vst v63  }
0xaf: {  	_ =	swait.ge [sflag:s6], $0x4000  }
.Ltmp2:
0xb0: {  	[sflag:s6] =	ssyncset.done $0x0;
	(pc) =	sbr.rel @p1 .LBB2_6-.Ltmp2, $4  }
0xb1: {  	s13 =	sadd.s32 $0x1480, s13;
	[sflag:s6] =	ssyncadd.s32 $0xFFFFC000  }
0xb2: {  	[spmem:s2] =	stream.indirect.scatter.add.f32 [tilespmem:s0], [sflag:$0x3], $0x80, s13, s31, $0xb8;
	[tilespmem:$0x1E400] =	vst v63  }
0xb3: {  	_ =	swait.ge [sflag:s29], $0x4000  }
0xb4: {  	s14 =	smov.u32 s17;
	s13 =	sshra.s32 s16, $0x2;
	[sflag:s29] =	ssyncset.done $0x0  }
0xb5: {  	s14 =	sadd.s32 $0x80, s13;
	[sflag:s29] =	ssyncadd.s32 $0xFFFFC000  }
0xb6: {  	[tilespmem:s0], [sflag:$0x2] =	stream.indirect.gather [hbm4b:s4+s31], $0x80, s14, s31, $0xb8;
	[tilespmem:$0x1E400] =	vst v63  }
0xb7: {  	_ =	swait.ge [sflag:s1], $0x4000  }
0xb8: {  	[sflag:s1] =	ssyncset.done $0x0  }
0xb9: {  	s15 =	sadd.s32 $0x1400, s13;
	[sflag:s1] =	ssyncadd.s32 $0xFFFFC000  }
0xba: {  	[spmem:s2] =	stream.indirect.scatter.add.f32 [tilespmem:s28], [sflag:$0x3], $0x80, s15, s31, $0xb8;
	[tilespmem:$0x1E400] =	vst v63  }
0xbb: {  	_ =	swait.ge [sflag:s29], $0x4000  }
0xbc: {  	[sflag:s29] =	ssyncset.done $0x0  }
0xbd: {  	s16 =	sadd.s32 $0x100, s13;
	[sflag:s29] =	ssyncadd.s32 $0xFFFFC000  }
0xbe: {  	[tilespmem:s28], [sflag:$0x1] =	stream.indirect.gather [hbm4b:s4+s31], $0x80, s16, s31, $0xb8;
	[tilespmem:$0x1E400] =	vst v63  }
0xbf: {  	_ =	swait.ge [sflag:s6], $0x4000  }
0xc0: {  	[sflag:s6] =	ssyncset.done $0x0  }
0xc1: {  	s17 =	sadd.s32 $0x1480, s13;
	[sflag:s6] =	ssyncadd.s32 $0xFFFFC000  }
0xc2: {  	[spmem:s2] =	stream.indirect.scatter.add.f32 [tilespmem:s0], [sflag:$0x3], $0x80, s17, s31, $0xb8;
	[tilespmem:$0x1E400] =	vst v63  }
0xc3: {  	_ =	swait.ge [sflag:s29], $0x4000  }
0xc4: {  	[sflag:s29] =	ssyncset.done $0x0  }
0xc5: {  	[sflag:s29] =	ssyncadd.s32 $0xFFFFC000  }
0xc6: {  	[tilespmem:s0], [sflag:$0x2] =	stream.indirect.gather [hbm4b:s4+s31], $0x80, s7, s31, $0xb8;
	[tilespmem:$0x1E400] =	vst v63  }
0xc7: {  	_ =	swait.ge [sflag:s1], $0x4000  }
0xc8: {  	[sflag:s1] =	ssyncset.done $0x0  }
0xc9: {  	[sflag:s1] =	ssyncadd.s32 $0xFFFFC000  }
0xca: {  	[spmem:s2] =	stream.indirect.scatter.add.f32 [tilespmem:s28], [sflag:$0x3], $0x80, s8, s31, $0xb8;
	[tilespmem:$0x1E400] =	vst v63  }
0xcb: {  	_ =	swait.ge [sflag:s29], $0x4000  }
0xcc: {  	[sflag:s29] =	ssyncset.done $0x0  }
0xcd: {  	[sflag:s29] =	ssyncadd.s32 $0xFFFFC000  }
0xce: {  	_ =	swait.ge [sflag:s6], $0x4000  }
0xcf: {  	[sflag:s6] =	ssyncset.done $0x0  }
0xd0: {  	[sflag:s6] =	ssyncadd.s32 $0xFFFFC000  }
0xd1: {  	[spmem:s2] =	stream.indirect.scatter.add.f32 [tilespmem:s0], [sflag:$0x3], $0x80, s9, s31, $0xb8;
	[tilespmem:$0x1E400] =	vst v63  }
0xd2: {  	_ =	swait.ge [sflag:s29], $0x4000  }
0xd3: {  	[sflag:s29] =	ssyncset.done $0x0  }
0xd4: {  	[sflag:s29] =	ssyncadd.s32 $0xFFFFC000  }
0xd5: {  	[bflag:$0x0] =	sbarrier.arrive $0xFFFF  }
0xd6: {  	[tilespmem:s28], [sflag:$0x3] =	stream.linear.gather [spmem:s10], $0x4000, $0x38;
	[tilespmem:$0x1E400] =	vst v63  }
0xd7: {  	_ =	swait.ge [sflag:s29], $0x4000  }
0xd8: {  	[sflag:s29] =	ssyncset.done $0x0  }
0xd9: {  	[sflag:s29] =	ssyncadd.s32 $0xFFFFC000  }
0xda: {  	[hbm4b:s12+s3] =	stream.linear.scatter [tilespmem:s28], [sflag:$0x3], $0x4000, $0x38;
	[tilespmem:$0x1E400] =	vst v63  }
0xdb: {  	_ =	swait.ge [sflag:s29], $0x4000  }
0xdc: {  	[sflag:s29] =	ssyncset.done $0x0  }
0xdd: {  	s14 =	rddreg [dreg:$0xc];
	[sflag:s29] =	ssyncadd.s32 $0xFFFFC000  }
0xde: {  	[tilespmem:s28], [sflag:$0x3] =	stream.linear.gather [spmem:s14], $0x4000, $0x38;
	[tilespmem:$0x1E400] =	vst v63  }
0xdf: {  	_ =	swait.ge [sflag:s29], $0x4000  }
0xe0: {  	[sflag:s29] =	ssyncset.done $0x0  }
0xe1: {  	[sflag:s29] =	ssyncadd.s32 $0xFFFFC000  }
0xe2: {  	[hbm4b:s18+s3] =	stream.linear.scatter [tilespmem:s28], [sflag:$0x3], $0x4000, $0x38;
	[tilespmem:$0x1E400] =	vst v63  }
0xe3: {  	_ =	swait.ge [sflag:s29], $0x4000  }
0xe4: {  	[sflag:s29] =	ssyncset.done $0x0  }
0xe5: {  	[sflag:s29] =	ssyncadd.s32 $0xFFFFC000  }
0xe6: {  	[tilespmem:s28], [sflag:$0x3] =	stream.linear.gather [spmem:s19], $0x4000, $0x38;
	[tilespmem:$0x1E400] =	vst v63  }
0xe7: {  	_ =	swait.ge [sflag:s29], $0x4000  }
0xe8: {  	[sflag:s29] =	ssyncset.done $0x0  }
0xe9: {  	[sflag:s29] =	ssyncadd.s32 $0xFFFFC000  }
0xea: {  	[hbm4b:s20+s3] =	stream.linear.scatter [tilespmem:s28], [sflag:$0x3], $0x4000, $0x38;
	[tilespmem:$0x1E400] =	vst v63  }
0xeb: {  	_ =	swait.ge [sflag:s29], $0x4000  }
0xec: {  	[sflag:s29] =	ssyncset.done $0x0  }
0xed: {  	[sflag:s29] =	ssyncadd.s32 $0xFFFFC000  }
0xee: {  	[tilespmem:s28], [sflag:$0x3] =	stream.linear.gather [spmem:s21], $0x4000, $0x38;
	[tilespmem:$0x1E400] =	vst v63  }
0xef: {  	_ =	swait.ge [sflag:s29], $0x4000  }
0xf0: {  	[sflag:s29] =	ssyncset.done $0x0  }
0xf1: {  	[sflag:s29] =	ssyncadd.s32 $0xFFFFC000  }
0xf2: {  	[hbm4b:s26+s3] =	stream.linear.scatter [tilespmem:s28], [sflag:$0x3], $0x4000, $0x38;
	[tilespmem:$0x1E400] =	vst v63  }
0xf3: {  	_ =	swait.ge [sflag:s29], $0x4000  }
0xf4: {  	[sflag:s29] =	ssyncset.done $0x0  }
0xf5: {  	s15 =	rddreg [dreg:$0x7];
	[sflag:s29] =	ssyncadd.s32 $0xFFFFC000  }
0xf6: {  	[tilespmem:s28], [sflag:$0x3] =	stream.linear.gather [spmem:s15], $0x3800, $0x38;
	[tilespmem:$0x1E400] =	vst v63  }
0xf7: {  	_ =	swait.ge [sflag:s29], $0x3800  }
0xf8: {  	[sflag:s29] =	ssyncset.done $0x0  }
0xf9: {  	s16 =	rddreg [dreg:$0x8];
	[sflag:s29] =	ssyncadd.s32 $0xFFFFC800  }
0xfa: {  	[hbm4b:s16+s3] =	stream.linear.scatter [tilespmem:s28], [sflag:$0x3], $0x3800, $0x38;
	[tilespmem:$0x1E400] =	vst v63  }
0xfb: {  	_ =	swait.ge [sflag:s29], $0x3800  }
0xfc: {  	[sflag:s29] =	ssyncset.done $0x0  }
0xfd: {  	s13 =	simm.s32 @!p0 $0x2800;
	s14 =	rddreg [dreg:$0x9];
	[sflag:s29] =	ssyncadd.s32 $0xFFFFC800  }
0xfe: {  	[tilespmem:s13], [sflag:$0x3] =	stream.linear.gather @!p0 [spmem:s14], $0x800, $0x38;
	[tilespmem:$0x1E400] =	vst v63  }
0xff: {  	s14 =	simm.s32 @!p0 $0x3  }
0x100: {  	_ =	swait.ge @!p0 [sflag:s14], $0x800  }
0x101: {  	[sflag:s14] =	ssyncset.done @!p0 $0x0  }
0x102: {  	s15 =	simm.s32 @!p0 $0x0;
	s16 =	rddreg [dreg:$0xa];
	[sflag:s14] =	ssyncadd.s32 @!p0 $0xFFFFF800  }
0x103: {  	[hbm4b:s16+s15] =	stream.linear.scatter @!p0 [tilespmem:s13], [sflag:$0x3], $0x800, $0x38;
	[tilespmem:$0x1E400] =	vst v63  }
0x104: {  	_ =	swait.ge @!p0 [sflag:s14], $0x800  }
0x105: {  	s11 =	sadd.s32 $0x1, s11;
	s17 =	rddreg [dreg:$0xb]  }
0x106: {  	p1 =	sne.s32 s11, s17  }
.Ltmp3:
0x107: {  	_ = 	snop;
	(pc) =	sbr.rel @p1 .LBB2_1-.Ltmp3, $3  }
0x108: {  	_ =	sdelay $0x1  }
0x109: {  	[sflag:s14] =	ssyncset.done @!p0 $0x0  }
0x10a: {  	[sflag:s14] =	ssyncadd.s32 @!p0 $0xFFFFF800  }
0x10b: {  	_ =	sfence.sel $0x180000  }
0x10c: {  	[bflag:$0x0] =	sbarrier.arrive $0xFFFF  }
0x10d: {  	_ =	strace $0x90000047  }
0x10e: {  	s0 =	stileid.u32;
	[bflag:$0x2] =	sbarrier.arrive $0xFFFF  }
0x10f: {  	p0 =	sne.s32 s0, $0x0;
	s0 =	rddreg [dreg:$0x2]  }
0x110: {  	s0 =	sadd.s32 @!p0 $0x100000, s0  }
0x111: {  	[sflag:s0] =	ssyncadd.tile.s32 @!p0 $0x1;
	_ =	shalt  }
.Lfunc_end2:
_tile_overlayer_lowered:
.L_overlay_start_2:
0x112: {  	(tag) =	ssettag $0x2  }
0x113: {  	s0 =	rddreg [dreg:$0x0];
	s2 =	stileid.u32  }
0x114: {  	s1 =	rddreg [dreg:$0x1];
	p0 =	sne.s32 s2, $0x0  }
0x115: {  	s3 =	rddreg [dreg:$0x2];
	[bflag:$0x3] =	sbarrier.arrive $0xFFFF;
	s2 =	simm.s32 @!p0 $0x1C03  }
0x116: {  	[timem:s3], [sflag:s2] =	dma.local @!p0 [hbm:s0], s1  }
0x117: {  	s0 =	simm.s32 @!p0 $0x3  }
0x118: {  	_ =	swait.ge @!p0 [sflag:s0], s1  }
0x119: {  	s1 =	ssub.s32 @!p0 $0x0, s1;
	[sflag:s0] =	ssyncset.done @!p0 $0x0  }
0x11a: {  	[sflag:s0] =	ssyncadd.s32 @!p0 s1  }
0x11b: {  	[bflag:$0x3] =	sbarrier.arrive $0xFFFF  }
0x11c: {  	_ =	shalt  }

// kernel: kernel.14.cloned.1.call-start
scs
__scs_entry_jumppad:
0x0: {  	(pc) =	sbr.rel $0x88, $3  }
0x1: {  	(tag) =	ssettag $0x0;
	lr =	simm.s32 $0x1  }
0x2: {  	[smem:$0x3F8A] =	sst lr;
	_ =	strace $0xD0000000  }
0x3: {  	_ = 	snop  }
0x4: {  	_ = 	snop  }
0x5: {  	_ = 	snop  }
0x6: {  	_ = 	snop  }
0x7: {  	_ = 	snop  }
__scs_overlays_trampoline_lowered:
0x8: {  	[smem:$0x3F99] =	sst s0  }
0x9: {  	[smem:$0x3F9A] =	sst s1  }
0xa: {  	[smem:$0x3F9B] =	sst s2  }
0xb: {  	[smem:$0x3F9C] =	sst s3  }
0xc: {  	[smem:$0x3F9D] =	sst s4  }
0xd: {  	[smem:$0x3F9E] =	sst s5  }
0xe: {  	[smem:$0x3F9F] =	sst s6  }
0xf: {  	[smem:$0x3FA0] =	sst s7  }
0x10: {  	[smem:$0x3FA1] =	sst s8  }
0x11: {  	[smem:$0x3FA2] =	sst s9;
	s0 =	simm.s32 @!p0 $0x0  }
0x12: {  	s1 =	sld [smem:$0x3F88];
	s0 =	simm.s32 @p0 $0x1  }
0x13: {  	[smem:$0x3FA3] =	sst s0;
	s0 =	simm.s32 @!p1 $0x0  }
0x14: {  	s2 =	sld [smem:$0x3F87];
	s0 =	simm.s32 @p1 $0x1  }
0x15: {  	[smem:$0x3FA4] =	sst s0;
	s0 =	simm.s32 @!p2 $0x0  }
0x16: {  	s3 =	sld [smem:$0x3FDB];
	s0 =	simm.s32 @p2 $0x1  }
0x17: {  	s4 =	simm.s32 $0x1BF5;
	[smem:$0x3FA6] =	sst s0  }
0x18: {  	s0 =	sld [smem:$0x3F89];
	_ =	swait.ge [sflag:s4], $0x0  }
0x19: {  	s7 =	sld [smem:$0x3F8A]  }
0x1a: {  	s8 =	sadd.s32 $0xFFFFE003, lr  }
0x1b: {  	s9 =	sadd.s32 $0xFFFFFEF7, lr;
	s5 =	simm.s32 $0xFFFFFFFF;
	p2 =	slt.u32 s8, $0xFFFFF086  }
0x1c: {  	p1 =	slt.u32 s9, $0xF7A;
	s5 =	simm.s32 @!p2 $0x0  }
0x1d: {  	s5 =	simm.s32 @p1 $0x1;
	p0 =	seq.s32 s7, s2  }
0x1e: {  	s7 =	smul.u32 @!p0 $0xF7A, s2;
	p2 =	seq.s32 @!p0 s5, $0x0  }
0x1f: {  	s9 =	smul.u32 $0xF7A, s1;
	s8 =	simm.s32 @!p0 $0x1BF5;
	p2 =	por !p2, p0  }
0x20: {  	[sflag:s8] =	ssyncset.s32 @!p0 $0xFFFFF086;
	s6 =	sadd.s32 @!p0 s3, s7;
	s7 =	simm.s32 @!p0 $0x108  }
0x21: {  	s3 =	sadd.s32 s3, s9;
	s6 =	sadd.s32 @!p0 $0x88, s6;
	s7 =	simm.s32 @p2 $0x1082  }
0x22: {  	[simem:s7], [sflag:s8] =	dma.local @!p0 [hbm:s6], $0xF7A  }
0x23: {  	s9 =	sor.u32 $0xD0000000, s2;
	s6 =	simm.s32 $0x108;
	_ =	swait.ge @!p0 [sflag:s8], $0x0  }
0x24: {  	s3 =	sadd.s32 $0x88, s3;
	s6 =	simm.s32 @!p1 $0x1082;
	[sflag:s4] =	ssyncset.s32 $0xFFFFF086  }
0x25: {  	[simem:s6], [sflag:s4] =	dma.local [hbm:s3], $0xF7A  }
0x26: {  	[smem:$0x3F8A] =	sst s1;
	(tag) =	ssettag s2;
	_ =	strace s9  }
0x27: {  	s1 =	sld [smem:$0x3F9A]  }
0x28: {  	s2 =	sld [smem:$0x3F9B]  }
0x29: {  	s4 =	sld [smem:$0x3F9D]  }
0x2a: {  	p0 =	seq.s32 s5, $0x0;
	s5 =	sld [smem:$0x3F9E]  }
0x2b: {  	s6 =	sld [smem:$0x3F9F]  }
0x2c: {  	s7 =	sld [smem:$0x3FA0]  }
0x2d: {  	s3 =	simm.s32 $0x108;
	s8 =	sld [smem:$0x3FA1]  }
0x2e: {  	s3 =	simm.s32 @!p0 $0x1082;
	s9 =	sld [smem:$0x3FA2]  }
0x2f: {  	lr =	sadd.s32 s0, s3;
	s0 =	sld [smem:$0x3F99]  }
0x30: {  	s3 =	sld [smem:$0x3F9C]  }
0x31: {  	[smem:$0x3FA5] =	sst s10  }
0x32: {  	s10 =	sld [smem:$0x3FA3];
	_ =	sdelay $0x3  }
0x33: {  	p0 =	seq.s32 s10, $0x1;
	s10 =	sld [smem:$0x3FA5];
	_ =	sdelay $0x3  }
0x34: {  	[smem:$0x3FA5] =	sst s10  }
0x35: {  	s10 =	sld [smem:$0x3FA4];
	_ =	sdelay $0x3  }
0x36: {  	p1 =	seq.s32 s10, $0x1;
	s10 =	sld [smem:$0x3FA5];
	_ =	sdelay $0x3  }
0x37: {  	[smem:$0x3FA5] =	sst s10  }
0x38: {  	s10 =	sld [smem:$0x3FA6]  }
0x39: {  	_ = 	snop;
	(pc) =	sbr.ind lr, $3  }
0x3a: {  	_ = 	snop  }
0x3b: {  	_ = 	snop  }
0x3c: {  	p2 =	seq.s32 s10, $0x1;
	s10 =	sld [smem:$0x3FA5]  }
0x3d: {  	_ =	shalt  }
0x3e: {  	_ =	shalt  }
0x3f: {  	_ =	shalt  }
0x40: {  	_ =	shalt  }
0x41: {  	_ =	shalt  }
0x42: {  	_ =	shalt  }
0x43: {  	_ =	shalt  }
0x44: {  	_ =	shalt  }
0x45: {  	_ =	shalt  }
0x46: {  	_ =	shalt  }
0x47: {  	_ =	shalt  }
0x48: {  	_ =	shalt  }
0x49: {  	_ =	shalt  }
0x4a: {  	_ =	shalt  }
0x4b: {  	_ =	shalt  }
0x4c: {  	_ =	shalt  }
0x4d: {  	_ =	shalt  }
0x4e: {  	_ =	shalt  }
0x4f: {  	_ =	shalt  }
0x50: {  	_ =	shalt  }
0x51: {  	_ =	shalt  }
0x52: {  	_ =	shalt  }
0x53: {  	_ =	shalt  }
0x54: {  	_ =	shalt  }
0x55: {  	_ =	shalt  }
0x56: {  	_ =	shalt  }
0x57: {  	_ =	shalt  }
0x58: {  	_ =	shalt  }
0x59: {  	_ =	shalt  }
0x5a: {  	_ =	shalt  }
0x5b: {  	_ =	shalt  }
0x5c: {  	_ =	shalt  }
0x5d: {  	_ =	shalt  }
0x5e: {  	_ =	shalt  }
0x5f: {  	_ =	shalt  }
0x60: {  	_ =	shalt  }
0x61: {  	_ =	shalt  }
0x62: {  	_ =	shalt  }
0x63: {  	_ =	shalt  }
0x64: {  	_ =	shalt  }
0x65: {  	_ =	shalt  }
0x66: {  	_ =	shalt  }
0x67: {  	_ =	shalt  }
0x68: {  	_ =	shalt  }
0x69: {  	_ =	shalt  }
0x6a: {  	_ =	shalt  }
0x6b: {  	_ =	shalt  }
0x6c: {  	_ =	shalt  }
0x6d: {  	_ =	shalt  }
0x6e: {  	_ =	shalt  }
0x6f: {  	_ =	shalt  }
0x70: {  	_ =	shalt  }
0x71: {  	_ =	shalt  }
0x72: {  	_ =	shalt  }
0x73: {  	_ =	shalt  }
0x74: {  	_ =	shalt  }
0x75: {  	_ =	shalt  }
0x76: {  	_ =	shalt  }
0x77: {  	_ =	shalt  }
0x78: {  	_ =	shalt  }
0x79: {  	_ =	shalt  }
0x7a: {  	_ =	shalt  }
0x7b: {  	_ =	shalt  }
0x7c: {  	_ =	shalt  }
0x7d: {  	_ =	shalt  }
0x7e: {  	_ =	shalt  }
0x7f: {  	_ =	shalt  }
0x80: {  	_ =	shalt  }
0x81: {  	_ =	shalt  }
0x82: {  	_ =	shalt  }
0x83: {  	_ =	shalt  }
0x84: {  	_ =	shalt  }
0x85: {  	_ =	shalt  }
0x86: {  	_ =	shalt  }
0x87: {  	_ =	shalt  }
.Lfunc_end0:
.L_simem_size_0:
called_computation.2_lowered:
.L_overlay_start_0:
0x88: {  	s2 =	sld [smem:$0x3FD9]  }
0x89: {  	s3 =	sld [smem:$0x3FFE];
	_ =	sdelay $0x1  }
0x8a: {  	s1 =	srdreg.scid  }
0x8b: {  	s0 =	sand.u32 $0x1, s1  }
0x8c: {  	s16 =	sshll.u32 s0, $0xA;
	s2 =	sadd.s32 s3, s2  }
0x8d: {  	s2 =	sadd.s32 s2, s16  }
0x8e: {  	[smem:$0x3FB1] =	sst s2  }
0x8f: {  	_ = 	snop  }
0x90: {  	(tm) =	ssettm $0x1  }
0x91: {  	s17 =	sld [smem:$0x3FFB];
	_ =	sdelay $0x3  }
0x92: {  	_ =	strace s17  }
0x93: {  	s2 =	sld [smem:$0x3FFC];
	_ =	sdelay $0x3  }
0x94: {  	_ =	strace s2  }
0x95: {  	s2 =	sld [smem:$0x3FFD];
	_ =	sdelay $0x3  }
0x96: {  	_ =	strace s2  }
0x97: {  	_ =	strace $0x8FFFFFFF  }
0x98: {  	s18 =	sld [smem:$0x3FDB];
	_ =	sdelay $0x1  }
0x99: {  	s19 =	simm.s32 $_scs_section_size  }
0x9a: {  	s4 =	simm.s32 $_size__tile_overlayer_lowered;
	s5 =	simm.s32 $_tile_overlayer_lowered  }
0x9b: {  	s22 =	simm.s32 $0x1BFF;
	s21 =	sshll.u32 s5, $0x1;
	s2 =	sadd.s32 s19, s18  }
0x9c: {  	s6 =	simm.s32 $0x0;
	s20 =	sshll.u32 s4, $0x1;
	s4 =	sadd.s32 s21, s2  }
0x9d: {  	[timem:s6], [sflag:s22] =	dma.local [hbm:s4], s20  }
0x9e: {  	_ =	swait.ge [sflag:s22], s20  }
0x9f: {  	s3 =	ssub.s32 $0x0, s20;
	[sflag:s22] =	ssyncset.done $0x0  }
0xa0: {  	[sflag:s22] =	ssyncadd.s32 s3;
	_ =	sdelay $0x1  }
0xa1: {  	s23 =	simm.s32 $0x1B8B  }
0xa2: {  	_ =	swait.ge [sflag:s23], $0x1  }
0xa3: {  	[sflag:s23] =	ssyncset.done $0x0  }
0xa4: {  	s25 =	simm.s32 $0x1B8E;
	s24 =	sld [smem:$0x3FFE];
	[sflag:s23] =	ssyncadd.s32 $0xFFFFFFFF  }
0xa5: {  	s26 =	simm.s32 $execute0_lowered;
	[smem:$0x3FD2] =	sst s25  }
0xa6: {  	s4 =	sshll.u32 s26, $0x1;
	_ =	strace $0x8000004C;
	[dreg:$0x1] =	wrdreg $0xFFFFFFFF  }
0xa7: {  	s28 =	simm.s32 $_size_execute0_lowered;
	s2 =	sadd.s32 s2, s4;
	[dreg:$0x0] =	wrdreg $0x0  }
0xa8: {  	s4 =	sshll.u32 s28, $0x1;
	[dreg:$0x2] =	wrdreg s2  }
0xa9: {  	[dreg:$0x3] =	wrdreg s4  }
0xaa: {  	[dreg:$0x4] =	wrdreg $0xC0  }
0xab: {  	_ =	task [dreg:s6], $0x5FFFF  }
0xac: {  	[dreg:$0x1] =	wrdreg $0xFFFFFFFF  }
0xad: {  	[dreg:$0x0] =	wrdreg $0x60  }
0xae: {  	[dreg:$0x2] =	wrdreg s24  }
0xaf: {  	[dreg:$0x3] =	wrdreg $0xA8000  }
0xb0: {  	[dreg:$0x4] =	wrdreg $0x9  }
0xb1: {  	_ =	task.clear_ibuf [dreg:s6], $0x5FFFF;
	_ =	strace $0x9000004C  }
0xb2: {  	s29 =	simm.s32 $0x9;
	_ =	strace $0x8000004E  }
0xb3: {  	_ =	swait.ge [sflag:s29], $0x1  }
0xb4: {  	[sflag:s29] =	ssyncadd.s32 $0xFFFFFFFF  }
0xb5: {  	_ =	strace $0x9000004E  }
0xb6: {  	_ =	sfence  }
0xb7: {  	s30 =	sld [smem:$0x0];
	_ =	sdelay $0x2  }
0xb8: {  	s31 =	sshll.u32 s1, $0xD;
	s1 =	sshrl.u32 s1, $0x2  }
0xb9: {  	s3 =	sand.u32 $0x4000, s31;
	s1 =	sadd.s32 s1, s30  }
0xba: {  	s0 =	sor.u32 s3, s0;
	s1 =	sshll.u32 s1, $0x11  }
0xbb: {  	s0 =	sor.u32 s1, s0  }
0xbc: {  	s0 =	sadd.s32 $0x8F2B, s0  }
0xbd: {  	[sflag:s0] =	ssyncadd.remote.s32 $0x1  }
0xbe: {  	_ =	sfence.sel $0xFFFF  }
0xbf: {  	[dreg:$0x0] =	wrdreg $0xFFFFFFFF;
	(pc) =	sbr.abs _section_cstart, $3  }
0xc0: {  	[dreg:$0x1] =	wrdreg $0xFFFFFFFF  }
0xc1: {  	_ =	task.clear_ibuf [dreg:s6], $0x2FFFF;
	_ =	strace $0x9FFFFFFF  }
0xc2: {  	(tm) =	ssettm $0x7FFFFFFF  }
0xc3: {  	_ =	shalt  }
tec
execute0_lowered:
.L_overlay_start_1:
0x0: {  	(tag) =	ssettag $0x1  }
0x1: {  	s0 =	rddreg [dreg:$0x0]  }
0x2: {  	s1 =	srdreg.scid;
	s13 =	stileid.u32  }
0x3: {  	s2 =	rddreg [dreg:$0x1];
	s3 =	simm.s32 $0x0;
	s5 =	smul.u32 $0x2800, s13  }
0x4: {  	s28 =	simm.s32 $0x2800;
	s29 =	simm.s32 $0x3;
	s18 =	smul.u32 $0x4F000, s13  }
0x5: {  	s30 =	simm.s32 $0x1400;
	s31 =	simm.s32 $0x80;
	s9 =	smul.u32 $0x270, s13  }
0x6: {  	s1 =	sand.u32 $0x1, s1;
	[smem:$0x7FF] =	sst s3;
	s19 =	smul.u32 $0x4E000, s13  }
0x7: {  	s24 =	sadd.s32 $0x138000, s2;
	p0 =	sne.s32 s13, $0xF;
	s4 =	smul.u32 $0x28000, s1  }
0x8: {  	_ =	strace $0x8000004D;
	s8 =	ssub.s32 $0x2, s1;
	s11 =	smul.u32 $0x2710, s1  }
0x9: {  	s1 =	smul.u32 $0x138800, s1;
	[dreg:$0x9] =	wrdreg s24;
	s10 =	sshrl.u32 s8, $0x1  }
0xa: {  	s6 =	sadd.s32 s4, s5;
	s4 =	sadd.s32 $0x4800, s0;
	s5 =	sshrl.u32 s5, $0x3  }
0xb: {  	s8 =	ssub.s32 s8, s10;
	s9 =	sadd.s32 s11, s9;
	s10 =	sshrl.u32 s19, $0x2  }
0xc: {  	s1 =	sshrl.u32 s1, $0x3;
	s11 =	simm.s32 $0x0;
	s6 =	sshrl.u32 s6, $0x3  }
0xd: {  	s7 =	sadd.s32 s5, s0;
	s5 =	sshrl.u32 s18, $0x2;
	s10 =	sadd.s32 s10, s2  }
0xe: {  	s9 =	sshll.u32 s9, $0x4;
	s25 =	smax.u32 s8, $0x1;
	s8 =	simm.s32 $0x2700  }
0xf: {  	s6 =	sadd.s32 s6, s0;
	s23 =	sadd.s32 $0x10000, s10;
	[dreg:$0xb] =	wrdreg s25  }
0x10: {  	s5 =	sadd.s32 s5, s2;
	s26 =	sadd.s32 $0x4000, s10;
	[dreg:$0x7] =	wrdreg s23  }
0x11: {  	s0 =	sadd.s32 $0x61A00, s0;
	s12 =	sadd.s32 $0x4000, s5;
	[dreg:$0xc] =	wrdreg s26  }
0x12: {  	s19 =	sadd.s32 $0x8000, s10;
	s20 =	sadd.s32 $0x8000, s5;
	[dreg:$0x3] =	wrdreg s12  }
0x13: {  	s25 =	sadd.s32 $0x5CC80, s7;
	s21 =	sadd.s32 $0xC000, s5;
	[dreg:$0x4] =	wrdreg s20  }
0x14: {  	s22 =	sadd.s32 $0x10000, s5;
	s23 =	sadd.s32 $0x5CA00, s7;
	[dreg:$0x5] =	wrdreg s21  }
0x15: {  	s24 =	sadd.s32 $0x52C80, s6;
	s7 =	simm.s32 $0x1380;
	[dreg:$0x6] =	wrdreg s22  }
0x16: {  	s12 =	sadd.s32 s0, s9;
	s0 =	sadd.s32 s0, s1;
	s21 =	sadd.s32 $0xC000, s10  }
0x17: {  	s22 =	sadd.s32 $0x52A00, s6;
	s1 =	simm.s32 $0x1;
	s6 =	simm.s32 $0x2  }
0x18: {  	s9 =	sadd.s32 $0x2000, s12;
	s0 =	sadd.s32 $0x27000, s0;
	s18 =	sadd.s32 $0x800, s12  }
0x19: {  	s20 =	sadd.s32 $0x1000, s12;
	s26 =	sadd.s32 $0x1800, s12;
	[dreg:$0x8] =	wrdreg s9  }
0x1a: {  	v0 =	vimm.f32 $0.0e+00;
	[dreg:$0xa] =	wrdreg s0;
	s0 =	simm.s32 $0x6800;
	s9 =	simm.s32 $0x2780  }
.LBB2_1:
0x1b: {  	s13 =	simm.s32 $0x0;
	s14 =	simm.s32 $0x200  }
.LBB2_2:
0x1c: {  	p1 =	sne.s32 s14, $0xFE00;
	[tilespmem:s13+$0x2870] =	vst v0  }
0x1d: {  	[tilespmem:s13+$0x2800] =	vst v0  }
0x1e: {  	[tilespmem:s13+$0x2810] =	vst v0  }
.Ltmp0:
0x1f: {  	[tilespmem:s13+$0x2820] =	vst v0;
	(pc) =	sbr.rel @p1 .LBB2_2-.Ltmp0, $4  }
0x20: {  	[tilespmem:s13+$0x2830] =	vst v0  }
0x21: {  	[tilespmem:s13+$0x2840] =	vst v0  }
0x22: {  	[tilespmem:s13+$0x2850] =	vst v0  }
0x23: {  	[tilespmem:s13+$0x2860] =	vst v0;
	s13 =	sshra.s32 s14, $0x2;
	s14 =	sadd.s32 $0x200, s14  }
0x24: {  	[tilespmem:s13+$0x2870] =	vst v0  }
0x25: {  	[tilespmem:s13+$0x2800] =	vst v0  }
0x26: {  	[tilespmem:s13+$0x2810] =	vst v0  }
0x27: {  	[tilespmem:s13+$0x2820] =	vst v0  }
0x28: {  	[tilespmem:s13+$0x2830] =	vst v0  }
0x29: {  	[tilespmem:s13+$0x2840] =	vst v0  }
0x2a: {  	[tilespmem:s13+$0x2850] =	vst v0  }
0x2b: {  	[tilespmem:s13+$0x2860] =	vst v0  }
0x2c: {  	[spmem:s5] =	stream.linear.scatter [tilespmem:s28], [sflag:$0x3], $0x4000, $0x38;
	[tilespmem:$0x1E400] =	vst v63  }
0x2d: {  	_ =	swait.ge [sflag:s29], $0x4000  }
0x2e: {  	[sflag:s29] =	ssyncset.done $0x0  }
0x2f: {  	s17 =	rddreg [dreg:$0x3];
	[sflag:s29] =	ssyncadd.s32 $0xFFFFC000  }
0x30: {  	[spmem:s17] =	stream.linear.scatter [tilespmem:s28], [sflag:$0x3], $0x4000, $0x38;
	[tilespmem:$0x1E400] =	vst v63  }
0x31: {  	_ =	swait.ge [sflag:s29], $0x4000  }
0x32: {  	[sflag:s29] =	ssyncset.done $0x0  }
0x33: {  	s14 =	rddreg [dreg:$0x4];
	[sflag:s29] =	ssyncadd.s32 $0xFFFFC000  }
0x34: {  	[spmem:s14] =	stream.linear.scatter [tilespmem:s28], [sflag:$0x3], $0x4000, $0x38;
	[tilespmem:$0x1E400] =	vst v63  }
0x35: {  	_ =	swait.ge [sflag:s29], $0x4000  }
0x36: {  	[sflag:s29] =	ssyncset.done $0x0  }
0x37: {  	s15 =	rddreg [dreg:$0x5];
	[sflag:s29] =	ssyncadd.s32 $0xFFFFC000  }
0x38: {  	[spmem:s15] =	stream.linear.scatter [tilespmem:s28], [sflag:$0x3], $0x4000, $0x38;
	[tilespmem:$0x1E400] =	vst v63  }
0x39: {  	_ =	swait.ge [sflag:s29], $0x4000  }
0x3a: {  	[sflag:s29] =	ssyncset.done $0x0  }
0x3b: {  	s16 =	rddreg [dreg:$0x6];
	[sflag:s29] =	ssyncadd.s32 $0xFFFFC000  }
0x3c: {  	[spmem:s16] =	stream.linear.scatter [tilespmem:s28], [sflag:$0x3], $0x3C00, $0x38;
	[tilespmem:$0x1E400] =	vst v63  }
0x3d: {  	_ =	swait.ge [sflag:s29], $0x3C00  }
0x3e: {  	[sflag:s29] =	ssyncset.done $0x0  }
0x3f: {  	[sflag:s29] =	ssyncadd.s32 $0xFFFFC400  }
0x40: {  	s17 =	simm.s32 $0x0;
	[bflag:$0x0] =	sbarrier.arrive $0xFFFF  }
0x41: {  	[tilespmem:s17], [sflag:$0x3] =	stream.linear.gather [hbm4b:s22+s17], $0x1400, $0x38;
	[tilespmem:$0x1E400] =	vst v63  }
0x42: {  	_ =	swait.ge [sflag:s29], $0x1400  }
0x43: {  	[sflag:s29] =	ssyncset.done $0x0  }
0x44: {  	[sflag:s29] =	ssyncadd.s32 $0xFFFFEC00  }
0x45: {  	[tilespmem:s30], [sflag:$0x3] =	stream.linear.gather [hbm4b:s23+s17], $0x1400, $0x38;
	[tilespmem:$0x1E400] =	vst v63  }
0x46: {  	_ =	swait.ge [sflag:s29], $0x1400  }
0x47: {  	[sflag:s29] =	ssyncset.done $0x0  }
0x48: {  	[sflag:s29] =	ssyncadd.s32 $0xFFFFEC00  }
0x49: {  	[tilespmem:s28], [sflag:$0x1] =	stream.indirect.gather [hbm4b:s4+s31], $0x80, s17, s31, $0xb8;
	[tilespmem:$0x1E400] =	vst v63  }
0x4a: {  	s14 =	simm.s32 $0x80  }
0x4b: {  	[tilespmem:s0], [sflag:$0x2] =	stream.indirect.gather [hbm4b:s4+s31], $0x80, s14, s31, $0xb8;
	[tilespmem:$0x1E400] =	vst v63  }
0x4c: {  	_ =	swait.ge [sflag:s1], $0x4000  }
0x4d: {  	[sflag:s1] =	ssyncset.done $0x0  }
0x4e: {  	s15 =	simm.s32 $0x1400;
	[sflag:s1] =	ssyncadd.s32 $0xFFFFC000  }
0x4f: {  	[spmem:s2] =	stream.indirect.scatter.add.f32 [tilespmem:s28], [sflag:$0x3], $0x80, s15, s31, $0xb8;
	[tilespmem:$0x1E400] =	vst v63  }
0x50: {  	_ =	swait.ge [sflag:s29], $0x4000  }
0x51: {  	[sflag:s29] =	ssyncset.done $0x0  }
0x52: {  	s16 =	simm.s32 $0x100;
	[sflag:s29] =	ssyncadd.s32 $0xFFFFC000  }
0x53: {  	[tilespmem:s28], [sflag:$0x1] =	stream.indirect.gather [hbm4b:s4+s31], $0x80, s16, s31, $0xb8;
	[tilespmem:$0x1E400] =	vst v63  }
0x54: {  	_ =	swait.ge [sflag:s6], $0x4000  }
0x55: {  	[sflag:s6] =	ssyncset.done $0x0  }
0x56: {  	s17 =	simm.s32 $0x1480;
	[sflag:s6] =	ssyncadd.s32 $0xFFFFC000  }
0x57: {  	[spmem:s2] =	stream.indirect.scatter.add.f32 [tilespmem:s0], [sflag:$0x3], $0x80, s17, s31, $0xb8;
	[tilespmem:$0x1E400] =	vst v63  }
0x58: {  	_ =	swait.ge [sflag:s29], $0x4000  }
0x59: {  	s13 =	simm.s32 $0x100;
	s14 =	simm.s32 $0x800;
	[sflag:s29] =	ssyncset.done $0x0  }
.LBB2_4:
0x5a: {  	s15 =	sadd.s32 $0x80, s13  }
0x5b: {  	[sflag:s29] =	ssyncadd.s32 $0xFFFFC000;
	s16 =	smov.u32 s14;
	s17 =	sadd.s32 $0x400, s14  }
0x5c: {  	[tilespmem:s0], [sflag:$0x2] =	stream.indirect.gather [hbm4b:s4+s31], $0x80, s15, s31, $0xb8;
	[tilespmem:$0x1E400] =	vst v63  }
0x5d: {  	p1 =	sne.s32 s14, $0x4800;
	_ =	swait.ge [sflag:s1], $0x4000  }
0x5e: {  	[sflag:s1] =	ssyncset.done $0x0  }
0x5f: {  	s14 =	sadd.s32 $0x1400, s13;
	[sflag:s1] =	ssyncadd.s32 $0xFFFFC000  }
0x60: {  	[spmem:s2] =	stream.indirect.scatter.add.f32 [tilespmem:s28], [sflag:$0x3], $0x80, s14, s31, $0xb8;
	[tilespmem:$0x1E400] =	vst v63  }
0x61: {  	_ =	swait.ge [sflag:s29], $0x4000  }
0x62: {  	[sflag:s29] =	ssyncset.done $0x0  }
0x63: {  	s14 =	sadd.s32 $0x100, s13;
	[sflag:s29] =	ssyncadd.s32 $0xFFFFC000  }
0x64: {  	[tilespmem:s28], [sflag:$0x1] =	stream.indirect.gather [hbm4b:s4+s31], $0x80, s14, s31, $0xb8;
	[tilespmem:$0x1E400] =	vst v63  }
0x65: {  	_ =	swait.ge [sflag:s6], $0x4000  }
.Ltmp1:
0x66: {  	[sflag:s6] =	ssyncset.done $0x0;
	(pc) =	sbr.rel @p1 .LBB2_4-.Ltmp1, $4  }
0x67: {  	s13 =	sadd.s32 $0x1480, s13;
	[sflag:s6] =	ssyncadd.s32 $0xFFFFC000  }
0x68: {  	[spmem:s2] =	stream.indirect.scatter.add.f32 [tilespmem:s0], [sflag:$0x3], $0x80, s13, s31, $0xb8;
	[tilespmem:$0x1E400] =	vst v63  }
0x69: {  	_ =	swait.ge [sflag:s29], $0x4000  }
0x6a: {  	s14 =	smov.u32 s17;
	s13 =	sshra.s32 s16, $0x2;
	[sflag:s29] =	ssyncset.done $0x0  }
0x6b: {  	s14 =	sadd.s32 $0x80, s13;
	[sflag:s29] =	ssyncadd.s32 $0xFFFFC000  }
0x6c: {  	[tilespmem:s0], [sflag:$0x2] =	stream.indirect.gather [hbm4b:s4+s31], $0x80, s14, s31, $0xb8;
	[tilespmem:$0x1E400] =	vst v63  }
0x6d: {  	_ =	swait.ge [sflag:s1], $0x4000  }
0x6e: {  	[sflag:s1] =	ssyncset.done $0x0  }
0x6f: {  	s17 =	sadd.s32 $0x1400, s13;
	[sflag:s1] =	ssyncadd.s32 $0xFFFFC000  }
0x70: {  	[spmem:s2] =	stream.indirect.scatter.add.f32 [tilespmem:s28], [sflag:$0x3], $0x80, s17, s31, $0xb8;
	[tilespmem:$0x1E400] =	vst v63  }
0x71: {  	_ =	swait.ge [sflag:s29], $0x4000  }
0x72: {  	[sflag:s29] =	ssyncset.done $0x0  }
0x73: {  	s15 =	sadd.s32 $0x100, s13;
	[sflag:s29] =	ssyncadd.s32 $0xFFFFC000  }
0x74: {  	[tilespmem:s28], [sflag:$0x1] =	stream.indirect.gather [hbm4b:s4+s31], $0x80, s15, s31, $0xb8;
	[tilespmem:$0x1E400] =	vst v63  }
0x75: {  	_ =	swait.ge [sflag:s6], $0x4000  }
0x76: {  	[sflag:s6] =	ssyncset.done $0x0  }
0x77: {  	s16 =	sadd.s32 $0x1480, s13;
	[sflag:s6] =	ssyncadd.s32 $0xFFFFC000  }
0x78: {  	[spmem:s2] =	stream.indirect.scatter.add.f32 [tilespmem:s0], [sflag:$0x3], $0x80, s16, s31, $0xb8;
	[tilespmem:$0x1E400] =	vst v63  }
0x79: {  	_ =	swait.ge [sflag:s29], $0x4000  }
0x7a: {  	[sflag:s29] =	ssyncset.done $0x0  }
0x7b: {  	[sflag:s29] =	ssyncadd.s32 $0xFFFFC000  }
0x7c: {  	[tilespmem:s0], [sflag:$0x2] =	stream.indirect.gather [hbm4b:s4+s31], $0x80, s7, s31, $0xb8;
	[tilespmem:$0x1E400] =	vst v63  }
0x7d: {  	_ =	swait.ge [sflag:s1], $0x4000  }
0x7e: {  	[sflag:s1] =	ssyncset.done $0x0  }
0x7f: {  	[sflag:s1] =	ssyncadd.s32 $0xFFFFC000  }
0x80: {  	[spmem:s2] =	stream.indirect.scatter.add.f32 [tilespmem:s28], [sflag:$0x3], $0x80, s8, s31, $0xb8;
	[tilespmem:$0x1E400] =	vst v63  }
0x81: {  	_ =	swait.ge [sflag:s29], $0x4000  }
0x82: {  	[sflag:s29] =	ssyncset.done $0x0  }
0x83: {  	[sflag:s29] =	ssyncadd.s32 $0xFFFFC000  }
0x84: {  	_ =	swait.ge [sflag:s6], $0x4000  }
0x85: {  	[sflag:s6] =	ssyncset.done $0x0  }
0x86: {  	[sflag:s6] =	ssyncadd.s32 $0xFFFFC000  }
0x87: {  	[spmem:s2] =	stream.indirect.scatter.add.f32 [tilespmem:s0], [sflag:$0x3], $0x80, s9, s31, $0xb8;
	[tilespmem:$0x1E400] =	vst v63  }
0x88: {  	_ =	swait.ge [sflag:s29], $0x4000  }
0x89: {  	[sflag:s29] =	ssyncset.done $0x0  }
0x8a: {  	s17 =	simm.s32 $0x0;
	[sflag:s29] =	ssyncadd.s32 $0xFFFFC000  }
0x8b: {  	[tilespmem:s17], [sflag:$0x3] =	stream.linear.gather [hbm4b:s24+s17], $0x1400, $0x38;
	[tilespmem:$0x1E400] =	vst v63  }
0x8c: {  	_ =	swait.ge [sflag:s29], $0x1400  }
0x8d: {  	[sflag:s29] =	ssyncset.done $0x0  }
0x8e: {  	[sflag:s29] =	ssyncadd.s32 $0xFFFFEC00  }
0x8f: {  	[tilespmem:s30], [sflag:$0x3] =	stream.linear.gather [hbm4b:s25+s17], $0x1400, $0x38;
	[tilespmem:$0x1E400] =	vst v63  }
0x90: {  	_ =	swait.ge [sflag:s29], $0x1400  }
0x91: {  	[sflag:s29] =	ssyncset.done $0x0  }
0x92: {  	[sflag:s29] =	ssyncadd.s32 $0xFFFFEC00  }
0x93: {  	[tilespmem:s28], [sflag:$0x1] =	stream.indirect.gather [hbm4b:s4+s31], $0x80, s17, s31, $0xb8;
	[tilespmem:$0x1E400] =	vst v63  }
0x94: {  	s14 =	simm.s32 $0x80  }
0x95: {  	[tilespmem:s0], [sflag:$0x2] =	stream.indirect.gather [hbm4b:s4+s31], $0x80, s14, s31, $0xb8;
	[tilespmem:$0x1E400] =	vst v63  }
0x96: {  	_ =	swait.ge [sflag:s1], $0x4000  }
0x97: {  	[sflag:s1] =	ssyncset.done $0x0  }
0x98: {  	s15 =	simm.s32 $0x1400;
	[sflag:s1] =	ssyncadd.s32 $0xFFFFC000  }
0x99: {  	[spmem:s2] =	stream.indirect.scatter.add.f32 [tilespmem:s28], [sflag:$0x3], $0x80, s15, s31, $0xb8;
	[tilespmem:$0x1E400] =	vst v63  }
0x9a: {  	_ =	swait.ge [sflag:s29], $0x4000  }
0x9b: {  	[sflag:s29] =	ssyncset.done $0x0  }
0x9c: {  	s16 =	simm.s32 $0x100;
	[sflag:s29] =	ssyncadd.s32 $0xFFFFC000  }
0x9d: {  	[tilespmem:s28], [sflag:$0x1] =	stream.indirect.gather [hbm4b:s4+s31], $0x80, s16, s31, $0xb8;
	[tilespmem:$0x1E400] =	vst v63  }
0x9e: {  	_ =	swait.ge [sflag:s6], $0x4000  }
0x9f: {  	[sflag:s6] =	ssyncset.done $0x0  }
0xa0: {  	s17 =	simm.s32 $0x1480;
	[sflag:s6] =	ssyncadd.s32 $0xFFFFC000  }
0xa1: {  	[spmem:s2] =	stream.indirect.scatter.add.f32 [tilespmem:s0], [sflag:$0x3], $0x80, s17, s31, $0xb8;
	[tilespmem:$0x1E400] =	vst v63  }
0xa2: {  	_ =	swait.ge [sflag:s29], $0x4000  }
0xa3: {  	s13 =	simm.s32 $0x100;
	s14 =	simm.s32 $0x800;
	[sflag:s29] =	ssyncset.done $0x0  }
.LBB2_6:
0xa4: {  	s15 =	sadd.s32 $0x80, s13  }
0xa5: {  	[sflag:s29] =	ssyncadd.s32 $0xFFFFC000;
	s16 =	smov.u32 s14;
	s17 =	sadd.s32 $0x400, s14  }
0xa6: {  	[tilespmem:s0], [sflag:$0x2] =	stream.indirect.gather [hbm4b:s4+s31], $0x80, s15, s31, $0xb8;
	[tilespmem:$0x1E400] =	vst v63  }
0xa7: {  	p1 =	sne.s32 s14, $0x4800;
	_ =	swait.ge [sflag:s1], $0x4000  }
0xa8: {  	[sflag:s1] =	ssyncset.done $0x0  }
0xa9: {  	s14 =	sadd.s32 $0x1400, s13;
	[sflag:s1] =	ssyncadd.s32 $0xFFFFC000  }
0xaa: {  	[spmem:s2] =	stream.indirect.scatter.add.f32 [tilespmem:s28], [sflag:$0x3], $0x80, s14, s31, $0xb8;
	[tilespmem:$0x1E400] =	vst v63  }
0xab: {  	_ =	swait.ge [sflag:s29], $0x4000  }
0xac: {  	[sflag:s29] =	ssyncset.done $0x0  }
0xad: {  	s14 =	sadd.s32 $0x100, s13;
	[sflag:s29] =	ssyncadd.s32 $0xFFFFC000  }
0xae: {  	[tilespmem:s28], [sflag:$0x1] =	stream.indirect.gather [hbm4b:s4+s31], $0x80, s14, s31, $0xb8;
	[tilespmem:$0x1E400] =	vst v63  }
0xaf: {  	_ =	swait.ge [sflag:s6], $0x4000  }
.Ltmp2:
0xb0: {  	[sflag:s6] =	ssyncset.done $0x0;
	(pc) =	sbr.rel @p1 .LBB2_6-.Ltmp2, $4  }
0xb1: {  	s13 =	sadd.s32 $0x1480, s13;
	[sflag:s6] =	ssyncadd.s32 $0xFFFFC000  }
0xb2: {  	[spmem:s2] =	stream.indirect.scatter.add.f32 [tilespmem:s0], [sflag:$0x3], $0x80, s13, s31, $0xb8;
	[tilespmem:$0x1E400] =	vst v63  }
0xb3: {  	_ =	swait.ge [sflag:s29], $0x4000  }
0xb4: {  	s14 =	smov.u32 s17;
	s13 =	sshra.s32 s16, $0x2;
	[sflag:s29] =	ssyncset.done $0x0  }
0xb5: {  	s14 =	sadd.s32 $0x80, s13;
	[sflag:s29] =	ssyncadd.s32 $0xFFFFC000  }
0xb6: {  	[tilespmem:s0], [sflag:$0x2] =	stream.indirect.gather [hbm4b:s4+s31], $0x80, s14, s31, $0xb8;
	[tilespmem:$0x1E400] =	vst v63  }
0xb7: {  	_ =	swait.ge [sflag:s1], $0x4000  }
0xb8: {  	[sflag:s1] =	ssyncset.done $0x0  }
0xb9: {  	s15 =	sadd.s32 $0x1400, s13;
	[sflag:s1] =	ssyncadd.s32 $0xFFFFC000  }
0xba: {  	[spmem:s2] =	stream.indirect.scatter.add.f32 [tilespmem:s28], [sflag:$0x3], $0x80, s15, s31, $0xb8;
	[tilespmem:$0x1E400] =	vst v63  }
0xbb: {  	_ =	swait.ge [sflag:s29], $0x4000  }
0xbc: {  	[sflag:s29] =	ssyncset.done $0x0  }
0xbd: {  	s16 =	sadd.s32 $0x100, s13;
	[sflag:s29] =	ssyncadd.s32 $0xFFFFC000  }
0xbe: {  	[tilespmem:s28], [sflag:$0x1] =	stream.indirect.gather [hbm4b:s4+s31], $0x80, s16, s31, $0xb8;
	[tilespmem:$0x1E400] =	vst v63  }
0xbf: {  	_ =	swait.ge [sflag:s6], $0x4000  }
0xc0: {  	[sflag:s6] =	ssyncset.done $0x0  }
0xc1: {  	s17 =	sadd.s32 $0x1480, s13;
	[sflag:s6] =	ssyncadd.s32 $0xFFFFC000  }
0xc2: {  	[spmem:s2] =	stream.indirect.scatter.add.f32 [tilespmem:s0], [sflag:$0x3], $0x80, s17, s31, $0xb8;
	[tilespmem:$0x1E400] =	vst v63  }
0xc3: {  	_ =	swait.ge [sflag:s29], $0x4000  }
0xc4: {  	[sflag:s29] =	ssyncset.done $0x0  }
0xc5: {  	[sflag:s29] =	ssyncadd.s32 $0xFFFFC000  }
0xc6: {  	[tilespmem:s0], [sflag:$0x2] =	stream.indirect.gather [hbm4b:s4+s31], $0x80, s7, s31, $0xb8;
	[tilespmem:$0x1E400] =	vst v63  }
0xc7: {  	_ =	swait.ge [sflag:s1], $0x4000  }
0xc8: {  	[sflag:s1] =	ssyncset.done $0x0  }
0xc9: {  	[sflag:s1] =	ssyncadd.s32 $0xFFFFC000  }
0xca: {  	[spmem:s2] =	stream.indirect.scatter.add.f32 [tilespmem:s28], [sflag:$0x3], $0x80, s8, s31, $0xb8;
	[tilespmem:$0x1E400] =	vst v63  }
0xcb: {  	_ =	swait.ge [sflag:s29], $0x4000  }
0xcc: {  	[sflag:s29] =	ssyncset.done $0x0  }
0xcd: {  	[sflag:s29] =	ssyncadd.s32 $0xFFFFC000  }
0xce: {  	_ =	swait.ge [sflag:s6], $0x4000  }
0xcf: {  	[sflag:s6] =	ssyncset.done $0x0  }
0xd0: {  	[sflag:s6] =	ssyncadd.s32 $0xFFFFC000  }
0xd1: {  	[spmem:s2] =	stream.indirect.scatter.add.f32 [tilespmem:s0], [sflag:$0x3], $0x80, s9, s31, $0xb8;
	[tilespmem:$0x1E400] =	vst v63  }
0xd2: {  	_ =	swait.ge [sflag:s29], $0x4000  }
0xd3: {  	[sflag:s29] =	ssyncset.done $0x0  }
0xd4: {  	[sflag:s29] =	ssyncadd.s32 $0xFFFFC000  }
0xd5: {  	[bflag:$0x0] =	sbarrier.arrive $0xFFFF  }
0xd6: {  	[tilespmem:s28], [sflag:$0x3] =	stream.linear.gather [spmem:s10], $0x4000, $0x38;
	[tilespmem:$0x1E400] =	vst v63  }
0xd7: {  	_ =	swait.ge [sflag:s29], $0x4000  }
0xd8: {  	[sflag:s29] =	ssyncset.done $0x0  }
0xd9: {  	[sflag:s29] =	ssyncadd.s32 $0xFFFFC000  }
0xda: {  	[hbm4b:s12+s3] =	stream.linear.scatter [tilespmem:s28], [sflag:$0x3], $0x4000, $0x38;
	[tilespmem:$0x1E400] =	vst v63  }
0xdb: {  	_ =	swait.ge [sflag:s29], $0x4000  }
0xdc: {  	[sflag:s29] =	ssyncset.done $0x0  }
0xdd: {  	s14 =	rddreg [dreg:$0xc];
	[sflag:s29] =	ssyncadd.s32 $0xFFFFC000  }
0xde: {  	[tilespmem:s28], [sflag:$0x3] =	stream.linear.gather [spmem:s14], $0x4000, $0x38;
	[tilespmem:$0x1E400] =	vst v63  }
0xdf: {  	_ =	swait.ge [sflag:s29], $0x4000  }
0xe0: {  	[sflag:s29] =	ssyncset.done $0x0  }
0xe1: {  	[sflag:s29] =	ssyncadd.s32 $0xFFFFC000  }
0xe2: {  	[hbm4b:s18+s3] =	stream.linear.scatter [tilespmem:s28], [sflag:$0x3], $0x4000, $0x38;
	[tilespmem:$0x1E400] =	vst v63  }
0xe3: {  	_ =	swait.ge [sflag:s29], $0x4000  }
0xe4: {  	[sflag:s29] =	ssyncset.done $0x0  }
0xe5: {  	[sflag:s29] =	ssyncadd.s32 $0xFFFFC000  }
0xe6: {  	[tilespmem:s28], [sflag:$0x3] =	stream.linear.gather [spmem:s19], $0x4000, $0x38;
	[tilespmem:$0x1E400] =	vst v63  }
0xe7: {  	_ =	swait.ge [sflag:s29], $0x4000  }
0xe8: {  	[sflag:s29] =	ssyncset.done $0x0  }
0xe9: {  	[sflag:s29] =	ssyncadd.s32 $0xFFFFC000  }
0xea: {  	[hbm4b:s20+s3] =	stream.linear.scatter [tilespmem:s28], [sflag:$0x3], $0x4000, $0x38;
	[tilespmem:$0x1E400] =	vst v63  }
0xeb: {  	_ =	swait.ge [sflag:s29], $0x4000  }
0xec: {  	[sflag:s29] =	ssyncset.done $0x0  }
0xed: {  	[sflag:s29] =	ssyncadd.s32 $0xFFFFC000  }
0xee: {  	[tilespmem:s28], [sflag:$0x3] =	stream.linear.gather [spmem:s21], $0x4000, $0x38;
	[tilespmem:$0x1E400] =	vst v63  }
0xef: {  	_ =	swait.ge [sflag:s29], $0x4000  }
0xf0: {  	[sflag:s29] =	ssyncset.done $0x0  }
0xf1: {  	[sflag:s29] =	ssyncadd.s32 $0xFFFFC000  }
0xf2: {  	[hbm4b:s26+s3] =	stream.linear.scatter [tilespmem:s28], [sflag:$0x3], $0x4000, $0x38;
	[tilespmem:$0x1E400] =	vst v63  }
0xf3: {  	_ =	swait.ge [sflag:s29], $0x4000  }
0xf4: {  	[sflag:s29] =	ssyncset.done $0x0  }
0xf5: {  	s15 =	rddreg [dreg:$0x7];
	[sflag:s29] =	ssyncadd.s32 $0xFFFFC000  }
0xf6: {  	[tilespmem:s28], [sflag:$0x3] =	stream.linear.gather [spmem:s15], $0x3800, $0x38;
	[tilespmem:$0x1E400] =	vst v63  }
0xf7: {  	_ =	swait.ge [sflag:s29], $0x3800  }
0xf8: {  	[sflag:s29] =	ssyncset.done $0x0  }
0xf9: {  	s16 =	rddreg [dreg:$0x8];
	[sflag:s29] =	ssyncadd.s32 $0xFFFFC800  }
0xfa: {  	[hbm4b:s16+s3] =	stream.linear.scatter [tilespmem:s28], [sflag:$0x3], $0x3800, $0x38;
	[tilespmem:$0x1E400] =	vst v63  }
0xfb: {  	_ =	swait.ge [sflag:s29], $0x3800  }
0xfc: {  	[sflag:s29] =	ssyncset.done $0x0  }
0xfd: {  	s13 =	simm.s32 @!p0 $0x2800;
	s14 =	rddreg [dreg:$0x9];
	[sflag:s29] =	ssyncadd.s32 $0xFFFFC800  }
0xfe: {  	[tilespmem:s13], [sflag:$0x3] =	stream.linear.gather @!p0 [spmem:s14], $0x800, $0x38;
	[tilespmem:$0x1E400] =	vst v63  }
0xff: {  	s14 =	simm.s32 @!p0 $0x3  }
0x100: {  	_ =	swait.ge @!p0 [sflag:s14], $0x800  }
0x101: {  	[sflag:s14] =	ssyncset.done @!p0 $0x0  }
0x102: {  	s15 =	simm.s32 @!p0 $0x0;
	s16 =	rddreg [dreg:$0xa];
	[sflag:s14] =	ssyncadd.s32 @!p0 $0xFFFFF800  }
0x103: {  	[hbm4b:s16+s15] =	stream.linear.scatter @!p0 [tilespmem:s13], [sflag:$0x3], $0x800, $0x38;
	[tilespmem:$0x1E400] =	vst v63  }
0x104: {  	_ =	swait.ge @!p0 [sflag:s14], $0x800  }
0x105: {  	s11 =	sadd.s32 $0x1, s11;
	s17 =	rddreg [dreg:$0xb]  }
0x106: {  	p1 =	sne.s32 s11, s17  }
.Ltmp3:
0x107: {  	_ = 	snop;
	(pc) =	sbr.rel @p1 .LBB2_1-.Ltmp3, $3  }
0x108: {  	_ =	sdelay $0x1  }
0x109: {  	[sflag:s14] =	ssyncset.done @!p0 $0x0  }
0x10a: {  	[sflag:s14] =	ssyncadd.s32 @!p0 $0xFFFFF800  }
0x10b: {  	_ =	sfence.sel $0x180000  }
0x10c: {  	[bflag:$0x0] =	sbarrier.arrive $0xFFFF  }
0x10d: {  	_ =	strace $0x9000004D  }
0x10e: {  	s0 =	stileid.u32;
	[bflag:$0x2] =	sbarrier.arrive $0xFFFF  }
0x10f: {  	p0 =	sne.s32 s0, $0x0;
	s0 =	rddreg [dreg:$0x2]  }
0x110: {  	s0 =	sadd.s32 @!p0 $0x100000, s0  }
0x111: {  	[sflag:s0] =	ssyncadd.tile.s32 @!p0 $0x1;
	_ =	shalt  }
.Lfunc_end2:
_tile_overlayer_lowered:
.L_overlay_start_2:
0x112: {  	(tag) =	ssettag $0x2  }
0x113: {  	s0 =	rddreg [dreg:$0x0];
	s2 =	stileid.u32  }
0x114: {  	s1 =	rddreg [dreg:$0x1];
	p0 =	sne.s32 s2, $0x0  }
0x115: {  	s3 =	rddreg [dreg:$0x2];
	[bflag:$0x3] =	sbarrier.arrive $0xFFFF;
	s2 =	simm.s32 @!p0 $0x1C03  }
0x116: {  	[timem:s3], [sflag:s2] =	dma.local @!p0 [hbm:s0], s1  }
0x117: {  	s0 =	simm.s32 @!p0 $0x3  }
0x118: {  	_ =	swait.ge @!p0 [sflag:s0], s1  }
0x119: {  	s1 =	ssub.s32 @!p0 $0x0, s1;
	[sflag:s0] =	ssyncset.done @!p0 $0x0  }
0x11a: {  	[sflag:s0] =	ssyncadd.s32 @!p0 s1  }
0x11b: {  	[bflag:$0x3] =	sbarrier.arrive $0xFFFF  }
0x11c: {  	_ =	shalt  }

// kernel: kernel.8.cloned.1.call-start
scs
__scs_entry_jumppad:
0x0: {  	(pc) =	sbr.rel $0x88, $3  }
0x1: {  	(tag) =	ssettag $0x0;
	lr =	simm.s32 $0x1  }
0x2: {  	[smem:$0x3F8A] =	sst lr;
	_ =	strace $0xD0000000  }
0x3: {  	_ = 	snop  }
0x4: {  	_ = 	snop  }
0x5: {  	_ = 	snop  }
0x6: {  	_ = 	snop  }
0x7: {  	_ = 	snop  }
__scs_overlays_trampoline_lowered:
0x8: {  	[smem:$0x3F99] =	sst s0  }
0x9: {  	[smem:$0x3F9A] =	sst s1  }
0xa: {  	[smem:$0x3F9B] =	sst s2  }
0xb: {  	[smem:$0x3F9C] =	sst s3  }
0xc: {  	[smem:$0x3F9D] =	sst s4  }
0xd: {  	[smem:$0x3F9E] =	sst s5  }
0xe: {  	[smem:$0x3F9F] =	sst s6  }
0xf: {  	[smem:$0x3FA0] =	sst s7  }
0x10: {  	[smem:$0x3FA1] =	sst s8  }
0x11: {  	[smem:$0x3FA2] =	sst s9;
	s0 =	simm.s32 @!p0 $0x0  }
0x12: {  	s1 =	sld [smem:$0x3F88];
	s0 =	simm.s32 @p0 $0x1  }
0x13: {  	[smem:$0x3FA3] =	sst s0;
	s0 =	simm.s32 @!p1 $0x0  }
0x14: {  	s2 =	sld [smem:$0x3F87];
	s0 =	simm.s32 @p1 $0x1  }
0x15: {  	[smem:$0x3FA4] =	sst s0;
	s0 =	simm.s32 @!p2 $0x0  }
0x16: {  	s3 =	sld [smem:$0x3FDB];
	s0 =	simm.s32 @p2 $0x1  }
0x17: {  	s4 =	simm.s32 $0x1BF5;
	[smem:$0x3FA6] =	sst s0  }
0x18: {  	s0 =	sld [smem:$0x3F89];
	_ =	swait.ge [sflag:s4], $0x0  }
0x19: {  	s7 =	sld [smem:$0x3F8A]  }
0x1a: {  	s8 =	sadd.s32 $0xFFFFE003, lr  }
0x1b: {  	s9 =	sadd.s32 $0xFFFFFEF7, lr;
	s5 =	simm.s32 $0xFFFFFFFF;
	p2 =	slt.u32 s8, $0xFFFFF086  }
0x1c: {  	p1 =	slt.u32 s9, $0xF7A;
	s5 =	simm.s32 @!p2 $0x0  }
0x1d: {  	s5 =	simm.s32 @p1 $0x1;
	p0 =	seq.s32 s7, s2  }
0x1e: {  	s7 =	smul.u32 @!p0 $0xF7A, s2;
	p2 =	seq.s32 @!p0 s5, $0x0  }
0x1f: {  	s9 =	smul.u32 $0xF7A, s1;
	s8 =	simm.s32 @!p0 $0x1BF5;
	p2 =	por !p2, p0  }
0x20: {  	[sflag:s8] =	ssyncset.s32 @!p0 $0xFFFFF086;
	s6 =	sadd.s32 @!p0 s3, s7;
	s7 =	simm.s32 @!p0 $0x108  }
0x21: {  	s3 =	sadd.s32 s3, s9;
	s6 =	sadd.s32 @!p0 $0x88, s6;
	s7 =	simm.s32 @p2 $0x1082  }
0x22: {  	[simem:s7], [sflag:s8] =	dma.local @!p0 [hbm:s6], $0xF7A  }
0x23: {  	s9 =	sor.u32 $0xD0000000, s2;
	s6 =	simm.s32 $0x108;
	_ =	swait.ge @!p0 [sflag:s8], $0x0  }
0x24: {  	s3 =	sadd.s32 $0x88, s3;
	s6 =	simm.s32 @!p1 $0x1082;
	[sflag:s4] =	ssyncset.s32 $0xFFFFF086  }
0x25: {  	[simem:s6], [sflag:s4] =	dma.local [hbm:s3], $0xF7A  }
0x26: {  	[smem:$0x3F8A] =	sst s1;
	(tag) =	ssettag s2;
	_ =	strace s9  }
0x27: {  	s1 =	sld [smem:$0x3F9A]  }
0x28: {  	s2 =	sld [smem:$0x3F9B]  }
0x29: {  	s4 =	sld [smem:$0x3F9D]  }
0x2a: {  	p0 =	seq.s32 s5, $0x0;
	s5 =	sld [smem:$0x3F9E]  }
0x2b: {  	s6 =	sld [smem:$0x3F9F]  }
0x2c: {  	s7 =	sld [smem:$0x3FA0]  }
0x2d: {  	s3 =	simm.s32 $0x108;
	s8 =	sld [smem:$0x3FA1]  }
0x2e: {  	s3 =	simm.s32 @!p0 $0x1082;
	s9 =	sld [smem:$0x3FA2]  }
0x2f: {  	lr =	sadd.s32 s0, s3;
	s0 =	sld [smem:$0x3F99]  }
0x30: {  	s3 =	sld [smem:$0x3F9C]  }
0x31: {  	[smem:$0x3FA5] =	sst s10  }
0x32: {  	s10 =	sld [smem:$0x3FA3];
	_ =	sdelay $0x3  }
0x33: {  	p0 =	seq.s32 s10, $0x1;
	s10 =	sld [smem:$0x3FA5];
	_ =	sdelay $0x3  }
0x34: {  	[smem:$0x3FA5] =	sst s10  }
0x35: {  	s10 =	sld [smem:$0x3FA4];
	_ =	sdelay $0x3  }
0x36: {  	p1 =	seq.s32 s10, $0x1;
	s10 =	sld [smem:$0x3FA5];
	_ =	sdelay $0x3  }
0x37: {  	[smem:$0x3FA5] =	sst s10  }
0x38: {  	s10 =	sld [smem:$0x3FA6]  }
0x39: {  	_ = 	snop;
	(pc) =	sbr.ind lr, $3  }
0x3a: {  	_ = 	snop  }
0x3b: {  	_ = 	snop  }
0x3c: {  	p2 =	seq.s32 s10, $0x1;
	s10 =	sld [smem:$0x3FA5]  }
0x3d: {  	_ =	shalt  }
0x3e: {  	_ =	shalt  }
0x3f: {  	_ =	shalt  }
0x40: {  	_ =	shalt  }
0x41: {  	_ =	shalt  }
0x42: {  	_ =	shalt  }
0x43: {  	_ =	shalt  }
0x44: {  	_ =	shalt  }
0x45: {  	_ =	shalt  }
0x46: {  	_ =	shalt  }
0x47: {  	_ =	shalt  }
0x48: {  	_ =	shalt  }
0x49: {  	_ =	shalt  }
0x4a: {  	_ =	shalt  }
0x4b: {  	_ =	shalt  }
0x4c: {  	_ =	shalt  }
0x4d: {  	_ =	shalt  }
0x4e: {  	_ =	shalt  }
0x4f: {  	_ =	shalt  }
0x50: {  	_ =	shalt  }
0x51: {  	_ =	shalt  }
0x52: {  	_ =	shalt  }
0x53: {  	_ =	shalt  }
0x54: {  	_ =	shalt  }
0x55: {  	_ =	shalt  }
0x56: {  	_ =	shalt  }
0x57: {  	_ =	shalt  }
0x58: {  	_ =	shalt  }
0x59: {  	_ =	shalt  }
0x5a: {  	_ =	shalt  }
0x5b: {  	_ =	shalt  }
0x5c: {  	_ =	shalt  }
0x5d: {  	_ =	shalt  }
0x5e: {  	_ =	shalt  }
0x5f: {  	_ =	shalt  }
0x60: {  	_ =	shalt  }
0x61: {  	_ =	shalt  }
0x62: {  	_ =	shalt  }
0x63: {  	_ =	shalt  }
0x64: {  	_ =	shalt  }
0x65: {  	_ =	shalt  }
0x66: {  	_ =	shalt  }
0x67: {  	_ =	shalt  }
0x68: {  	_ =	shalt  }
0x69: {  	_ =	shalt  }
0x6a: {  	_ =	shalt  }
0x6b: {  	_ =	shalt  }
0x6c: {  	_ =	shalt  }
0x6d: {  	_ =	shalt  }
0x6e: {  	_ =	shalt  }
0x6f: {  	_ =	shalt  }
0x70: {  	_ =	shalt  }
0x71: {  	_ =	shalt  }
0x72: {  	_ =	shalt  }
0x73: {  	_ =	shalt  }
0x74: {  	_ =	shalt  }
0x75: {  	_ =	shalt  }
0x76: {  	_ =	shalt  }
0x77: {  	_ =	shalt  }
0x78: {  	_ =	shalt  }
0x79: {  	_ =	shalt  }
0x7a: {  	_ =	shalt  }
0x7b: {  	_ =	shalt  }
0x7c: {  	_ =	shalt  }
0x7d: {  	_ =	shalt  }
0x7e: {  	_ =	shalt  }
0x7f: {  	_ =	shalt  }
0x80: {  	_ =	shalt  }
0x81: {  	_ =	shalt  }
0x82: {  	_ =	shalt  }
0x83: {  	_ =	shalt  }
0x84: {  	_ =	shalt  }
0x85: {  	_ =	shalt  }
0x86: {  	_ =	shalt  }
0x87: {  	_ =	shalt  }
.Lfunc_end0:
.L_simem_size_0:
called_computation_lowered:
.L_overlay_start_0:
0x88: {  	s2 =	sld [smem:$0x3FD9]  }
0x89: {  	s3 =	sld [smem:$0x3FFE];
	_ =	sdelay $0x1  }
0x8a: {  	s1 =	srdreg.scid  }
0x8b: {  	s0 =	sand.u32 $0x1, s1  }
0x8c: {  	s17 =	sshll.u32 s0, $0xA;
	s2 =	sadd.s32 s3, s2  }
0x8d: {  	s2 =	sadd.s32 s2, s17  }
0x8e: {  	[smem:$0x3FB1] =	sst s2  }
0x8f: {  	_ = 	snop  }
0x90: {  	(tm) =	ssettm $0x1  }
0x91: {  	s18 =	sld [smem:$0x3FFB];
	_ =	sdelay $0x3  }
0x92: {  	_ =	strace s18  }
0x93: {  	s2 =	sld [smem:$0x3FFC];
	_ =	sdelay $0x3  }
0x94: {  	_ =	strace s2  }
0x95: {  	s2 =	sld [smem:$0x3FFD];
	_ =	sdelay $0x3  }
0x96: {  	_ =	strace s2  }
0x97: {  	_ =	strace $0x8FFFFFFF  }
0x98: {  	s19 =	sld [smem:$0x3FDB];
	_ =	sdelay $0x1  }
0x99: {  	s20 =	simm.s32 $_scs_section_size  }
0x9a: {  	s4 =	simm.s32 $_size__tile_overlayer_lowered;
	s5 =	simm.s32 $_tile_overlayer_lowered  }
0x9b: {  	s6 =	simm.s32 $0x1BFF;
	s21 =	sshll.u32 s5, $0x1;
	s3 =	sadd.s32 s20, s19  }
0x9c: {  	s22 =	simm.s32 $0x0;
	s4 =	sshll.u32 s4, $0x1;
	s5 =	sadd.s32 s21, s3  }
0x9d: {  	[timem:s22], [sflag:s6] =	dma.local [hbm:s5], s4  }
0x9e: {  	_ =	swait.ge [sflag:s6], s4  }
0x9f: {  	s4 =	ssub.s32 $0x0, s4;
	[sflag:s6] =	ssyncset.done $0x0  }
0xa0: {  	[sflag:s6] =	ssyncadd.s32 s4;
	_ =	sdelay $0x1  }
0xa1: {  	s23 =	simm.s32 $0x1B8B  }
0xa2: {  	_ =	swait.ge [sflag:s23], $0x1  }
0xa3: {  	[sflag:s23] =	ssyncset.done $0x0  }
0xa4: {  	[sflag:s23] =	ssyncadd.s32 $0xFFFFFFFF  }
0xa5: {  	s4 =	sld [smem:$0x0]  }
0xa6: {  	s5 =	sand.u32 $0xFFFFFFFE, s1  }
0xa7: {  	p0 =	sne.s32 s1, s5  }
0xa8: {  	s5 =	sshll.u32 @p0 s5, $0xE  }
0xa9: {  	s5 =	sadd.s32 @p0 $0x11B8D, s5;
	s6 =	sshll.u32 @p0 s4, $0x11  }
0xaa: {  	s5 =	sor.u32 @p0 s6, s5  }
0xab: {  	[sflag:s5] =	ssyncadd.remote.s32 @p0 $0x1;
	_ =	sdelay $0x1  }
0xac: {  	s5 =	simm.s32 @p0 $0x1B8D  }
0xad: {  	_ =	swait.eq @p0 [sflag:s5], $0x1  }
0xae: {  	[sflag:s5] =	ssyncadd.s32 @p0 $0xFFFFFFFF  }
0xaf: {  	s6 =	sshll.u32 @!p0 s1, $0xE  }
0xb0: {  	s6 =	sor.u32 @!p0 $0x4000, s6;
	s5 =	simm.s32 @!p0 $0x1B8D  }
0xb1: {  	s4 =	sshll.u32 @!p0 s4, $0x11;
	s6 =	sadd.s32 @!p0 $0x11B8D, s6;
	_ =	swait.eq @!p0 [sflag:s5], $0x1  }
0xb2: {  	s4 =	sor.u32 @!p0 s4, s6;
	[sflag:s5] =	ssyncadd.s32 @!p0 $0xFFFFFFFF  }
0xb3: {  	s25 =	simm.s32 $0x1B8E;
	s24 =	sld [smem:$0x3FFE];
	[sflag:s4] =	ssyncadd.remote.s32 @!p0 $0x1  }
0xb4: {  	s26 =	simm.s32 $execute0_lowered;
	[smem:$0x3FD2] =	sst s25  }
0xb5: {  	s5 =	sshll.u32 s26, $0x1;
	_ =	strace $0x80000049;
	[dreg:$0x1] =	wrdreg $0xFFFFFFFF  }
0xb6: {  	s28 =	simm.s32 $_size_execute0_lowered;
	s3 =	sadd.s32 s3, s5;
	[dreg:$0x0] =	wrdreg $0x0  }
0xb7: {  	s5 =	sshll.u32 s28, $0x1;
	[dreg:$0x2] =	wrdreg s3  }
0xb8: {  	[dreg:$0x3] =	wrdreg s5  }
0xb9: {  	[dreg:$0x4] =	wrdreg $0xC0  }
0xba: {  	_ =	task [dreg:s22], $0x5FFFF  }
0xbb: {  	[dreg:$0x1] =	wrdreg $0xFFFFFFFF  }
0xbc: {  	[dreg:$0x0] =	wrdreg $0x60  }
0xbd: {  	[dreg:$0x2] =	wrdreg s24  }
0xbe: {  	[dreg:$0x3] =	wrdreg $0x54000  }
0xbf: {  	[dreg:$0x4] =	wrdreg $0x9  }
0xc0: {  	_ =	task.clear_ibuf [dreg:s22], $0x5FFFF;
	_ =	strace $0x90000049  }
0xc1: {  	s29 =	simm.s32 $0x9;
	_ =	strace $0x8000004B  }
0xc2: {  	_ =	swait.ge [sflag:s29], $0x1  }
0xc3: {  	[sflag:s29] =	ssyncadd.s32 $0xFFFFFFFF  }
0xc4: {  	_ =	strace $0x9000004B  }
0xc5: {  	_ =	sfence  }
0xc6: {  	s30 =	sld [smem:$0x0];
	_ =	sdelay $0x2  }
0xc7: {  	s31 =	sshll.u32 s1, $0xD;
	s1 =	sshrl.u32 s1, $0x2  }
0xc8: {  	s4 =	sand.u32 $0x4000, s31;
	s1 =	sadd.s32 s1, s30  }
0xc9: {  	s0 =	sor.u32 s4, s0;
	s1 =	sshll.u32 s1, $0x11  }
0xca: {  	s0 =	sor.u32 s1, s0  }
0xcb: {  	s0 =	sadd.s32 $0x8F2B, s0  }
0xcc: {  	[sflag:s0] =	ssyncadd.remote.s32 $0x1  }
0xcd: {  	_ =	sfence.sel $0xFFFF  }
0xce: {  	[dreg:$0x0] =	wrdreg $0xFFFFFFFF;
	(pc) =	sbr.abs _section_cstart, $3  }
0xcf: {  	[dreg:$0x1] =	wrdreg $0xFFFFFFFF  }
0xd0: {  	_ =	task.clear_ibuf [dreg:s22], $0x2FFFF;
	_ =	strace $0x9FFFFFFF  }
0xd1: {  	(tm) =	ssettm $0x7FFFFFFF  }
tec
execute0_lowered:
.L_overlay_start_1:
0x0: {  	(tag) =	ssettag $0x1  }
0x1: {  	s0 =	srdreg.scid;
	s4 =	rddreg [dreg:$0x0]  }
0x2: {  	s2 =	rddreg [dreg:$0x1];
	s9 =	sand.u32 $0x1, s0  }
0x3: {  	s0 =	stileid.u32;
	s5 =	smul.u32 $0x14000, s9  }
0x4: {  	s1 =	rddreg [dreg:$0x2];
	s6 =	smul.u32 $0x1400, s0  }
0x5: {  	s3 =	simm.s32 $0x0;
	s23 =	simm.s32 $0x1;
	s28 =	smul.u32 $0x4F000, s0  }
0x6: {  	s24 =	simm.s32 $0x1400;
	s25 =	simm.s32 $0x80;
	s10 =	smul.u32 $0x270, s0  }
0x7: {  	s26 =	simm.s32 $0x0;
	[smem:$0x7FF] =	sst s3;
	s11 =	smul.u32 $0x2710, s9  }
0x8: {  	s13 =	sadd.s32 $0xAFC00, s4;
	_ =	strace $0x8000004A;
	s12 =	smul.u32 $0x4E000, s0  }
0x9: {  	s29 =	ssub.s32 $0x2, s9;
	s14 =	smul.u32 $0x138800, s9;
	p0 =	sne.s32 s0, $0xF  }
0xa: {  	s7 =	sshrl.u32 s29, $0x1;
	s5 =	sadd.s32 s6, s5;
	s6 =	sshrl.u32 s28, $0x2  }
0xb: {  	s16 =	ssub.s32 s29, s7;
	s11 =	sadd.s32 s11, s10;
	s30 =	sshrl.u32 s12, $0x2  }
0xc: {  	s14 =	sshrl.u32 s14, $0x3;
	s5 =	sshrl.u32 s5, $0x3;
	s10 =	sadd.s32 s30, s2  }
0xd: {  	s31 =	sshll.u32 s11, $0x4;
	s15 =	sadd.s32 s13, s14;
	s14 =	sadd.s32 $0x138000, s2  }
0xe: {  	s16 =	smax.u32 s16, $0x1;
	s5 =	sadd.s32 s5, s4;
	s4 =	sadd.s32 s6, s2  }
0xf: {  	s11 =	sadd.s32 $0x10000, s10;
	s12 =	sadd.s32 s13, s31;
	s15 =	sadd.s32 $0x27000, s15  }
0x10: {  	s17 =	sadd.s32 $0x4000, s10;
	s19 =	sadd.s32 $0x8000, s10;
	s21 =	sadd.s32 $0xC000, s10  }
0x11: {  	s5 =	sadd.s32 $0x5CA00, s5;
	s6 =	sadd.s32 $0x4000, s4;
	s7 =	sadd.s32 $0x8000, s4  }
0x12: {  	s8 =	sadd.s32 $0xC000, s4;
	s9 =	sadd.s32 $0x10000, s4;
	s13 =	sadd.s32 $0x2000, s12  }
0x13: {  	v0 =	vimm.f32 $0.0e+00;
	v1 =	vimm.f32 $1.000000000e+00;
	s18 =	sadd.s32 $0x800, s12;
	s20 =	sadd.s32 $0x1000, s12;
	s22 =	sadd.s32 $0x1800, s12  }
.LBB2_1:
0x14: {  	[tilespmem:s3], [sflag:$0x1] =	stream.linear.gather [hbm4b:s5+s3], $0x1400, $0x38;
	[tilespmem:$0x19000] =	vst v63  }
0x15: {  	_ =	swait.ge [sflag:s23], $0x1400  }
0x16: {  	[sflag:s23] =	ssyncset.done $0x0  }
0x17: {  	s28 =	simm.s32 $0x0;
	s29 =	simm.s32 $0x200;
	[sflag:s23] =	ssyncadd.s32 $0xFFFFEC00  }
.LBB2_2:
0x18: {  	p1 =	sne.s32 s29, $0xFE00;
	[tilespmem:s28+$0x1470] =	vst v0  }
0x19: {  	[tilespmem:s28+$0x1400] =	vst v0  }
0x1a: {  	[tilespmem:s28+$0x1410] =	vst v0  }
.Ltmp0:
0x1b: {  	[tilespmem:s28+$0x1420] =	vst v0;
	(pc) =	sbr.rel @p1 .LBB2_2-.Ltmp0, $4  }
0x1c: {  	[tilespmem:s28+$0x1430] =	vst v0  }
0x1d: {  	[tilespmem:s28+$0x1440] =	vst v0  }
0x1e: {  	[tilespmem:s28+$0x1450] =	vst v0  }
0x1f: {  	[tilespmem:s28+$0x1460] =	vst v0;
	s28 =	sshra.s32 s29, $0x2;
	s29 =	sadd.s32 $0x200, s29  }
0x20: {  	[tilespmem:s28+$0x1470] =	vst v0  }
0x21: {  	[tilespmem:s28+$0x1400] =	vst v0  }
0x22: {  	[tilespmem:s28+$0x1410] =	vst v0  }
0x23: {  	[tilespmem:s28+$0x1420] =	vst v0  }
0x24: {  	[tilespmem:s28+$0x1430] =	vst v0  }
0x25: {  	[tilespmem:s28+$0x1440] =	vst v0  }
0x26: {  	[tilespmem:s28+$0x1450] =	vst v0  }
0x27: {  	[tilespmem:s28+$0x1460] =	vst v0  }
0x28: {  	[spmem:s4] =	stream.linear.scatter [tilespmem:s24], [sflag:$0x1], $0x4000, $0x38;
	[tilespmem:$0x19000] =	vst v63  }
0x29: {  	_ =	swait.ge [sflag:s23], $0x4000  }
0x2a: {  	[sflag:s23] =	ssyncset.done $0x0  }
0x2b: {  	[sflag:s23] =	ssyncadd.s32 $0xFFFFC000  }
0x2c: {  	[spmem:s6] =	stream.linear.scatter [tilespmem:s24], [sflag:$0x1], $0x4000, $0x38;
	[tilespmem:$0x19000] =	vst v63  }
0x2d: {  	_ =	swait.ge [sflag:s23], $0x4000  }
0x2e: {  	[sflag:s23] =	ssyncset.done $0x0  }
0x2f: {  	[sflag:s23] =	ssyncadd.s32 $0xFFFFC000  }
0x30: {  	[spmem:s7] =	stream.linear.scatter [tilespmem:s24], [sflag:$0x1], $0x4000, $0x38;
	[tilespmem:$0x19000] =	vst v63  }
0x31: {  	_ =	swait.ge [sflag:s23], $0x4000  }
0x32: {  	[sflag:s23] =	ssyncset.done $0x0  }
0x33: {  	[sflag:s23] =	ssyncadd.s32 $0xFFFFC000  }
0x34: {  	[spmem:s8] =	stream.linear.scatter [tilespmem:s24], [sflag:$0x1], $0x4000, $0x38;
	[tilespmem:$0x19000] =	vst v63  }
0x35: {  	_ =	swait.ge [sflag:s23], $0x4000  }
0x36: {  	[sflag:s23] =	ssyncset.done $0x0  }
0x37: {  	[sflag:s23] =	ssyncadd.s32 $0xFFFFC000  }
0x38: {  	[spmem:s9] =	stream.linear.scatter [tilespmem:s24], [sflag:$0x1], $0x3C00, $0x38;
	[tilespmem:$0x19000] =	vst v63  }
0x39: {  	_ =	swait.ge [sflag:s23], $0x3C00  }
0x3a: {  	[sflag:s23] =	ssyncset.done $0x0  }
0x3b: {  	s28 =	simm.s32 $0x0;
	s29 =	simm.s32 $0x200;
	[sflag:s23] =	ssyncadd.s32 $0xFFFFC400  }
.LBB2_4:
0x3c: {  	p1 =	sne.s32 s29, $0xFE00;
	[tilespmem:s28+$0x1470] =	vst v1  }
0x3d: {  	[tilespmem:s28+$0x1400] =	vst v1  }
0x3e: {  	[tilespmem:s28+$0x1410] =	vst v1  }
.Ltmp1:
0x3f: {  	[tilespmem:s28+$0x1420] =	vst v1;
	(pc) =	sbr.rel @p1 .LBB2_4-.Ltmp1, $4  }
0x40: {  	[tilespmem:s28+$0x1430] =	vst v1  }
0x41: {  	[tilespmem:s28+$0x1440] =	vst v1  }
0x42: {  	[tilespmem:s28+$0x1450] =	vst v1  }
0x43: {  	[tilespmem:s28+$0x1460] =	vst v1;
	s28 =	sshra.s32 s29, $0x2;
	s29 =	sadd.s32 $0x200, s29  }
0x44: {  	[tilespmem:s28+$0x1470] =	vst v1  }
0x45: {  	[tilespmem:s28+$0x1400] =	vst v1  }
0x46: {  	[tilespmem:s28+$0x1410] =	vst v1  }
0x47: {  	[tilespmem:s28+$0x1420] =	vst v1  }
0x48: {  	[tilespmem:s28+$0x1430] =	vst v1  }
0x49: {  	[tilespmem:s28+$0x1440] =	vst v1  }
0x4a: {  	[tilespmem:s28+$0x1450] =	vst v1  }
0x4b: {  	[tilespmem:s28+$0x1460] =	vst v1  }
0x4c: {  	s28 =	simm.s32 $0x0;
	[bflag:$0x0] =	sbarrier.arrive $0xFFFF  }
0x4d: {  	[spmem:s2] =	stream.indirect.scatter.add.f32 [tilespmem:s24], [sflag:$0x1], $0x80, s28, s25, $0xb8;
	[tilespmem:$0x19000] =	vst v63  }
0x4e: {  	_ =	swait.ge [sflag:s23], $0x4000  }
0x4f: {  	s28 =	simm.s32 $0x200;
	[sflag:s23] =	ssyncset.done $0x0  }
.LBB2_6:
0x50: {  	s29 =	sshra.s32 s28, $0x2;
	[sflag:s23] =	ssyncadd.s32 $0xFFFFC000;
	p1 =	sne.s32 s28, $0x4E00  }
0x51: {  	[spmem:s2] =	stream.indirect.scatter.add.f32 [tilespmem:s24], [sflag:$0x1], $0x80, s29, s25, $0xb8;
	[tilespmem:$0x19000] =	vst v63  }
.Ltmp2:
0x52: {  	_ = 	snop;
	(pc) =	sbr.rel @p1 .LBB2_6-.Ltmp2, $4  }
0x53: {  	_ = 	snop  }
0x54: {  	s28 =	sadd.s32 $0x200, s28  }
0x55: {  	_ =	swait.ge [sflag:s23], $0x4000  }
0x56: {  	[sflag:s23] =	ssyncset.done $0x0  }
0x57: {  	[sflag:s23] =	ssyncadd.s32 $0xFFFFC000  }
0x58: {  	[bflag:$0x0] =	sbarrier.arrive $0xFFFF  }
0x59: {  	[tilespmem:s24], [sflag:$0x1] =	stream.linear.gather [spmem:s10], $0x4000, $0x38;
	[tilespmem:$0x19000] =	vst v63  }
0x5a: {  	_ =	swait.ge [sflag:s23], $0x4000  }
0x5b: {  	[sflag:s23] =	ssyncset.done $0x0  }
0x5c: {  	[sflag:s23] =	ssyncadd.s32 $0xFFFFC000  }
0x5d: {  	[hbm4b:s12+s3] =	stream.linear.scatter [tilespmem:s24], [sflag:$0x1], $0x4000, $0x38;
	[tilespmem:$0x19000] =	vst v63  }
0x5e: {  	_ =	swait.ge [sflag:s23], $0x4000  }
0x5f: {  	[sflag:s23] =	ssyncset.done $0x0  }
0x60: {  	[sflag:s23] =	ssyncadd.s32 $0xFFFFC000  }
0x61: {  	[tilespmem:s24], [sflag:$0x1] =	stream.linear.gather [spmem:s17], $0x4000, $0x38;
	[tilespmem:$0x19000] =	vst v63  }
0x62: {  	_ =	swait.ge [sflag:s23], $0x4000  }
0x63: {  	[sflag:s23] =	ssyncset.done $0x0  }
0x64: {  	[sflag:s23] =	ssyncadd.s32 $0xFFFFC000  }
0x65: {  	[hbm4b:s18+s3] =	stream.linear.scatter [tilespmem:s24], [sflag:$0x1], $0x4000, $0x38;
	[tilespmem:$0x19000] =	vst v63  }
0x66: {  	_ =	swait.ge [sflag:s23], $0x4000  }
0x67: {  	[sflag:s23] =	ssyncset.done $0x0  }
0x68: {  	[sflag:s23] =	ssyncadd.s32 $0xFFFFC000  }
0x69: {  	[tilespmem:s24], [sflag:$0x1] =	stream.linear.gather [spmem:s19], $0x4000, $0x38;
	[tilespmem:$0x19000] =	vst v63  }
0x6a: {  	_ =	swait.ge [sflag:s23], $0x4000  }
0x6b: {  	[sflag:s23] =	ssyncset.done $0x0  }
0x6c: {  	[sflag:s23] =	ssyncadd.s32 $0xFFFFC000  }
0x6d: {  	[hbm4b:s20+s3] =	stream.linear.scatter [tilespmem:s24], [sflag:$0x1], $0x4000, $0x38;
	[tilespmem:$0x19000] =	vst v63  }
0x6e: {  	_ =	swait.ge [sflag:s23], $0x4000  }
0x6f: {  	[sflag:s23] =	ssyncset.done $0x0  }
0x70: {  	[sflag:s23] =	ssyncadd.s32 $0xFFFFC000  }
0x71: {  	[tilespmem:s24], [sflag:$0x1] =	stream.linear.gather [spmem:s21], $0x4000, $0x38;
	[tilespmem:$0x19000] =	vst v63  }
0x72: {  	_ =	swait.ge [sflag:s23], $0x4000  }
0x73: {  	[sflag:s23] =	ssyncset.done $0x0  }
0x74: {  	[sflag:s23] =	ssyncadd.s32 $0xFFFFC000  }
0x75: {  	[hbm4b:s22+s3] =	stream.linear.scatter [tilespmem:s24], [sflag:$0x1], $0x4000, $0x38;
	[tilespmem:$0x19000] =	vst v63  }
0x76: {  	_ =	swait.ge [sflag:s23], $0x4000  }
0x77: {  	[sflag:s23] =	ssyncset.done $0x0  }
0x78: {  	[sflag:s23] =	ssyncadd.s32 $0xFFFFC000  }
0x79: {  	[tilespmem:s24], [sflag:$0x1] =	stream.linear.gather [spmem:s11], $0x3800, $0x38;
	[tilespmem:$0x19000] =	vst v63  }
0x7a: {  	_ =	swait.ge [sflag:s23], $0x3800  }
0x7b: {  	[sflag:s23] =	ssyncset.done $0x0  }
0x7c: {  	[sflag:s23] =	ssyncadd.s32 $0xFFFFC800  }
0x7d: {  	[hbm4b:s13+s3] =	stream.linear.scatter [tilespmem:s24], [sflag:$0x1], $0x3800, $0x38;
	[tilespmem:$0x19000] =	vst v63  }
0x7e: {  	_ =	swait.ge [sflag:s23], $0x3800  }
0x7f: {  	[sflag:s23] =	ssyncset.done $0x0  }
0x80: {  	s28 =	simm.s32 @!p0 $0x1400;
	s29 =	simm.s32 @!p0 $0x1;
	[sflag:s23] =	ssyncadd.s32 $0xFFFFC800  }
0x81: {  	[tilespmem:s28], [sflag:$0x1] =	stream.linear.gather @!p0 [spmem:s14], $0x800, $0x38;
	[tilespmem:$0x19000] =	vst v63  }
0x82: {  	s26 =	sadd.s32 $0x1, s26;
	_ =	swait.ge @!p0 [sflag:s29], $0x800  }
0x83: {  	p1 =	sne.s32 s26, s16;
	[sflag:s29] =	ssyncset.done @!p0 $0x0  }
.Ltmp3:
0x84: {  	s30 =	simm.s32 @!p0 $0x0;
	[sflag:s29] =	ssyncadd.s32 @!p0 $0xFFFFF800;
	(pc) =	sbr.rel @p1 .LBB2_1-.Ltmp3, $4  }
0x85: {  	[hbm4b:s15+s30] =	stream.linear.scatter @!p0 [tilespmem:s28], [sflag:$0x1], $0x800, $0x38;
	[tilespmem:$0x19000] =	vst v63  }
0x86: {  	_ =	swait.ge @!p0 [sflag:s29], $0x800  }
0x87: {  	[sflag:s29] =	ssyncset.done @!p0 $0x0  }
0x88: {  	[sflag:s29] =	ssyncadd.s32 @!p0 $0xFFFFF800  }
0x89: {  	_ =	sfence.sel $0x180000  }
0x8a: {  	[bflag:$0x0] =	sbarrier.arrive $0xFFFF  }
0x8b: {  	p0 =	sne.s32 s0, $0x0;
	_ =	strace $0x9000004A  }
0x8c: {  	s0 =	sadd.s32 @!p0 $0x100000, s1;
	[bflag:$0x2] =	sbarrier.arrive $0xFFFF  }
0x8d: {  	[sflag:s0] =	ssyncadd.tile.s32 @!p0 $0x1;
	_ =	shalt  }
.Lfunc_end2:
_tile_overlayer_lowered:
.L_overlay_start_2:
0x8e: {  	(tag) =	ssettag $0x2  }
0x8f: {  	s0 =	rddreg [dreg:$0x0];
	s2 =	stileid.u32  }
0x90: {  	s1 =	rddreg [dreg:$0x1];
	p0 =	sne.s32 s2, $0x0  }
0x91: {  	s3 =	rddreg [dreg:$0x2];
	[bflag:$0x3] =	sbarrier.arrive $0xFFFF;
	s2 =	simm.s32 @!p0 $0x1C01  }
0x92: {  	[timem:s3], [sflag:s2] =	dma.local @!p0 [hbm:s0], s1  }
0x93: {  	s0 =	simm.s32 @!p0 $0x1  }
0x94: {  	_ =	swait.ge @!p0 [sflag:s0], s1  }
0x95: {  	s1 =	ssub.s32 @!p0 $0x0, s1;
	[sflag:s0] =	ssyncset.done @!p0 $0x0  }
0x96: {  	[sflag:s0] =	ssyncadd.s32 @!p0 s1  }
0x97: {  	[bflag:$0x3] =	sbarrier.arrive $0xFFFF  }
0x98: {  	_ =	shalt  }

</sc_bundles>
